<compile_context>
chip_gen: v7x
topology: tpu7x:2x2x1
jax: 0.10.2.dev20260603
libtpu: 0.0.44.dev20260713+nightly
codegen_flags: <defaults>
</compile_context>

<pallas_src>
import dataclasses
import functools

import jax
import jax.numpy as jnp
from jax import lax
from jax.experimental import pallas as pl
from jax.experimental.pallas import tpu as pltpu
from jax.experimental.pallas import tpu_sc as plsc

NEG_SLOPE = 0.2
NC = 2
NS = 16
L = 16
K = 80



def _k1a(x, W, att_src, att_dst):
  n, d_in = x.shape
  d_out = W.shape[1]
  blk = 1000

  def body(x_ref, w_ref, asv_ref, adv_ref, h_ref, as_ref, ad_ref):
    hb = jnp.dot(x_ref[...], w_ref[...], preferred_element_type=jnp.float32)
    h_ref[...] = hb
    as_ref[...] = jnp.sum(hb * asv_ref[...], axis=1, keepdims=True)
    ad_ref[...] = jnp.sum(hb * adv_ref[...], axis=1, keepdims=True)

  return pl.pallas_call(
      body,
      grid=(n // blk,),
      in_specs=[
          pl.BlockSpec((blk, d_in), lambda i: (i, 0)),
          pl.BlockSpec((d_in, d_out), lambda i: (0, 0)),
          pl.BlockSpec((1, d_out), lambda i: (0, 0)),
          pl.BlockSpec((1, d_out), lambda i: (0, 0)),
      ],
      out_specs=[
          pl.BlockSpec((blk, d_out), lambda i: (i, 0)),
          pl.BlockSpec((blk, 1), lambda i: (i, 0)),
          pl.BlockSpec((blk, 1), lambda i: (i, 0)),
      ],
      out_shape=[
          jax.ShapeDtypeStruct((n, d_out), jnp.float32),
          jax.ShapeDtypeStruct((n, 1), jnp.float32),
          jax.ShapeDtypeStruct((n, 1), jnp.float32),
      ],
  )(x, W, att_src.reshape(1, -1), att_dst.reshape(1, -1))


def _k1b(edge_attr, W_edge, att_edge):
  e, d_edge = edge_attr.shape
  blk = 6400

  def body(ea_ref, we_ref, aev_ref, ae_ref, sum_ref):
    w_row = lax.dot_general(aev_ref[...], we_ref[...],
                            (((1,), (1,)), ((), ())),
                            preferred_element_type=jnp.float32)
    out = lax.dot_general(w_row, ea_ref[...],
                          (((1,), (1,)), ((), ())),
                          preferred_element_type=jnp.float32)
    off = pl.multiple_of(pl.program_id(0) * blk, 128)
    ae_ref[:, pl.ds(off, blk)] = out

    @pl.when(pl.program_id(0) == 0)
    def _():
      sum_ref[...] = jnp.zeros((1, 1), jnp.float32)

    sum_ref[...] += jnp.sum(out, keepdims=True)

  return pl.pallas_call(
      body,
      grid=(e // blk,),
      in_specs=[
          pl.BlockSpec((blk, d_edge), lambda i: (i, 0)),
          pl.BlockSpec(W_edge.shape, lambda i: (0, 0)),
          pl.BlockSpec((1, att_edge.shape[0]), lambda i: (0, 0)),
      ],
      out_specs=[
          pl.BlockSpec((1, e), lambda i: (0, 0)),
          pl.BlockSpec((1, 1), lambda i: (0, 0)),
      ],
      out_shape=[
          jax.ShapeDtypeStruct((1, e), jnp.float32),
          jax.ShapeDtypeStruct((1, 1), jnp.float32),
      ],
  )(edge_attr, W_edge, att_edge.reshape(1, -1))


def _sc_edges(h, src, dst, a_edge, a_src, a_dst, n_pad):
  n, d = h.shape
  e = src.shape[0]
  nw = NC * NS
  ew = e // nw
  nb = ew // K
  assert e == nw * ew and ew == nb * K and nb % 2 == 1
  rows_per_tile = n_pad // NS
  assert rows_per_tile % K == 0 and rows_per_tile % 8 == 0

  mesh = plsc.VectorSubcoreMesh(core_axis_name="c", subcore_axis_name="s")
  cp = pltpu.CompilerParams()
  if "needs_layout_passes" in pltpu.CompilerParams.__dataclass_fields__:
    cp = dataclasses.replace(cp, needs_layout_passes=False)

  @functools.partial(
      pl.kernel,
      out_type=[
          jax.ShapeDtypeStruct((NC, n_pad, d), jnp.float32),
          jax.ShapeDtypeStruct((NC, n_pad), jnp.float32),
      ],
      mesh=mesh,
      compiler_params=cp,
      scratch_types=(
          [pltpu.VMEM((K,), jnp.int32)] * 4 +
          [pltpu.VMEM((K,), jnp.int32)] * 2 +
          [pltpu.VMEM((K,), jnp.float32)] * 2 +
          [pltpu.VMEM((K,), jnp.float32)] * 2 +
          [pltpu.VMEM((n,), jnp.float32)] * 2 +
          [pltpu.VMEM((K, d), jnp.float32)] * 2 +
          [pltpu.VMEM((rows_per_tile,), jnp.float32)] +
          [pltpu.VMEM_SHARED((n_pad, d), jnp.float32),
           pltpu.VMEM_SHARED((n_pad,), jnp.float32)] +
          [pltpu.SemaphoreType.DMA] * 6
      ),
  )
  def sc_kernel(h_hbm, src_hbm, dst_hbm, ae_hbm, asrc_hbm, adst_hbm,
                out_hbm, den_hbm,
                src0, src1, dst0, dst1, sd0, sd1,
                ae0, ae1, s0, s1, asrc_v, adst_v,
                rows0, rows1, zden_v, acc_sh, den_sh,
                semi0, semi1, semg0, semg1, semsc0, semsc1):
    cid = lax.axis_index("c")
    sid = lax.axis_index("s")
    wid = cid * NS + sid

    srcs, dsts, sds = (src0, src1), (dst0, dst1), (sd0, sd1)
    aes, svs = (ae0, ae1), (s0, s1)
    rowss = (rows0, rows1)
    semi, semg, semsc = (semi0, semi1), (semg0, semg1), (semsc0, semsc1)

    zeros_v = jnp.zeros((L,), jnp.float32)
    @pl.loop(0, K)
    def _(r):
      for c in range(d // L):
        rows0.at[r][pl.ds(c * L, L)] = zeros_v

    @pl.loop(0, rows_per_tile, step=L)
    def _(i):
      zden_v[pl.ds(i, L)] = zeros_v

    @pl.loop(0, rows_per_tile // K)
    def _(u):
      pltpu.sync_copy(
          rows0, acc_sh.at[pl.ds(sid * rows_per_tile + u * K, K)])

    pltpu.sync_copy(
        zden_v, den_sh.at[pl.ds(sid * rows_per_tile, rows_per_tile)])

    pltpu.sync_copy(asrc_hbm, asrc_v)
    pltpu.sync_copy(adst_hbm, adst_v)

    plsc.subcore_barrier()

    base_w = wid * ew

    def start_idx(b, p):
      base = base_w + b * K
      pltpu.async_copy(src_hbm.at[pl.ds(base, K)], srcs[p], semi[p])
      pltpu.async_copy(dst_hbm.at[pl.ds(base, K)], dsts[p], semi[p])

    def wait_idx(p):
      pltpu.make_async_copy(src_hbm.at[pl.ds(0, K)], srcs[p], semi[p]).wait()
      pltpu.make_async_copy(dst_hbm.at[pl.ds(0, K)], dsts[p], semi[p]).wait()

    def start_gathers(b, p):
      base = base_w + b * K
      pltpu.async_copy(ae_hbm.at[pl.ds(base, K)], aes[p], semg[p])
      pltpu.async_copy(dst_hbm.at[pl.ds(base, K)], sds[p], semg[p])
      pltpu.async_copy(h_hbm.at[srcs[p]], rowss[p], semg[p])

    def wait_gathers(p):
      pltpu.make_async_copy(ae_hbm.at[pl.ds(0, K)], aes[p], semg[p]).wait()
      pltpu.make_async_copy(dst_hbm.at[pl.ds(0, K)], sds[p], semg[p]).wait()
      pltpu.make_async_copy(h_hbm.at[srcs[p]], rowss[p], semg[p]).wait()

    def compute(p):
      for j in range(0, K, L):
        si = srcs[p][pl.ds(j, L)]
        di = dsts[p][pl.ds(j, L)]
        a_s = plsc.load_gather(asrc_v, [si])
        a_d = plsc.load_gather(adst_v, [di])
        al = a_s + a_d + aes[p][pl.ds(j, L)]
        al = jnp.maximum(al, al * NEG_SLOPE)
        svs[p][pl.ds(j, L)] = jnp.exp(al)

      @pl.loop(0, K, step=4)
      def _(r0):
        for u in range(4):
          r = r0 + u
          ridx = jnp.zeros((L,), jnp.int32) + r
          ssplat = plsc.load_gather(svs[p], [ridx])
          row = rowss[p].at[r]
          for c in range(d // L):
            sl = pl.ds(c * L, L)
            row[sl] = row[sl] * ssplat

    def start_scatter(p):
      pltpu.async_copy(rowss[p], acc_sh.at[sds[p]], semsc[p], add=True)
      pltpu.async_copy(svs[p], den_sh.at[sds[p]], semsc[p], add=True)

    def wait_scatter(p):
      pltpu.make_async_copy(rowss[p], acc_sh.at[sds[p]], semsc[p]).wait()
      pltpu.make_async_copy(svs[p], den_sh.at[sds[p]], semsc[p]).wait()

    start_idx(0, 0)
    start_idx(1, 1)
    wait_idx(0)
    start_gathers(0, 0)

    @pl.loop(0, (nb - 1) // 2)
    def _(g):
      for p in (0, 1):
        b = 2 * g + p
        q = 1 - p
        wait_gathers(p)
        wait_idx(q)

        @pl.when(b >= 1)
        def _():
          wait_scatter(q)

        start_gathers(b + 1, q)
        compute(p)

        @pl.when(b + 2 < nb)
        def _():
          start_idx(b + 2, p)

        start_scatter(p)

    wait_gathers(0)
    compute(0)
    start_scatter(0)
    wait_scatter(1)
    wait_scatter(0)

    plsc.subcore_barrier()

    stripe = pl.ds(sid * rows_per_tile, rows_per_tile)
    pltpu.sync_copy(acc_sh.at[stripe], out_hbm.at[cid].at[stripe])

    @pl.when(sid == 0)
    def _():
      pltpu.sync_copy(den_sh, den_hbm.at[cid])

  return sc_kernel(h, src, dst, a_edge, a_src, a_dst)


def _k2(out_p, h, a_src, a_dst, den_t, ae_sum, e_total):
  n, d = h.shape
  blk = 1000

  def body(p0_ref, p1_ref, h_ref, as_ref, ad_ref, dt_ref, sum_ref, o_ref):
    ae_mean = sum_ref[...] * (1.0 / e_total)
    v = as_ref[...] + ad_ref[...] + ae_mean
    v = jnp.maximum(v, v * NEG_SLOPE)
    s_self = jnp.exp(v)
    den = jnp.sum(dt_ref[...], axis=1, keepdims=True) + s_self
    numer = p0_ref[0] + p1_ref[0] + s_self * h_ref[...]
    o_ref[...] = numer / (den + 1e-16)

  return pl.pallas_call(
      body,
      grid=(n // blk,),
      in_specs=[
          pl.BlockSpec((1, blk, d), lambda i: (0, i, 0)),
          pl.BlockSpec((1, blk, d), lambda i: (1, i, 0)),
          pl.BlockSpec((blk, d), lambda i: (i, 0)),
          pl.BlockSpec((blk, 1), lambda i: (i, 0)),
          pl.BlockSpec((blk, 1), lambda i: (i, 0)),
          pl.BlockSpec((blk, NC), lambda i: (i, 0)),
          pl.BlockSpec((1, 1), lambda i: (0, 0)),
      ],
      out_specs=pl.BlockSpec((blk, d), lambda i: (i, 0)),
      out_shape=jax.ShapeDtypeStruct((n, d), jnp.float32),
  )(out_p, out_p, h, a_src, a_dst, den_t, ae_sum)


def kernel(x, edge_index, edge_attr, W, att_src, att_dst, W_edge, att_edge):
  e = edge_attr.shape[0]
  h, a_src2, a_dst2 = _k1a(x, W, att_src, att_dst)
  ae_row, ae_sum = _k1b(edge_attr, W_edge, att_edge)
  src = edge_index[0]
  dst = edge_index[1]
  n = h.shape[0]
  n_pad = 10240 if n == 10000 else ((n + 8 * NS - 1) // (8 * NS)) * 8 * NS
  out_p, den_p = _sc_edges(h, src, dst, ae_row.reshape(-1),
                           a_src2.reshape(-1), a_dst2.reshape(-1), n_pad)
  return _k2(out_p, h, a_src2, a_dst2, den_p.T, ae_sum, e)

# --- scband reference (transcript-rebuilt; emitter-appended) ---
"""Pipeline reference for scband-gatconv-32487132627454 (READ-ONLY COPY).

The authoritative reference and input builder live on the scoring server;
editing this copy changes nothing except your own understanding.
"""

import jax, jax.numpy as jnp
import numpy as np

N = 10000
E = 320000
D_IN = 128
D_OUT = 128
D_EDGE = 11
NEG_SLOPE = 0.2


def setup_inputs(seed: int = 0) -> dict:
    key = jax.random.key(seed)
    ks = jax.random.split(key, 8)
    x = jax.random.normal(ks[0], (N, D_IN), dtype=jnp.float32)
    edge_index = jax.random.randint(ks[1], (2, E), 0, N, dtype=jnp.int32)
    edge_attr = jax.random.normal(ks[2], (E, D_EDGE), dtype=jnp.float32)
    W = jax.random.normal(ks[3], (D_IN, D_OUT), dtype=jnp.float32) * 0.1
    att_src = jax.random.normal(ks[4], (D_OUT,), dtype=jnp.float32) * 0.1
    att_dst = jax.random.normal(ks[5], (D_OUT,), dtype=jnp.float32) * 0.1
    W_edge = jax.random.normal(ks[6], (D_EDGE, D_OUT), dtype=jnp.float32) * 0.1
    att_edge = jax.random.normal(ks[7], (D_OUT,), dtype=jnp.float32) * 0.1
    return {"x": x, "edge_index": edge_index, "edge_attr": edge_attr,
            "W": W, "att_src": att_src, "att_dst": att_dst,
            "W_edge": W_edge, "att_edge": att_edge}


def reference(x, edge_index, edge_attr, W, att_src, att_dst, W_edge, att_edge):
    n = x.shape[0]
    # PyG GATConv default add_self_loops=True; self-loop edge_attr filled with mean
    loop = jnp.arange(n, dtype=edge_index.dtype)
    src = jnp.concatenate([edge_index[0], loop])
    dst = jnp.concatenate([edge_index[1], loop])
    mean_attr = jnp.mean(edge_attr, axis=0, keepdims=True)
    ea = jnp.concatenate([edge_attr, jnp.broadcast_to(mean_attr, (n, edge_attr.shape[1]))], axis=0)
    # shared linear transform (heads=1, bias=False)
    h = x @ W  # [N, D_OUT]
    a_src = (h * att_src).sum(axis=-1)  # [N]
    a_dst = (h * att_dst).sum(axis=-1)  # [N]
    he = ea @ W_edge  # [E+N, D_OUT]
    a_edge = (he * att_edge).sum(axis=-1)  # [E+N]
    alpha = a_src[src] + a_dst[dst] + a_edge
    alpha = jax.nn.leaky_relu(alpha, NEG_SLOPE)
    # softmax over incoming edges grouped by dst node
    amax = jax.ops.segment_max(alpha, dst, num_segments=n)
    alpha = jnp.exp(alpha - amax[dst])
    denom = jax.ops.segment_sum(alpha, dst, num_segments=n)
    alpha = alpha / (denom[dst] + 1e-16)
    # message = alpha * h_src, aggregate by sum into dst
    out = jax.ops.segment_sum(alpha[:, None] * h[src], dst, num_segments=n)
    return out

if __name__ == "__main__":
    import jax
    _d = setup_inputs()
    print(jax.jit(kernel)(*tuple(_d.values())))

</pallas_src>

<mosaic_0001>
#map = affine_map<(d0, d1) -> (0, 0)>
#map1 = affine_map<(d0, d1) -> (0)>
#map2 = affine_map<(d0, d1) -> (0, 0, 0)>
module attributes {stable_mosaic.version = 14 : i64} {
  func.func @sc_kernel(%arg0: i32, %arg1: i32, %arg2: memref<10000x128xf32, #tpu.memory_space<hbm>>, %arg3: memref<320000xi32, #tpu.memory_space<hbm>>, %arg4: memref<320000xi32, #tpu.memory_space<hbm>>, %arg5: memref<320000xf32, #tpu.memory_space<hbm>>, %arg6: memref<10000xf32, #tpu.memory_space<hbm>>, %arg7: memref<10000xf32, #tpu.memory_space<hbm>>, %arg8: memref<2x10240x128xf32, #tpu.memory_space<hbm>>, %arg9: memref<2x10240xf32, #tpu.memory_space<hbm>>, %arg10: memref<80xi32, #tpu.memory_space<vmem>>, %arg11: memref<80xi32, #tpu.memory_space<vmem>>, %arg12: memref<80xi32, #tpu.memory_space<vmem>>, %arg13: memref<80xi32, #tpu.memory_space<vmem>>, %arg14: memref<80xi32, #tpu.memory_space<vmem>>, %arg15: memref<80xi32, #tpu.memory_space<vmem>>, %arg16: memref<80xf32, #tpu.memory_space<vmem>>, %arg17: memref<80xf32, #tpu.memory_space<vmem>>, %arg18: memref<80xf32, #tpu.memory_space<vmem>>, %arg19: memref<80xf32, #tpu.memory_space<vmem>>, %arg20: memref<10000xf32, #tpu.memory_space<vmem>>, %arg21: memref<10000xf32, #tpu.memory_space<vmem>>, %arg22: memref<80x128xf32, #tpu.memory_space<vmem>>, %arg23: memref<80x128xf32, #tpu.memory_space<vmem>>, %arg24: memref<640xf32, #tpu.memory_space<vmem>>, %arg25: memref<10240x128xf32, #tpu.memory_space<vmem_shared>>, %arg26: memref<10240xf32, #tpu.memory_space<vmem_shared>>, %arg27: memref<!tpu.dma_semaphore, #tpu.memory_space<semaphore_mem>>, %arg28: memref<!tpu.dma_semaphore, #tpu.memory_space<semaphore_mem>>, %arg29: memref<!tpu.dma_semaphore, #tpu.memory_space<semaphore_mem>>, %arg30: memref<!tpu.dma_semaphore, #tpu.memory_space<semaphore_mem>>, %arg31: memref<!tpu.dma_semaphore, #tpu.memory_space<semaphore_mem>>, %arg32: memref<!tpu.dma_semaphore, #tpu.memory_space<semaphore_mem>>) attributes {dimension_semantics = [#tpu.dimension_semantics<core_parallel>, #tpu.dimension_semantics<subcore_parallel>], iteration_bounds = array<i64: 2, 16>, scalar_prefetch = 0 : i64, scratch_operands = 23 : i64, tpu.core_type = #tpu.core_type<sc_vector_subcore>, window_params = [{transform_indices = #map}, {transform_indices = #map1}, {transform_indices = #map1}, {transform_indices = #map1}, {transform_indices = #map1}, {transform_indices = #map1}, {transform_indices = #map2}, {transform_indices = #map}]} {
    %mul3A = arith.constant 16 : i32
    %mul3A_0 = arith.muli %arg0, %mul3A : i32
    %add3A = arith.addi %mul3A_0, %arg1 : i32
    %broadcast_in_dim3A = arith.constant 0.000000e+00 : f32
    %broadcast_in_dim3A_1 = vector.broadcast %broadcast_in_dim3A : f32 to vector<16xf32>
    %scan3A = arith.constant 0 : i32
    %scan3A_2 = arith.constant 80 : i32
    %scan3A_3 = arith.addi %scan3A, %scan3A_2 : i32
    %scan3A_4 = arith.constant 1 : i32
    scf.for %scan3A_168 = %scan3A to %scan3A_3 step %scan3A_4  : i32 {
      %mul3A_169 = arith.constant 1 : i32
      %mul3A_170 = arith.muli %scan3A_168, %mul3A_169 : i32
      %add3A_171 = arith.constant 0 : i32
      %add3A_172 = arith.addi %add3A_171, %mul3A_170 : i32
      %swap3A_173 = arith.constant 0 : i32
      %swap3A_174 = tpu.memref_slice %arg22[%add3A_172, %swap3A_173] : memref<80x128xf32, #tpu.memory_space<vmem>> -> memref<1x128xf32, #tpu.memory_space<vmem>>
      %swap3A_175 = tpu.memref_squeeze %swap3A_174 : memref<1x128xf32, #tpu.memory_space<vmem>> -> memref<128xf32, #tpu.memory_space<vmem>>
      %swap3A_176 = arith.constant 0 : index
      %swap3A_177 = tpu.vector_load %swap3A_175[%swap3A_176] {strides = array<i32>} : memref<128xf32, #tpu.memory_space<vmem>>, vector<16xf32>,
      tpu.vector_store %swap3A_175[%swap3A_176], %broadcast_in_dim3A_1 {strides = array<i32>} : memref<128xf32, #tpu.memory_space<vmem>>, vector<16xf32>,
      %swap3A_178 = arith.constant 0 : i32
      %swap3A_179 = tpu.memref_slice %arg22[%add3A_172, %swap3A_178] : memref<80x128xf32, #tpu.memory_space<vmem>> -> memref<1x128xf32, #tpu.memory_space<vmem>>
      %swap3A_180 = tpu.memref_squeeze %swap3A_179 : memref<1x128xf32, #tpu.memory_space<vmem>> -> memref<128xf32, #tpu.memory_space<vmem>>
      %swap3A_181 = arith.constant 16 : index
      %swap3A_182 = tpu.vector_load %swap3A_180[%swap3A_181] {strides = array<i32>} : memref<128xf32, #tpu.memory_space<vmem>>, vector<16xf32>,
      tpu.vector_store %swap3A_180[%swap3A_181], %broadcast_in_dim3A_1 {strides = array<i32>} : memref<128xf32, #tpu.memory_space<vmem>>, vector<16xf32>,
      %swap3A_183 = arith.constant 0 : i32
      %swap3A_184 = tpu.memref_slice %arg22[%add3A_172, %swap3A_183] : memref<80x128xf32, #tpu.memory_space<vmem>> -> memref<1x128xf32, #tpu.memory_space<vmem>>
      %swap3A_185 = tpu.memref_squeeze %swap3A_184 : memref<1x128xf32, #tpu.memory_space<vmem>> -> memref<128xf32, #tpu.memory_space<vmem>>
      %swap3A_186 = arith.constant 32 : index
      %swap3A_187 = tpu.vector_load %swap3A_185[%swap3A_186] {strides = array<i32>} : memref<128xf32, #tpu.memory_space<vmem>>, vector<16xf32>,
      tpu.vector_store %swap3A_185[%swap3A_186], %broadcast_in_dim3A_1 {strides = array<i32>} : memref<128xf32, #tpu.memory_space<vmem>>, vector<16xf32>,
      %swap3A_188 = arith.constant 0 : i32
      %swap3A_189 = tpu.memref_slice %arg22[%add3A_172, %swap3A_188] : memref<80x128xf32, #tpu.memory_space<vmem>> -> memref<1x128xf32, #tpu.memory_space<vmem>>
      %swap3A_190 = tpu.memref_squeeze %swap3A_189 : memref<1x128xf32, #tpu.memory_space<vmem>> -> memref<128xf32, #tpu.memory_space<vmem>>
      %swap3A_191 = arith.constant 48 : index
      %swap3A_192 = tpu.vector_load %swap3A_190[%swap3A_191] {strides = array<i32>} : memref<128xf32, #tpu.memory_space<vmem>>, vector<16xf32>,
      tpu.vector_store %swap3A_190[%swap3A_191], %broadcast_in_dim3A_1 {strides = array<i32>} : memref<128xf32, #tpu.memory_space<vmem>>, vector<16xf32>,
      %swap3A_193 = arith.constant 0 : i32
      %swap3A_194 = tpu.memref_slice %arg22[%add3A_172, %swap3A_193] : memref<80x128xf32, #tpu.memory_space<vmem>> -> memref<1x128xf32, #tpu.memory_space<vmem>>
      %swap3A_195 = tpu.memref_squeeze %swap3A_194 : memref<1x128xf32, #tpu.memory_space<vmem>> -> memref<128xf32, #tpu.memory_space<vmem>>
      %swap3A_196 = arith.constant 64 : index
      %swap3A_197 = tpu.vector_load %swap3A_195[%swap3A_196] {strides = array<i32>} : memref<128xf32, #tpu.memory_space<vmem>>, vector<16xf32>,
      tpu.vector_store %swap3A_195[%swap3A_196], %broadcast_in_dim3A_1 {strides = array<i32>} : memref<128xf32, #tpu.memory_space<vmem>>, vector<16xf32>,
      %swap3A_198 = arith.constant 0 : i32
      %swap3A_199 = tpu.memref_slice %arg22[%add3A_172, %swap3A_198] : memref<80x128xf32, #tpu.memory_space<vmem>> -> memref<1x128xf32, #tpu.memory_space<vmem>>
      %swap3A_200 = tpu.memref_squeeze %swap3A_199 : memref<1x128xf32, #tpu.memory_space<vmem>> -> memref<128xf32, #tpu.memory_space<vmem>>
      %swap3A_201 = arith.constant 80 : index
      %swap3A_202 = tpu.vector_load %swap3A_200[%swap3A_201] {strides = array<i32>} : memref<128xf32, #tpu.memory_space<vmem>>, vector<16xf32>,
      tpu.vector_store %swap3A_200[%swap3A_201], %broadcast_in_dim3A_1 {strides = array<i32>} : memref<128xf32, #tpu.memory_space<vmem>>, vector<16xf32>,
      %swap3A_203 = arith.constant 0 : i32
      %swap3A_204 = tpu.memref_slice %arg22[%add3A_172, %swap3A_203] : memref<80x128xf32, #tpu.memory_space<vmem>> -> memref<1x128xf32, #tpu.memory_space<vmem>>
      %swap3A_205 = tpu.memref_squeeze %swap3A_204 : memref<1x128xf32, #tpu.memory_space<vmem>> -> memref<128xf32, #tpu.memory_space<vmem>>
      %swap3A_206 = arith.constant 96 : index
      %swap3A_207 = tpu.vector_load %swap3A_205[%swap3A_206] {strides = array<i32>} : memref<128xf32, #tpu.memory_space<vmem>>, vector<16xf32>,
      tpu.vector_store %swap3A_205[%swap3A_206], %broadcast_in_dim3A_1 {strides = array<i32>} : memref<128xf32, #tpu.memory_space<vmem>>, vector<16xf32>,
      %swap3A_208 = arith.constant 0 : i32
      %swap3A_209 = tpu.memref_slice %arg22[%add3A_172, %swap3A_208] : memref<80x128xf32, #tpu.memory_space<vmem>> -> memref<1x128xf32, #tpu.memory_space<vmem>>
      %swap3A_210 = tpu.memref_squeeze %swap3A_209 : memref<1x128xf32, #tpu.memory_space<vmem>> -> memref<128xf32, #tpu.memory_space<vmem>>
      %swap3A_211 = arith.constant 112 : index
      %swap3A_212 = tpu.vector_load %swap3A_210[%swap3A_211] {strides = array<i32>} : memref<128xf32, #tpu.memory_space<vmem>>, vector<16xf32>,
      tpu.vector_store %swap3A_210[%swap3A_211], %broadcast_in_dim3A_1 {strides = array<i32>} : memref<128xf32, #tpu.memory_space<vmem>>, vector<16xf32>,
    }
    %scan3A_5 = arith.constant 80 : i32
    %scan3A_6 = arith.constant 0 : i32
    %scan3A_7 = arith.constant 40 : i32
    %scan3A_8 = arith.addi %scan3A_6, %scan3A_7 : i32
    %scan3A_9 = arith.constant 1 : i32
    scf.for %scan3A_168 = %scan3A_6 to %scan3A_8 step %scan3A_9  : i32 {
      %mul3A_169 = arith.constant 16 : i32
      %mul3A_170 = arith.muli %scan3A_168, %mul3A_169 : i32
      %add3A_171 = arith.constant 0 : i32
      %add3A_172 = arith.addi %add3A_171, %mul3A_170 : i32
      %swap3A_173 = arith.index_cast %add3A_172 : i32 to index
      %swap3A_174 = tpu.vector_load %arg24[%swap3A_173] {strides = array<i32>} : memref<640xf32, #tpu.memory_space<vmem>>, vector<16xf32>,
      tpu.vector_store %arg24[%swap3A_173], %broadcast_in_dim3A_1 {strides = array<i32>} : memref<640xf32, #tpu.memory_space<vmem>>, vector<16xf32>,
    }
    %scan3A_10 = arith.constant 40 : i32
    %scan3A_11 = arith.constant 0 : i32
    %scan3A_12 = arith.constant 8 : i32
    %scan3A_13 = arith.addi %scan3A_11, %scan3A_12 : i32
    %scan3A_14 = arith.constant 1 : i32
    scf.for %scan3A_168 = %scan3A_11 to %scan3A_13 step %scan3A_14  : i32 {
      %mul3A_169 = arith.constant 1 : i32
      %mul3A_170 = arith.muli %scan3A_168, %mul3A_169 : i32
      %add3A_171 = arith.constant 0 : i32
      %add3A_172 = arith.addi %add3A_171, %mul3A_170 : i32
      %mul3A_173 = arith.constant 640 : i32
      %mul3A_174 = arith.muli %arg1, %mul3A_173 : i32
      %mul3A_175 = arith.constant 80 : i32
      %mul3A_176 = arith.muli %add3A_172, %mul3A_175 : i32
      %add3A_177 = arith.addi %mul3A_174, %mul3A_176 : i32
      "tpu.region"() ({
        %run_scoped3A = tpu.sem_alloc : memref<!tpu.dma_semaphore, #tpu.memory_space<semaphore_mem>>
        %dma_start3A_178 = arith.constant 0 : i32
        %dma_start3A_179 = tpu.memref_slice %arg25[%add3A_177, %dma_start3A_178] : memref<10240x128xf32, #tpu.memory_space<vmem_shared>> -> memref<80x128xf32, #tpu.memory_space<vmem_shared>>
        %dma_start3A_180 = arith.constant 0 : i32
        %dma_start3A_181 = tpu.memref_slice %arg25[%add3A_177, %dma_start3A_180] : memref<10240x128xf32, #tpu.memory_space<vmem_shared>> -> memref<80x128xf32, #tpu.memory_space<vmem_shared>>
        tpu.enqueue_dma source(%arg22 : memref<80x128xf32, #tpu.memory_space<vmem>>) target(%dma_start3A_181 : memref<80x128xf32, #tpu.memory_space<vmem_shared>>) target_semaphore(%run_scoped3A : memref<!tpu.dma_semaphore, #tpu.memory_space<semaphore_mem>>)
        %dma_wait3A_182 = arith.constant 0 : i32
        %dma_wait3A_183 = tpu.memref_slice %arg25[%add3A_177, %dma_wait3A_182] : memref<10240x128xf32, #tpu.memory_space<vmem_shared>> -> memref<80x128xf32, #tpu.memory_space<vmem_shared>>
        %dma_wait3A_184 = arith.constant 0 : i32
        %dma_wait3A_185 = tpu.memref_slice %arg25[%add3A_177, %dma_wait3A_184] : memref<10240x128xf32, #tpu.memory_space<vmem_shared>> -> memref<80x128xf32, #tpu.memory_space<vmem_shared>>
        tpu.wait_dma2 semaphore(%run_scoped3A : memref<!tpu.dma_semaphore, #tpu.memory_space<semaphore_mem>>) src(%arg22 : memref<80x128xf32, #tpu.memory_space<vmem>>) dst(%dma_wait3A_185 : memref<80x128xf32, #tpu.memory_space<vmem_shared>>)
        tpu.yield
      }) : () -> ()
    }
    %scan3A_15 = arith.constant 8 : i32
    %mul3A_16 = arith.constant 640 : i32
    %mul3A_17 = arith.muli %arg1, %mul3A_16 : i32
    "tpu.region"() ({
      %run_scoped3A = tpu.sem_alloc : memref<!tpu.dma_semaphore, #tpu.memory_space<semaphore_mem>>
      %dma_start3A_168 = tpu.memref_slice %arg26[%mul3A_17] : memref<10240xf32, #tpu.memory_space<vmem_shared>> -> memref<640xf32, #tpu.memory_space<vmem_shared>>
      %dma_start3A_169 = tpu.memref_slice %arg26[%mul3A_17] : memref<10240xf32, #tpu.memory_space<vmem_shared>> -> memref<640xf32, #tpu.memory_space<vmem_shared>>
      tpu.enqueue_dma source(%arg24 : memref<640xf32, #tpu.memory_space<vmem>>) target(%dma_start3A_169 : memref<640xf32, #tpu.memory_space<vmem_shared>>) target_semaphore(%run_scoped3A : memref<!tpu.dma_semaphore, #tpu.memory_space<semaphore_mem>>)
      %dma_wait3A_170 = tpu.memref_slice %arg26[%mul3A_17] : memref<10240xf32, #tpu.memory_space<vmem_shared>> -> memref<640xf32, #tpu.memory_space<vmem_shared>>
      %dma_wait3A_171 = tpu.memref_slice %arg26[%mul3A_17] : memref<10240xf32, #tpu.memory_space<vmem_shared>> -> memref<640xf32, #tpu.memory_space<vmem_shared>>
      tpu.wait_dma2 semaphore(%run_scoped3A : memref<!tpu.dma_semaphore, #tpu.memory_space<semaphore_mem>>) src(%arg24 : memref<640xf32, #tpu.memory_space<vmem>>) dst(%dma_wait3A_171 : memref<640xf32, #tpu.memory_space<vmem_shared>>)
      tpu.yield
    }) : () -> ()
    "tpu.region"() ({
      %run_scoped3A = tpu.sem_alloc : memref<!tpu.dma_semaphore, #tpu.memory_space<semaphore_mem>>
      tpu.enqueue_dma source(%arg6 : memref<10000xf32, #tpu.memory_space<hbm>>) target(%arg20 : memref<10000xf32, #tpu.memory_space<vmem>>) target_semaphore(%run_scoped3A : memref<!tpu.dma_semaphore, #tpu.memory_space<semaphore_mem>>)
      tpu.wait_dma2 semaphore(%run_scoped3A : memref<!tpu.dma_semaphore, #tpu.memory_space<semaphore_mem>>) src(%arg6 : memref<10000xf32, #tpu.memory_space<hbm>>) dst(%arg20 : memref<10000xf32, #tpu.memory_space<vmem>>)
      tpu.yield
    }) : () -> ()
    "tpu.region"() ({
      %run_scoped3A = tpu.sem_alloc : memref<!tpu.dma_semaphore, #tpu.memory_space<semaphore_mem>>
      tpu.enqueue_dma source(%arg7 : memref<10000xf32, #tpu.memory_space<hbm>>) target(%arg21 : memref<10000xf32, #tpu.memory_space<vmem>>) target_semaphore(%run_scoped3A : memref<!tpu.dma_semaphore, #tpu.memory_space<semaphore_mem>>)
      tpu.wait_dma2 semaphore(%run_scoped3A : memref<!tpu.dma_semaphore, #tpu.memory_space<semaphore_mem>>) src(%arg7 : memref<10000xf32, #tpu.memory_space<hbm>>) dst(%arg21 : memref<10000xf32, #tpu.memory_space<vmem>>)
      tpu.yield
    }) : () -> ()
    %barrier3A = arith.constant 0 : index
    tpu.barrier barrier_id(%barrier3A)
    %mul3A_18 = arith.constant 10000 : i32
    %mul3A_19 = arith.muli %add3A, %mul3A_18 : i32
    %add3A_20 = arith.constant 0 : i32
    %add3A_21 = arith.addi %mul3A_19, %add3A_20 : i32
    %dma_start3A = tpu.memref_slice %arg3[%add3A_21] : memref<320000xi32, #tpu.memory_space<hbm>> -> memref<80xi32, #tpu.memory_space<hbm>>
    %dma_start3A_22 = tpu.memref_slice %arg3[%add3A_21] : memref<320000xi32, #tpu.memory_space<hbm>> -> memref<80xi32, #tpu.memory_space<hbm>>
    tpu.enqueue_dma source(%dma_start3A_22 : memref<80xi32, #tpu.memory_space<hbm>>) target(%arg10 : memref<80xi32, #tpu.memory_space<vmem>>) target_semaphore(%arg27 : memref<!tpu.dma_semaphore, #tpu.memory_space<semaphore_mem>>)
    %dma_start3A_23 = tpu.memref_slice %arg4[%add3A_21] : memref<320000xi32, #tpu.memory_space<hbm>> -> memref<80xi32, #tpu.memory_space<hbm>>
    %dma_start3A_24 = tpu.memref_slice %arg4[%add3A_21] : memref<320000xi32, #tpu.memory_space<hbm>> -> memref<80xi32, #tpu.memory_space<hbm>>
    tpu.enqueue_dma source(%dma_start3A_24 : memref<80xi32, #tpu.memory_space<hbm>>) target(%arg12 : memref<80xi32, #tpu.memory_space<vmem>>) target_semaphore(%arg27 : memref<!tpu.dma_semaphore, #tpu.memory_space<semaphore_mem>>)
    %add3A_25 = arith.constant 80 : i32
    %add3A_26 = arith.addi %mul3A_19, %add3A_25 : i32
    %dma_start3A_27 = tpu.memref_slice %arg3[%add3A_26] : memref<320000xi32, #tpu.memory_space<hbm>> -> memref<80xi32, #tpu.memory_space<hbm>>
    %dma_start3A_28 = tpu.memref_slice %arg3[%add3A_26] : memref<320000xi32, #tpu.memory_space<hbm>> -> memref<80xi32, #tpu.memory_space<hbm>>
    tpu.enqueue_dma source(%dma_start3A_28 : memref<80xi32, #tpu.memory_space<hbm>>) target(%arg11 : memref<80xi32, #tpu.memory_space<vmem>>) target_semaphore(%arg28 : memref<!tpu.dma_semaphore, #tpu.memory_space<semaphore_mem>>)
    %dma_start3A_29 = tpu.memref_slice %arg4[%add3A_26] : memref<320000xi32, #tpu.memory_space<hbm>> -> memref<80xi32, #tpu.memory_space<hbm>>
    %dma_start3A_30 = tpu.memref_slice %arg4[%add3A_26] : memref<320000xi32, #tpu.memory_space<hbm>> -> memref<80xi32, #tpu.memory_space<hbm>>
    tpu.enqueue_dma source(%dma_start3A_30 : memref<80xi32, #tpu.memory_space<hbm>>) target(%arg13 : memref<80xi32, #tpu.memory_space<vmem>>) target_semaphore(%arg28 : memref<!tpu.dma_semaphore, #tpu.memory_space<semaphore_mem>>)
    %dma_wait3A = arith.constant 0 : i32
    %dma_wait3A_31 = tpu.memref_slice %arg3[%dma_wait3A] : memref<320000xi32, #tpu.memory_space<hbm>> -> memref<80xi32, #tpu.memory_space<hbm>>
    %dma_wait3A_32 = arith.constant 0 : i32
    %dma_wait3A_33 = tpu.memref_slice %arg3[%dma_wait3A_32] : memref<320000xi32, #tpu.memory_space<hbm>> -> memref<80xi32, #tpu.memory_space<hbm>>
    tpu.wait_dma2 semaphore(%arg27 : memref<!tpu.dma_semaphore, #tpu.memory_space<semaphore_mem>>) src(%dma_wait3A_33 : memref<80xi32, #tpu.memory_space<hbm>>) dst(%arg10 : memref<80xi32, #tpu.memory_space<vmem>>)
    %dma_wait3A_34 = arith.constant 0 : i32
    %dma_wait3A_35 = tpu.memref_slice %arg4[%dma_wait3A_34] : memref<320000xi32, #tpu.memory_space<hbm>> -> memref<80xi32, #tpu.memory_space<hbm>>
    %dma_wait3A_36 = arith.constant 0 : i32
    %dma_wait3A_37 = tpu.memref_slice %arg4[%dma_wait3A_36] : memref<320000xi32, #tpu.memory_space<hbm>> -> memref<80xi32, #tpu.memory_space<hbm>>
    tpu.wait_dma2 semaphore(%arg27 : memref<!tpu.dma_semaphore, #tpu.memory_space<semaphore_mem>>) src(%dma_wait3A_37 : memref<80xi32, #tpu.memory_space<hbm>>) dst(%arg12 : memref<80xi32, #tpu.memory_space<vmem>>)
    %add3A_38 = arith.constant 0 : i32
    %add3A_39 = arith.addi %mul3A_19, %add3A_38 : i32
    %dma_start3A_40 = tpu.memref_slice %arg5[%add3A_39] : memref<320000xf32, #tpu.memory_space<hbm>> -> memref<80xf32, #tpu.memory_space<hbm>>
    %dma_start3A_41 = tpu.memref_slice %arg5[%add3A_39] : memref<320000xf32, #tpu.memory_space<hbm>> -> memref<80xf32, #tpu.memory_space<hbm>>
    tpu.enqueue_dma source(%dma_start3A_41 : memref<80xf32, #tpu.memory_space<hbm>>) target(%arg16 : memref<80xf32, #tpu.memory_space<vmem>>) target_semaphore(%arg29 : memref<!tpu.dma_semaphore, #tpu.memory_space<semaphore_mem>>)
    %dma_start3A_42 = tpu.memref_slice %arg4[%add3A_39] : memref<320000xi32, #tpu.memory_space<hbm>> -> memref<80xi32, #tpu.memory_space<hbm>>
    %dma_start3A_43 = tpu.memref_slice %arg4[%add3A_39] : memref<320000xi32, #tpu.memory_space<hbm>> -> memref<80xi32, #tpu.memory_space<hbm>>
    tpu.enqueue_dma source(%dma_start3A_43 : memref<80xi32, #tpu.memory_space<hbm>>) target(%arg14 : memref<80xi32, #tpu.memory_space<vmem>>) target_semaphore(%arg29 : memref<!tpu.dma_semaphore, #tpu.memory_space<semaphore_mem>>)
    %dma_start3A_44 = arith.constant 0 : i32
    %dma_start3A_45 = arith.constant 0 : i32
    %dma_start3A_46 = tpu.memref_slice %arg2[%dma_start3A_44, %dma_start3A_45] : memref<10000x128xf32, #tpu.memory_space<hbm>> -> memref<10000x128xf32, #tpu.memory_space<hbm>>
    tpu.enqueue_indirect_dma source(%dma_start3A_46 : memref<10000x128xf32, #tpu.memory_space<hbm>>) target(%arg22 : memref<80x128xf32, #tpu.memory_space<vmem>>) offsets(%arg10 : memref<80xi32, #tpu.memory_space<vmem>>) semaphore(%arg29 : memref<!tpu.dma_semaphore, #tpu.memory_space<semaphore_mem>>)
    %scan3A_47 = arith.constant 0 : i32
    %scan3A_48 = arith.constant 62 : i32
    %scan3A_49 = arith.addi %scan3A_47, %scan3A_48 : i32
    %scan3A_50 = arith.constant 1 : i32
    scf.for %scan3A_168 = %scan3A_47 to %scan3A_49 step %scan3A_50  : i32 {
      %mul3A_169 = arith.constant 1 : i32
      %mul3A_170 = arith.muli %scan3A_168, %mul3A_169 : i32
      %add3A_171 = arith.constant 0 : i32
      %add3A_172 = arith.addi %add3A_171, %mul3A_170 : i32
      %mul3A_173 = arith.constant 2 : i32
      %mul3A_174 = arith.muli %mul3A_173, %add3A_172 : i32
      %add3A_175 = arith.constant 0 : i32
      %add3A_176 = arith.addi %mul3A_174, %add3A_175 : i32
      %dma_wait3A_177 = arith.constant 0 : i32
      %dma_wait3A_178 = tpu.memref_slice %arg5[%dma_wait3A_177] : memref<320000xf32, #tpu.memory_space<hbm>> -> memref<80xf32, #tpu.memory_space<hbm>>
      %dma_wait3A_179 = arith.constant 0 : i32
      %dma_wait3A_180 = tpu.memref_slice %arg5[%dma_wait3A_179] : memref<320000xf32, #tpu.memory_space<hbm>> -> memref<80xf32, #tpu.memory_space<hbm>>
      tpu.wait_dma2 semaphore(%arg29 : memref<!tpu.dma_semaphore, #tpu.memory_space<semaphore_mem>>) src(%dma_wait3A_180 : memref<80xf32, #tpu.memory_space<hbm>>) dst(%arg16 : memref<80xf32, #tpu.memory_space<vmem>>)
      %dma_wait3A_181 = arith.constant 0 : i32
      %dma_wait3A_182 = tpu.memref_slice %arg4[%dma_wait3A_181] : memref<320000xi32, #tpu.memory_space<hbm>> -> memref<80xi32, #tpu.memory_space<hbm>>
      %dma_wait3A_183 = arith.constant 0 : i32
      %dma_wait3A_184 = tpu.memref_slice %arg4[%dma_wait3A_183] : memref<320000xi32, #tpu.memory_space<hbm>> -> memref<80xi32, #tpu.memory_space<hbm>>
      tpu.wait_dma2 semaphore(%arg29 : memref<!tpu.dma_semaphore, #tpu.memory_space<semaphore_mem>>) src(%dma_wait3A_184 : memref<80xi32, #tpu.memory_space<hbm>>) dst(%arg14 : memref<80xi32, #tpu.memory_space<vmem>>)
      %dma_wait3A_185 = arith.constant 0 : i32
      %dma_wait3A_186 = arith.constant 0 : i32
      %dma_wait3A_187 = tpu.memref_slice %arg2[%dma_wait3A_185, %dma_wait3A_186] : memref<10000x128xf32, #tpu.memory_space<hbm>> -> memref<10000x128xf32, #tpu.memory_space<hbm>>
      tpu.wait_indirect_dma semaphore(%arg29 : memref<!tpu.dma_semaphore, #tpu.memory_space<semaphore_mem>>) src(%dma_wait3A_187 : memref<10000x128xf32, #tpu.memory_space<hbm>>) dst(%arg22 : memref<80x128xf32, #tpu.memory_space<vmem>>)
      %dma_wait3A_188 = arith.constant 0 : i32
      %dma_wait3A_189 = tpu.memref_slice %arg3[%dma_wait3A_188] : memref<320000xi32, #tpu.memory_space<hbm>> -> memref<80xi32, #tpu.memory_space<hbm>>
      %dma_wait3A_190 = arith.constant 0 : i32
      %dma_wait3A_191 = tpu.memref_slice %arg3[%dma_wait3A_190] : memref<320000xi32, #tpu.memory_space<hbm>> -> memref<80xi32, #tpu.memory_space<hbm>>
      tpu.wait_dma2 semaphore(%arg28 : memref<!tpu.dma_semaphore, #tpu.memory_space<semaphore_mem>>) src(%dma_wait3A_191 : memref<80xi32, #tpu.memory_space<hbm>>) dst(%arg11 : memref<80xi32, #tpu.memory_space<vmem>>)
      %dma_wait3A_192 = arith.constant 0 : i32
      %dma_wait3A_193 = tpu.memref_slice %arg4[%dma_wait3A_192] : memref<320000xi32, #tpu.memory_space<hbm>> -> memref<80xi32, #tpu.memory_space<hbm>>
      %dma_wait3A_194 = arith.constant 0 : i32
      %dma_wait3A_195 = tpu.memref_slice %arg4[%dma_wait3A_194] : memref<320000xi32, #tpu.memory_space<hbm>> -> memref<80xi32, #tpu.memory_space<hbm>>
      tpu.wait_dma2 semaphore(%arg28 : memref<!tpu.dma_semaphore, #tpu.memory_space<semaphore_mem>>) src(%dma_wait3A_195 : memref<80xi32, #tpu.memory_space<hbm>>) dst(%arg13 : memref<80xi32, #tpu.memory_space<vmem>>)
      %ge3A = arith.constant 1 : i32
      %ge3A_196 = arith.cmpi sge, %add3A_176, %ge3A : i32
      %convert_element_type3A_197 = arith.extui %ge3A_196 : i1 to i32
      %cond3A_198 = arith.constant 0 : i32
      %cond3A_199 = arith.cmpi ne, %convert_element_type3A_197, %cond3A_198 : i32
      scf.if %cond3A_199 {
        %dma_wait3A_455 = arith.constant 0 : i32
        %dma_wait3A_456 = arith.constant 0 : i32
        %dma_wait3A_457 = tpu.memref_slice %arg25[%dma_wait3A_455, %dma_wait3A_456] : memref<10240x128xf32, #tpu.memory_space<vmem_shared>> -> memref<10240x128xf32, #tpu.memory_space<vmem_shared>>
        tpu.wait_indirect_dma semaphore(%arg32 : memref<!tpu.dma_semaphore, #tpu.memory_space<semaphore_mem>>) src(%arg23 : memref<80x128xf32, #tpu.memory_space<vmem>>) dst(%dma_wait3A_457 : memref<10240x128xf32, #tpu.memory_space<vmem_shared>>)
        %dma_wait3A_458 = arith.constant 0 : i32
        %dma_wait3A_459 = tpu.memref_slice %arg26[%dma_wait3A_458] : memref<10240xf32, #tpu.memory_space<vmem_shared>> -> memref<10240xf32, #tpu.memory_space<vmem_shared>>
        tpu.wait_indirect_dma semaphore(%arg32 : memref<!tpu.dma_semaphore, #tpu.memory_space<semaphore_mem>>) src(%arg19 : memref<80xf32, #tpu.memory_space<vmem>>) dst(%dma_wait3A_459 : memref<10240xf32, #tpu.memory_space<vmem_shared>>)
      } else {
      }
      %add3A_200 = arith.constant 1 : i32
      %add3A_201 = arith.addi %add3A_176, %add3A_200 : i32
      %mul3A_202 = arith.constant 80 : i32
      %mul3A_203 = arith.muli %add3A_201, %mul3A_202 : i32
      %add3A_204 = arith.addi %mul3A_19, %mul3A_203 : i32
      %dma_start3A_205 = tpu.memref_slice %arg5[%add3A_204] : memref<320000xf32, #tpu.memory_space<hbm>> -> memref<80xf32, #tpu.memory_space<hbm>>
      %dma_start3A_206 = tpu.memref_slice %arg5[%add3A_204] : memref<320000xf32, #tpu.memory_space<hbm>> -> memref<80xf32, #tpu.memory_space<hbm>>
      tpu.enqueue_dma source(%dma_start3A_206 : memref<80xf32, #tpu.memory_space<hbm>>) target(%arg17 : memref<80xf32, #tpu.memory_space<vmem>>) target_semaphore(%arg30 : memref<!tpu.dma_semaphore, #tpu.memory_space<semaphore_mem>>)
      %dma_start3A_207 = tpu.memref_slice %arg4[%add3A_204] : memref<320000xi32, #tpu.memory_space<hbm>> -> memref<80xi32, #tpu.memory_space<hbm>>
      %dma_start3A_208 = tpu.memref_slice %arg4[%add3A_204] : memref<320000xi32, #tpu.memory_space<hbm>> -> memref<80xi32, #tpu.memory_space<hbm>>
      tpu.enqueue_dma source(%dma_start3A_208 : memref<80xi32, #tpu.memory_space<hbm>>) target(%arg15 : memref<80xi32, #tpu.memory_space<vmem>>) target_semaphore(%arg30 : memref<!tpu.dma_semaphore, #tpu.memory_space<semaphore_mem>>)
      %dma_start3A_209 = arith.constant 0 : i32
      %dma_start3A_210 = arith.constant 0 : i32
      %dma_start3A_211 = tpu.memref_slice %arg2[%dma_start3A_209, %dma_start3A_210] : memref<10000x128xf32, #tpu.memory_space<hbm>> -> memref<10000x128xf32, #tpu.memory_space<hbm>>
      tpu.enqueue_indirect_dma source(%dma_start3A_211 : memref<10000x128xf32, #tpu.memory_space<hbm>>) target(%arg23 : memref<80x128xf32, #tpu.memory_space<vmem>>) offsets(%arg11 : memref<80xi32, #tpu.memory_space<vmem>>) semaphore(%arg30 : memref<!tpu.dma_semaphore, #tpu.memory_space<semaphore_mem>>)
      %get3A_212 = arith.constant 0 : index
      %get3A_213 = tpu.vector_load %arg10[%get3A_212] {strides = array<i32>} : memref<80xi32, #tpu.memory_space<vmem>>, vector<16xi32>,
      %get3A_214 = arith.constant 0 : index
      %get3A_215 = tpu.vector_load %arg12[%get3A_214] {strides = array<i32>} : memref<80xi32, #tpu.memory_space<vmem>>, vector<16xi32>,
      %gather3A_216 = tpu.vector_load_idx %arg20[%get3A_213] : memref<10000xf32, #tpu.memory_space<vmem>>[vector<16xi32>], vector<16xf32>,
      %gather3A_217 = tpu.vector_load_idx %arg21[%get3A_215] : memref<10000xf32, #tpu.memory_space<vmem>>[vector<16xi32>], vector<16xf32>,
      %add3A_218 = arith.addf %gather3A_216, %gather3A_217 : vector<16xf32>
      %get3A_219 = arith.constant 0 : index
      %get3A_220 = tpu.vector_load %arg16[%get3A_219] {strides = array<i32>} : memref<80xf32, #tpu.memory_space<vmem>>, vector<16xf32>,
      %add3A_221 = arith.addf %add3A_218, %get3A_220 : vector<16xf32>
      %mul3A_222 = arith.constant 2.000000e-01 : f32
      %mul3A_223 = vector.broadcast %mul3A_222 : f32 to vector<16xf32>
      %mul3A_224 = arith.mulf %add3A_221, %mul3A_223 : vector<16xf32>
      %max3A_225 = arith.maximumf %add3A_221, %mul3A_224 : vector<16xf32>
      %exp3A_226 = math.exp %max3A_225 : vector<16xf32>
      %swap3A_227 = arith.constant 0 : index
      %swap3A_228 = tpu.vector_load %arg18[%swap3A_227] {strides = array<i32>} : memref<80xf32, #tpu.memory_space<vmem>>, vector<16xf32>,
      tpu.vector_store %arg18[%swap3A_227], %exp3A_226 {strides = array<i32>} : memref<80xf32, #tpu.memory_space<vmem>>, vector<16xf32>,
      %get3A_229 = arith.constant 16 : index
      %get3A_230 = tpu.vector_load %arg10[%get3A_229] {strides = array<i32>} : memref<80xi32, #tpu.memory_space<vmem>>, vector<16xi32>,
      %get3A_231 = arith.constant 16 : index
      %get3A_232 = tpu.vector_load %arg12[%get3A_231] {strides = array<i32>} : memref<80xi32, #tpu.memory_space<vmem>>, vector<16xi32>,
      %gather3A_233 = tpu.vector_load_idx %arg20[%get3A_230] : memref<10000xf32, #tpu.memory_space<vmem>>[vector<16xi32>], vector<16xf32>,
      %gather3A_234 = tpu.vector_load_idx %arg21[%get3A_232] : memref<10000xf32, #tpu.memory_space<vmem>>[vector<16xi32>], vector<16xf32>,
      %add3A_235 = arith.addf %gather3A_233, %gather3A_234 : vector<16xf32>
      %get3A_236 = arith.constant 16 : index
      %get3A_237 = tpu.vector_load %arg16[%get3A_236] {strides = array<i32>} : memref<80xf32, #tpu.memory_space<vmem>>, vector<16xf32>,
      %add3A_238 = arith.addf %add3A_235, %get3A_237 : vector<16xf32>
      %mul3A_239 = arith.constant 2.000000e-01 : f32
      %mul3A_240 = vector.broadcast %mul3A_239 : f32 to vector<16xf32>
      %mul3A_241 = arith.mulf %add3A_238, %mul3A_240 : vector<16xf32>
      %max3A_242 = arith.maximumf %add3A_238, %mul3A_241 : vector<16xf32>
      %exp3A_243 = math.exp %max3A_242 : vector<16xf32>
      %swap3A_244 = arith.constant 16 : index
      %swap3A_245 = tpu.vector_load %arg18[%swap3A_244] {strides = array<i32>} : memref<80xf32, #tpu.memory_space<vmem>>, vector<16xf32>,
      tpu.vector_store %arg18[%swap3A_244], %exp3A_243 {strides = array<i32>} : memref<80xf32, #tpu.memory_space<vmem>>, vector<16xf32>,
      %get3A_246 = arith.constant 32 : index
      %get3A_247 = tpu.vector_load %arg10[%get3A_246] {strides = array<i32>} : memref<80xi32, #tpu.memory_space<vmem>>, vector<16xi32>,
      %get3A_248 = arith.constant 32 : index
      %get3A_249 = tpu.vector_load %arg12[%get3A_248] {strides = array<i32>} : memref<80xi32, #tpu.memory_space<vmem>>, vector<16xi32>,
      %gather3A_250 = tpu.vector_load_idx %arg20[%get3A_247] : memref<10000xf32, #tpu.memory_space<vmem>>[vector<16xi32>], vector<16xf32>,
      %gather3A_251 = tpu.vector_load_idx %arg21[%get3A_249] : memref<10000xf32, #tpu.memory_space<vmem>>[vector<16xi32>], vector<16xf32>,
      %add3A_252 = arith.addf %gather3A_250, %gather3A_251 : vector<16xf32>
      %get3A_253 = arith.constant 32 : index
      %get3A_254 = tpu.vector_load %arg16[%get3A_253] {strides = array<i32>} : memref<80xf32, #tpu.memory_space<vmem>>, vector<16xf32>,
      %add3A_255 = arith.addf %add3A_252, %get3A_254 : vector<16xf32>
      %mul3A_256 = arith.constant 2.000000e-01 : f32
      %mul3A_257 = vector.broadcast %mul3A_256 : f32 to vector<16xf32>
      %mul3A_258 = arith.mulf %add3A_255, %mul3A_257 : vector<16xf32>
      %max3A_259 = arith.maximumf %add3A_255, %mul3A_258 : vector<16xf32>
      %exp3A_260 = math.exp %max3A_259 : vector<16xf32>
      %swap3A_261 = arith.constant 32 : index
      %swap3A_262 = tpu.vector_load %arg18[%swap3A_261] {strides = array<i32>} : memref<80xf32, #tpu.memory_space<vmem>>, vector<16xf32>,
      tpu.vector_store %arg18[%swap3A_261], %exp3A_260 {strides = array<i32>} : memref<80xf32, #tpu.memory_space<vmem>>, vector<16xf32>,
      %get3A_263 = arith.constant 48 : index
      %get3A_264 = tpu.vector_load %arg10[%get3A_263] {strides = array<i32>} : memref<80xi32, #tpu.memory_space<vmem>>, vector<16xi32>,
      %get3A_265 = arith.constant 48 : index
      %get3A_266 = tpu.vector_load %arg12[%get3A_265] {strides = array<i32>} : memref<80xi32, #tpu.memory_space<vmem>>, vector<16xi32>,
      %gather3A_267 = tpu.vector_load_idx %arg20[%get3A_264] : memref<10000xf32, #tpu.memory_space<vmem>>[vector<16xi32>], vector<16xf32>,
      %gather3A_268 = tpu.vector_load_idx %arg21[%get3A_266] : memref<10000xf32, #tpu.memory_space<vmem>>[vector<16xi32>], vector<16xf32>,
      %add3A_269 = arith.addf %gather3A_267, %gather3A_268 : vector<16xf32>
      %get3A_270 = arith.constant 48 : index
      %get3A_271 = tpu.vector_load %arg16[%get3A_270] {strides = array<i32>} : memref<80xf32, #tpu.memory_space<vmem>>, vector<16xf32>,
      %add3A_272 = arith.addf %add3A_269, %get3A_271 : vector<16xf32>
      %mul3A_273 = arith.constant 2.000000e-01 : f32
      %mul3A_274 = vector.broadcast %mul3A_273 : f32 to vector<16xf32>
      %mul3A_275 = arith.mulf %add3A_272, %mul3A_274 : vector<16xf32>
      %max3A_276 = arith.maximumf %add3A_272, %mul3A_275 : vector<16xf32>
      %exp3A_277 = math.exp %max3A_276 : vector<16xf32>
      %swap3A_278 = arith.constant 48 : index
      %swap3A_279 = tpu.vector_load %arg18[%swap3A_278] {strides = array<i32>} : memref<80xf32, #tpu.memory_space<vmem>>, vector<16xf32>,
      tpu.vector_store %arg18[%swap3A_278], %exp3A_277 {strides = array<i32>} : memref<80xf32, #tpu.memory_space<vmem>>, vector<16xf32>,
      %get3A_280 = arith.constant 64 : index
      %get3A_281 = tpu.vector_load %arg10[%get3A_280] {strides = array<i32>} : memref<80xi32, #tpu.memory_space<vmem>>, vector<16xi32>,
      %get3A_282 = arith.constant 64 : index
      %get3A_283 = tpu.vector_load %arg12[%get3A_282] {strides = array<i32>} : memref<80xi32, #tpu.memory_space<vmem>>, vector<16xi32>,
      %gather3A_284 = tpu.vector_load_idx %arg20[%get3A_281] : memref<10000xf32, #tpu.memory_space<vmem>>[vector<16xi32>], vector<16xf32>,
      %gather3A_285 = tpu.vector_load_idx %arg21[%get3A_283] : memref<10000xf32, #tpu.memory_space<vmem>>[vector<16xi32>], vector<16xf32>,
      %add3A_286 = arith.addf %gather3A_284, %gather3A_285 : vector<16xf32>
      %get3A_287 = arith.constant 64 : index
      %get3A_288 = tpu.vector_load %arg16[%get3A_287] {strides = array<i32>} : memref<80xf32, #tpu.memory_space<vmem>>, vector<16xf32>,
      %add3A_289 = arith.addf %add3A_286, %get3A_288 : vector<16xf32>
      %mul3A_290 = arith.constant 2.000000e-01 : f32
      %mul3A_291 = vector.broadcast %mul3A_290 : f32 to vector<16xf32>
      %mul3A_292 = arith.mulf %add3A_289, %mul3A_291 : vector<16xf32>
      %max3A_293 = arith.maximumf %add3A_289, %mul3A_292 : vector<16xf32>
      %exp3A_294 = math.exp %max3A_293 : vector<16xf32>
      %swap3A_295 = arith.constant 64 : index
      %swap3A_296 = tpu.vector_load %arg18[%swap3A_295] {strides = array<i32>} : memref<80xf32, #tpu.memory_space<vmem>>, vector<16xf32>,
      tpu.vector_store %arg18[%swap3A_295], %exp3A_294 {strides = array<i32>} : memref<80xf32, #tpu.memory_space<vmem>>, vector<16xf32>,
      %scan3A_297 = arith.constant 0 : i32
      %scan3A_298 = arith.constant 20 : i32
      %scan3A_299 = arith.addi %scan3A_297, %scan3A_298 : i32
      %scan3A_300 = arith.constant 1 : i32
      scf.for %scan3A_455 = %scan3A_297 to %scan3A_299 step %scan3A_300  : i32 {
        %mul3A_456 = arith.constant 4 : i32
        %mul3A_457 = arith.muli %scan3A_455, %mul3A_456 : i32
        %add3A_458 = arith.constant 0 : i32
        %add3A_459 = arith.addi %add3A_458, %mul3A_457 : i32
        %add3A_460 = arith.constant 0 : i32
        %add3A_461 = arith.addi %add3A_459, %add3A_460 : i32
        %broadcast_in_dim3A_462 = arith.constant 0 : i32
        %broadcast_in_dim3A_463 = vector.broadcast %broadcast_in_dim3A_462 : i32 to vector<16xi32>
        %add3A_464 = vector.broadcast %add3A_461 : i32 to vector<16xi32>
        %add3A_465 = arith.addi %broadcast_in_dim3A_463, %add3A_464 : vector<16xi32>
        %gather3A_466 = tpu.vector_load_idx %arg18[%add3A_465] : memref<80xf32, #tpu.memory_space<vmem>>[vector<16xi32>], vector<16xf32>,
        %get3A_467 = arith.constant 0 : i32
        %get3A_468 = tpu.memref_slice %arg22[%add3A_461, %get3A_467] : memref<80x128xf32, #tpu.memory_space<vmem>> -> memref<1x128xf32, #tpu.memory_space<vmem>>
        %get3A_469 = tpu.memref_squeeze %get3A_468 : memref<1x128xf32, #tpu.memory_space<vmem>> -> memref<128xf32, #tpu.memory_space<vmem>>
        %get3A_470 = arith.constant 0 : index
        %get3A_471 = tpu.vector_load %get3A_469[%get3A_470] {strides = array<i32>} : memref<128xf32, #tpu.memory_space<vmem>>, vector<16xf32>,
        %mul3A_472 = arith.mulf %get3A_471, %gather3A_466 : vector<16xf32>
        %swap3A_473 = arith.constant 0 : i32
        %swap3A_474 = tpu.memref_slice %arg22[%add3A_461, %swap3A_473] : memref<80x128xf32, #tpu.memory_space<vmem>> -> memref<1x128xf32, #tpu.memory_space<vmem>>
        %swap3A_475 = tpu.memref_squeeze %swap3A_474 : memref<1x128xf32, #tpu.memory_space<vmem>> -> memref<128xf32, #tpu.memory_space<vmem>>
        %swap3A_476 = arith.constant 0 : index
        %swap3A_477 = tpu.vector_load %swap3A_475[%swap3A_476] {strides = array<i32>} : memref<128xf32, #tpu.memory_space<vmem>>, vector<16xf32>,
        tpu.vector_store %swap3A_475[%swap3A_476], %mul3A_472 {strides = array<i32>} : memref<128xf32, #tpu.memory_space<vmem>>, vector<16xf32>,
        %get3A_478 = arith.constant 0 : i32
        %get3A_479 = tpu.memref_slice %arg22[%add3A_461, %get3A_478] : memref<80x128xf32, #tpu.memory_space<vmem>> -> memref<1x128xf32, #tpu.memory_space<vmem>>
        %get3A_480 = tpu.memref_squeeze %get3A_479 : memref<1x128xf32, #tpu.memory_space<vmem>> -> memref<128xf32, #tpu.memory_space<vmem>>
        %get3A_481 = arith.constant 16 : index
        %get3A_482 = tpu.vector_load %get3A_480[%get3A_481] {strides = array<i32>} : memref<128xf32, #tpu.memory_space<vmem>>, vector<16xf32>,
        %mul3A_483 = arith.mulf %get3A_482, %gather3A_466 : vector<16xf32>
        %swap3A_484 = arith.constant 0 : i32
        %swap3A_485 = tpu.memref_slice %arg22[%add3A_461, %swap3A_484] : memref<80x128xf32, #tpu.memory_space<vmem>> -> memref<1x128xf32, #tpu.memory_space<vmem>>
        %swap3A_486 = tpu.memref_squeeze %swap3A_485 : memref<1x128xf32, #tpu.memory_space<vmem>> -> memref<128xf32, #tpu.memory_space<vmem>>
        %swap3A_487 = arith.constant 16 : index
        %swap3A_488 = tpu.vector_load %swap3A_486[%swap3A_487] {strides = array<i32>} : memref<128xf32, #tpu.memory_space<vmem>>, vector<16xf32>,
        tpu.vector_store %swap3A_486[%swap3A_487], %mul3A_483 {strides = array<i32>} : memref<128xf32, #tpu.memory_space<vmem>>, vector<16xf32>,
        %get3A_489 = arith.constant 0 : i32
        %get3A_490 = tpu.memref_slice %arg22[%add3A_461, %get3A_489] : memref<80x128xf32, #tpu.memory_space<vmem>> -> memref<1x128xf32, #tpu.memory_space<vmem>>
        %get3A_491 = tpu.memref_squeeze %get3A_490 : memref<1x128xf32, #tpu.memory_space<vmem>> -> memref<128xf32, #tpu.memory_space<vmem>>
        %get3A_492 = arith.constant 32 : index
        %get3A_493 = tpu.vector_load %get3A_491[%get3A_492] {strides = array<i32>} : memref<128xf32, #tpu.memory_space<vmem>>, vector<16xf32>,
        %mul3A_494 = arith.mulf %get3A_493, %gather3A_466 : vector<16xf32>
        %swap3A_495 = arith.constant 0 : i32
        %swap3A_496 = tpu.memref_slice %arg22[%add3A_461, %swap3A_495] : memref<80x128xf32, #tpu.memory_space<vmem>> -> memref<1x128xf32, #tpu.memory_space<vmem>>
        %swap3A_497 = tpu.memref_squeeze %swap3A_496 : memref<1x128xf32, #tpu.memory_space<vmem>> -> memref<128xf32, #tpu.memory_space<vmem>>
        %swap3A_498 = arith.constant 32 : index
        %swap3A_499 = tpu.vector_load %swap3A_497[%swap3A_498] {strides = array<i32>} : memref<128xf32, #tpu.memory_space<vmem>>, vector<16xf32>,
        tpu.vector_store %swap3A_497[%swap3A_498], %mul3A_494 {strides = array<i32>} : memref<128xf32, #tpu.memory_space<vmem>>, vector<16xf32>,
        %get3A_500 = arith.constant 0 : i32
        %get3A_501 = tpu.memref_slice %arg22[%add3A_461, %get3A_500] : memref<80x128xf32, #tpu.memory_space<vmem>> -> memref<1x128xf32, #tpu.memory_space<vmem>>
        %get3A_502 = tpu.memref_squeeze %get3A_501 : memref<1x128xf32, #tpu.memory_space<vmem>> -> memref<128xf32, #tpu.memory_space<vmem>>
        %get3A_503 = arith.constant 48 : index
        %get3A_504 = tpu.vector_load %get3A_502[%get3A_503] {strides = array<i32>} : memref<128xf32, #tpu.memory_space<vmem>>, vector<16xf32>,
        %mul3A_505 = arith.mulf %get3A_504, %gather3A_466 : vector<16xf32>
        %swap3A_506 = arith.constant 0 : i32
        %swap3A_507 = tpu.memref_slice %arg22[%add3A_461, %swap3A_506] : memref<80x128xf32, #tpu.memory_space<vmem>> -> memref<1x128xf32, #tpu.memory_space<vmem>>
        %swap3A_508 = tpu.memref_squeeze %swap3A_507 : memref<1x128xf32, #tpu.memory_space<vmem>> -> memref<128xf32, #tpu.memory_space<vmem>>
        %swap3A_509 = arith.constant 48 : index
        %swap3A_510 = tpu.vector_load %swap3A_508[%swap3A_509] {strides = array<i32>} : memref<128xf32, #tpu.memory_space<vmem>>, vector<16xf32>,
        tpu.vector_store %swap3A_508[%swap3A_509], %mul3A_505 {strides = array<i32>} : memref<128xf32, #tpu.memory_space<vmem>>, vector<16xf32>,
        %get3A_511 = arith.constant 0 : i32
        %get3A_512 = tpu.memref_slice %arg22[%add3A_461, %get3A_511] : memref<80x128xf32, #tpu.memory_space<vmem>> -> memref<1x128xf32, #tpu.memory_space<vmem>>
        %get3A_513 = tpu.memref_squeeze %get3A_512 : memref<1x128xf32, #tpu.memory_space<vmem>> -> memref<128xf32, #tpu.memory_space<vmem>>
        %get3A_514 = arith.constant 64 : index
        %get3A_515 = tpu.vector_load %get3A_513[%get3A_514] {strides = array<i32>} : memref<128xf32, #tpu.memory_space<vmem>>, vector<16xf32>,
        %mul3A_516 = arith.mulf %get3A_515, %gather3A_466 : vector<16xf32>
        %swap3A_517 = arith.constant 0 : i32
        %swap3A_518 = tpu.memref_slice %arg22[%add3A_461, %swap3A_517] : memref<80x128xf32, #tpu.memory_space<vmem>> -> memref<1x128xf32, #tpu.memory_space<vmem>>
        %swap3A_519 = tpu.memref_squeeze %swap3A_518 : memref<1x128xf32, #tpu.memory_space<vmem>> -> memref<128xf32, #tpu.memory_space<vmem>>
        %swap3A_520 = arith.constant 64 : index
        %swap3A_521 = tpu.vector_load %swap3A_519[%swap3A_520] {strides = array<i32>} : memref<128xf32, #tpu.memory_space<vmem>>, vector<16xf32>,
        tpu.vector_store %swap3A_519[%swap3A_520], %mul3A_516 {strides = array<i32>} : memref<128xf32, #tpu.memory_space<vmem>>, vector<16xf32>,
        %get3A_522 = arith.constant 0 : i32
        %get3A_523 = tpu.memref_slice %arg22[%add3A_461, %get3A_522] : memref<80x128xf32, #tpu.memory_space<vmem>> -> memref<1x128xf32, #tpu.memory_space<vmem>>
        %get3A_524 = tpu.memref_squeeze %get3A_523 : memref<1x128xf32, #tpu.memory_space<vmem>> -> memref<128xf32, #tpu.memory_space<vmem>>
        %get3A_525 = arith.constant 80 : index
        %get3A_526 = tpu.vector_load %get3A_524[%get3A_525] {strides = array<i32>} : memref<128xf32, #tpu.memory_space<vmem>>, vector<16xf32>,
        %mul3A_527 = arith.mulf %get3A_526, %gather3A_466 : vector<16xf32>
        %swap3A_528 = arith.constant 0 : i32
        %swap3A_529 = tpu.memref_slice %arg22[%add3A_461, %swap3A_528] : memref<80x128xf32, #tpu.memory_space<vmem>> -> memref<1x128xf32, #tpu.memory_space<vmem>>
        %swap3A_530 = tpu.memref_squeeze %swap3A_529 : memref<1x128xf32, #tpu.memory_space<vmem>> -> memref<128xf32, #tpu.memory_space<vmem>>
        %swap3A_531 = arith.constant 80 : index
        %swap3A_532 = tpu.vector_load %swap3A_530[%swap3A_531] {strides = array<i32>} : memref<128xf32, #tpu.memory_space<vmem>>, vector<16xf32>,
        tpu.vector_store %swap3A_530[%swap3A_531], %mul3A_527 {strides = array<i32>} : memref<128xf32, #tpu.memory_space<vmem>>, vector<16xf32>,
        %get3A_533 = arith.constant 0 : i32
        %get3A_534 = tpu.memref_slice %arg22[%add3A_461, %get3A_533] : memref<80x128xf32, #tpu.memory_space<vmem>> -> memref<1x128xf32, #tpu.memory_space<vmem>>
        %get3A_535 = tpu.memref_squeeze %get3A_534 : memref<1x128xf32, #tpu.memory_space<vmem>> -> memref<128xf32, #tpu.memory_space<vmem>>
        %get3A_536 = arith.constant 96 : index
        %get3A_537 = tpu.vector_load %get3A_535[%get3A_536] {strides = array<i32>} : memref<128xf32, #tpu.memory_space<vmem>>, vector<16xf32>,
        %mul3A_538 = arith.mulf %get3A_537, %gather3A_466 : vector<16xf32>
        %swap3A_539 = arith.constant 0 : i32
        %swap3A_540 = tpu.memref_slice %arg22[%add3A_461, %swap3A_539] : memref<80x128xf32, #tpu.memory_space<vmem>> -> memref<1x128xf32, #tpu.memory_space<vmem>>
        %swap3A_541 = tpu.memref_squeeze %swap3A_540 : memref<1x128xf32, #tpu.memory_space<vmem>> -> memref<128xf32, #tpu.memory_space<vmem>>
        %swap3A_542 = arith.constant 96 : index
        %swap3A_543 = tpu.vector_load %swap3A_541[%swap3A_542] {strides = array<i32>} : memref<128xf32, #tpu.memory_space<vmem>>, vector<16xf32>,
        tpu.vector_store %swap3A_541[%swap3A_542], %mul3A_538 {strides = array<i32>} : memref<128xf32, #tpu.memory_space<vmem>>, vector<16xf32>,
        %get3A_544 = arith.constant 0 : i32
        %get3A_545 = tpu.memref_slice %arg22[%add3A_461, %get3A_544] : memref<80x128xf32, #tpu.memory_space<vmem>> -> memref<1x128xf32, #tpu.memory_space<vmem>>
        %get3A_546 = tpu.memref_squeeze %get3A_545 : memref<1x128xf32, #tpu.memory_space<vmem>> -> memref<128xf32, #tpu.memory_space<vmem>>
        %get3A_547 = arith.constant 112 : index
        %get3A_548 = tpu.vector_load %get3A_546[%get3A_547] {strides = array<i32>} : memref<128xf32, #tpu.memory_space<vmem>>, vector<16xf32>,
        %mul3A_549 = arith.mulf %get3A_548, %gather3A_466 : vector<16xf32>
        %swap3A_550 = arith.constant 0 : i32
        %swap3A_551 = tpu.memref_slice %arg22[%add3A_461, %swap3A_550] : memref<80x128xf32, #tpu.memory_space<vmem>> -> memref<1x128xf32, #tpu.memory_space<vmem>>
        %swap3A_552 = tpu.memref_squeeze %swap3A_551 : memref<1x128xf32, #tpu.memory_space<vmem>> -> memref<128xf32, #tpu.memory_space<vmem>>
        %swap3A_553 = arith.constant 112 : index
        %swap3A_554 = tpu.vector_load %swap3A_552[%swap3A_553] {strides = array<i32>} : memref<128xf32, #tpu.memory_space<vmem>>, vector<16xf32>,
        tpu.vector_store %swap3A_552[%swap3A_553], %mul3A_549 {strides = array<i32>} : memref<128xf32, #tpu.memory_space<vmem>>, vector<16xf32>,
        %add3A_555 = arith.constant 1 : i32
        %add3A_556 = arith.addi %add3A_459, %add3A_555 : i32
        %broadcast_in_dim3A_557 = arith.constant 0 : i32
        %broadcast_in_dim3A_558 = vector.broadcast %broadcast_in_dim3A_557 : i32 to vector<16xi32>
        %add3A_559 = vector.broadcast %add3A_556 : i32 to vector<16xi32>
        %add3A_560 = arith.addi %broadcast_in_dim3A_558, %add3A_559 : vector<16xi32>
        %gather3A_561 = tpu.vector_load_idx %arg18[%add3A_560] : memref<80xf32, #tpu.memory_space<vmem>>[vector<16xi32>], vector<16xf32>,
        %get3A_562 = arith.constant 0 : i32
        %get3A_563 = tpu.memref_slice %arg22[%add3A_556, %get3A_562] : memref<80x128xf32, #tpu.memory_space<vmem>> -> memref<1x128xf32, #tpu.memory_space<vmem>>
        %get3A_564 = tpu.memref_squeeze %get3A_563 : memref<1x128xf32, #tpu.memory_space<vmem>> -> memref<128xf32, #tpu.memory_space<vmem>>
        %get3A_565 = arith.constant 0 : index
        %get3A_566 = tpu.vector_load %get3A_564[%get3A_565] {strides = array<i32>} : memref<128xf32, #tpu.memory_space<vmem>>, vector<16xf32>,
        %mul3A_567 = arith.mulf %get3A_566, %gather3A_561 : vector<16xf32>
        %swap3A_568 = arith.constant 0 : i32
        %swap3A_569 = tpu.memref_slice %arg22[%add3A_556, %swap3A_568] : memref<80x128xf32, #tpu.memory_space<vmem>> -> memref<1x128xf32, #tpu.memory_space<vmem>>
        %swap3A_570 = tpu.memref_squeeze %swap3A_569 : memref<1x128xf32, #tpu.memory_space<vmem>> -> memref<128xf32, #tpu.memory_space<vmem>>
        %swap3A_571 = arith.constant 0 : index
        %swap3A_572 = tpu.vector_load %swap3A_570[%swap3A_571] {strides = array<i32>} : memref<128xf32, #tpu.memory_space<vmem>>, vector<16xf32>,
        tpu.vector_store %swap3A_570[%swap3A_571], %mul3A_567 {strides = array<i32>} : memref<128xf32, #tpu.memory_space<vmem>>, vector<16xf32>,
        %get3A_573 = arith.constant 0 : i32
        %get3A_574 = tpu.memref_slice %arg22[%add3A_556, %get3A_573] : memref<80x128xf32, #tpu.memory_space<vmem>> -> memref<1x128xf32, #tpu.memory_space<vmem>>
        %get3A_575 = tpu.memref_squeeze %get3A_574 : memref<1x128xf32, #tpu.memory_space<vmem>> -> memref<128xf32, #tpu.memory_space<vmem>>
        %get3A_576 = arith.constant 16 : index
        %get3A_577 = tpu.vector_load %get3A_575[%get3A_576] {strides = array<i32>} : memref<128xf32, #tpu.memory_space<vmem>>, vector<16xf32>,
        %mul3A_578 = arith.mulf %get3A_577, %gather3A_561 : vector<16xf32>
        %swap3A_579 = arith.constant 0 : i32
        %swap3A_580 = tpu.memref_slice %arg22[%add3A_556, %swap3A_579] : memref<80x128xf32, #tpu.memory_space<vmem>> -> memref<1x128xf32, #tpu.memory_space<vmem>>
        %swap3A_581 = tpu.memref_squeeze %swap3A_580 : memref<1x128xf32, #tpu.memory_space<vmem>> -> memref<128xf32, #tpu.memory_space<vmem>>
        %swap3A_582 = arith.constant 16 : index
        %swap3A_583 = tpu.vector_load %swap3A_581[%swap3A_582] {strides = array<i32>} : memref<128xf32, #tpu.memory_space<vmem>>, vector<16xf32>,
        tpu.vector_store %swap3A_581[%swap3A_582], %mul3A_578 {strides = array<i32>} : memref<128xf32, #tpu.memory_space<vmem>>, vector<16xf32>,
        %get3A_584 = arith.constant 0 : i32
        %get3A_585 = tpu.memref_slice %arg22[%add3A_556, %get3A_584] : memref<80x128xf32, #tpu.memory_space<vmem>> -> memref<1x128xf32, #tpu.memory_space<vmem>>
        %get3A_586 = tpu.memref_squeeze %get3A_585 : memref<1x128xf32, #tpu.memory_space<vmem>> -> memref<128xf32, #tpu.memory_space<vmem>>
        %get3A_587 = arith.constant 32 : index
        %get3A_588 = tpu.vector_load %get3A_586[%get3A_587] {strides = array<i32>} : memref<128xf32, #tpu.memory_space<vmem>>, vector<16xf32>,
        %mul3A_589 = arith.mulf %get3A_588, %gather3A_561 : vector<16xf32>
        %swap3A_590 = arith.constant 0 : i32
        %swap3A_591 = tpu.memref_slice %arg22[%add3A_556, %swap3A_590] : memref<80x128xf32, #tpu.memory_space<vmem>> -> memref<1x128xf32, #tpu.memory_space<vmem>>
        %swap3A_592 = tpu.memref_squeeze %swap3A_591 : memref<1x128xf32, #tpu.memory_space<vmem>> -> memref<128xf32, #tpu.memory_space<vmem>>
        %swap3A_593 = arith.constant 32 : index
        %swap3A_594 = tpu.vector_load %swap3A_592[%swap3A_593] {strides = array<i32>} : memref<128xf32, #tpu.memory_space<vmem>>, vector<16xf32>,
        tpu.vector_store %swap3A_592[%swap3A_593], %mul3A_589 {strides = array<i32>} : memref<128xf32, #tpu.memory_space<vmem>>, vector<16xf32>,
        %get3A_595 = arith.constant 0 : i32
        %get3A_596 = tpu.memref_slice %arg22[%add3A_556, %get3A_595] : memref<80x128xf32, #tpu.memory_space<vmem>> -> memref<1x128xf32, #tpu.memory_space<vmem>>
        %get3A_597 = tpu.memref_squeeze %get3A_596 : memref<1x128xf32, #tpu.memory_space<vmem>> -> memref<128xf32, #tpu.memory_space<vmem>>
        %get3A_598 = arith.constant 48 : index
        %get3A_599 = tpu.vector_load %get3A_597[%get3A_598] {strides = array<i32>} : memref<128xf32, #tpu.memory_space<vmem>>, vector<16xf32>,
        %mul3A_600 = arith.mulf %get3A_599, %gather3A_561 : vector<16xf32>
        %swap3A_601 = arith.constant 0 : i32
        %swap3A_602 = tpu.memref_slice %arg22[%add3A_556, %swap3A_601] : memref<80x128xf32, #tpu.memory_space<vmem>> -> memref<1x128xf32, #tpu.memory_space<vmem>>
        %swap3A_603 = tpu.memref_squeeze %swap3A_602 : memref<1x128xf32, #tpu.memory_space<vmem>> -> memref<128xf32, #tpu.memory_space<vmem>>
        %swap3A_604 = arith.constant 48 : index
        %swap3A_605 = tpu.vector_load %swap3A_603[%swap3A_604] {strides = array<i32>} : memref<128xf32, #tpu.memory_space<vmem>>, vector<16xf32>,
        tpu.vector_store %swap3A_603[%swap3A_604], %mul3A_600 {strides = array<i32>} : memref<128xf32, #tpu.memory_space<vmem>>, vector<16xf32>,
        %get3A_606 = arith.constant 0 : i32
        %get3A_607 = tpu.memref_slice %arg22[%add3A_556, %get3A_606] : memref<80x128xf32, #tpu.memory_space<vmem>> -> memref<1x128xf32, #tpu.memory_space<vmem>>
        %get3A_608 = tpu.memref_squeeze %get3A_607 : memref<1x128xf32, #tpu.memory_space<vmem>> -> memref<128xf32, #tpu.memory_space<vmem>>
        %get3A_609 = arith.constant 64 : index
        %get3A_610 = tpu.vector_load %get3A_608[%get3A_609] {strides = array<i32>} : memref<128xf32, #tpu.memory_space<vmem>>, vector<16xf32>,
        %mul3A_611 = arith.mulf %get3A_610, %gather3A_561 : vector<16xf32>
        %swap3A_612 = arith.constant 0 : i32
        %swap3A_613 = tpu.memref_slice %arg22[%add3A_556, %swap3A_612] : memref<80x128xf32, #tpu.memory_space<vmem>> -> memref<1x128xf32, #tpu.memory_space<vmem>>
        %swap3A_614 = tpu.memref_squeeze %swap3A_613 : memref<1x128xf32, #tpu.memory_space<vmem>> -> memref<128xf32, #tpu.memory_space<vmem>>
        %swap3A_615 = arith.constant 64 : index
        %swap3A_616 = tpu.vector_load %swap3A_614[%swap3A_615] {strides = array<i32>} : memref<128xf32, #tpu.memory_space<vmem>>, vector<16xf32>,
        tpu.vector_store %swap3A_614[%swap3A_615], %mul3A_611 {strides = array<i32>} : memref<128xf32, #tpu.memory_space<vmem>>, vector<16xf32>,
        %get3A_617 = arith.constant 0 : i32
        %get3A_618 = tpu.memref_slice %arg22[%add3A_556, %get3A_617] : memref<80x128xf32, #tpu.memory_space<vmem>> -> memref<1x128xf32, #tpu.memory_space<vmem>>
        %get3A_619 = tpu.memref_squeeze %get3A_618 : memref<1x128xf32, #tpu.memory_space<vmem>> -> memref<128xf32, #tpu.memory_space<vmem>>
        %get3A_620 = arith.constant 80 : index
        %get3A_621 = tpu.vector_load %get3A_619[%get3A_620] {strides = array<i32>} : memref<128xf32, #tpu.memory_space<vmem>>, vector<16xf32>,
        %mul3A_622 = arith.mulf %get3A_621, %gather3A_561 : vector<16xf32>
        %swap3A_623 = arith.constant 0 : i32
        %swap3A_624 = tpu.memref_slice %arg22[%add3A_556, %swap3A_623] : memref<80x128xf32, #tpu.memory_space<vmem>> -> memref<1x128xf32, #tpu.memory_space<vmem>>
        %swap3A_625 = tpu.memref_squeeze %swap3A_624 : memref<1x128xf32, #tpu.memory_space<vmem>> -> memref<128xf32, #tpu.memory_space<vmem>>
        %swap3A_626 = arith.constant 80 : index
        %swap3A_627 = tpu.vector_load %swap3A_625[%swap3A_626] {strides = array<i32>} : memref<128xf32, #tpu.memory_space<vmem>>, vector<16xf32>,
        tpu.vector_store %swap3A_625[%swap3A_626], %mul3A_622 {strides = array<i32>} : memref<128xf32, #tpu.memory_space<vmem>>, vector<16xf32>,
        %get3A_628 = arith.constant 0 : i32
        %get3A_629 = tpu.memref_slice %arg22[%add3A_556, %get3A_628] : memref<80x128xf32, #tpu.memory_space<vmem>> -> memref<1x128xf32, #tpu.memory_space<vmem>>
        %get3A_630 = tpu.memref_squeeze %get3A_629 : memref<1x128xf32, #tpu.memory_space<vmem>> -> memref<128xf32, #tpu.memory_space<vmem>>
        %get3A_631 = arith.constant 96 : index
        %get3A_632 = tpu.vector_load %get3A_630[%get3A_631] {strides = array<i32>} : memref<128xf32, #tpu.memory_space<vmem>>, vector<16xf32>,
        %mul3A_633 = arith.mulf %get3A_632, %gather3A_561 : vector<16xf32>
        %swap3A_634 = arith.constant 0 : i32
        %swap3A_635 = tpu.memref_slice %arg22[%add3A_556, %swap3A_634] : memref<80x128xf32, #tpu.memory_space<vmem>> -> memref<1x128xf32, #tpu.memory_space<vmem>>
        %swap3A_636 = tpu.memref_squeeze %swap3A_635 : memref<1x128xf32, #tpu.memory_space<vmem>> -> memref<128xf32, #tpu.memory_space<vmem>>
        %swap3A_637 = arith.constant 96 : index
        %swap3A_638 = tpu.vector_load %swap3A_636[%swap3A_637] {strides = array<i32>} : memref<128xf32, #tpu.memory_space<vmem>>, vector<16xf32>,
        tpu.vector_store %swap3A_636[%swap3A_637], %mul3A_633 {strides = array<i32>} : memref<128xf32, #tpu.memory_space<vmem>>, vector<16xf32>,
        %get3A_639 = arith.constant 0 : i32
        %get3A_640 = tpu.memref_slice %arg22[%add3A_556, %get3A_639] : memref<80x128xf32, #tpu.memory_space<vmem>> -> memref<1x128xf32, #tpu.memory_space<vmem>>
        %get3A_641 = tpu.memref_squeeze %get3A_640 : memref<1x128xf32, #tpu.memory_space<vmem>> -> memref<128xf32, #tpu.memory_space<vmem>>
        %get3A_642 = arith.constant 112 : index
        %get3A_643 = tpu.vector_load %get3A_641[%get3A_642] {strides = array<i32>} : memref<128xf32, #tpu.memory_space<vmem>>, vector<16xf32>,
        %mul3A_644 = arith.mulf %get3A_643, %gather3A_561 : vector<16xf32>
        %swap3A_645 = arith.constant 0 : i32
        %swap3A_646 = tpu.memref_slice %arg22[%add3A_556, %swap3A_645] : memref<80x128xf32, #tpu.memory_space<vmem>> -> memref<1x128xf32, #tpu.memory_space<vmem>>
        %swap3A_647 = tpu.memref_squeeze %swap3A_646 : memref<1x128xf32, #tpu.memory_space<vmem>> -> memref<128xf32, #tpu.memory_space<vmem>>
        %swap3A_648 = arith.constant 112 : index
        %swap3A_649 = tpu.vector_load %swap3A_647[%swap3A_648] {strides = array<i32>} : memref<128xf32, #tpu.memory_space<vmem>>, vector<16xf32>,
        tpu.vector_store %swap3A_647[%swap3A_648], %mul3A_644 {strides = array<i32>} : memref<128xf32, #tpu.memory_space<vmem>>, vector<16xf32>,
        %add3A_650 = arith.constant 2 : i32
        %add3A_651 = arith.addi %add3A_459, %add3A_650 : i32
        %broadcast_in_dim3A_652 = arith.constant 0 : i32
        %broadcast_in_dim3A_653 = vector.broadcast %broadcast_in_dim3A_652 : i32 to vector<16xi32>
        %add3A_654 = vector.broadcast %add3A_651 : i32 to vector<16xi32>
        %add3A_655 = arith.addi %broadcast_in_dim3A_653, %add3A_654 : vector<16xi32>
        %gather3A_656 = tpu.vector_load_idx %arg18[%add3A_655] : memref<80xf32, #tpu.memory_space<vmem>>[vector<16xi32>], vector<16xf32>,
        %get3A_657 = arith.constant 0 : i32
        %get3A_658 = tpu.memref_slice %arg22[%add3A_651, %get3A_657] : memref<80x128xf32, #tpu.memory_space<vmem>> -> memref<1x128xf32, #tpu.memory_space<vmem>>
        %get3A_659 = tpu.memref_squeeze %get3A_658 : memref<1x128xf32, #tpu.memory_space<vmem>> -> memref<128xf32, #tpu.memory_space<vmem>>
        %get3A_660 = arith.constant 0 : index
        %get3A_661 = tpu.vector_load %get3A_659[%get3A_660] {strides = array<i32>} : memref<128xf32, #tpu.memory_space<vmem>>, vector<16xf32>,
        %mul3A_662 = arith.mulf %get3A_661, %gather3A_656 : vector<16xf32>
        %swap3A_663 = arith.constant 0 : i32
        %swap3A_664 = tpu.memref_slice %arg22[%add3A_651, %swap3A_663] : memref<80x128xf32, #tpu.memory_space<vmem>> -> memref<1x128xf32, #tpu.memory_space<vmem>>
        %swap3A_665 = tpu.memref_squeeze %swap3A_664 : memref<1x128xf32, #tpu.memory_space<vmem>> -> memref<128xf32, #tpu.memory_space<vmem>>
        %swap3A_666 = arith.constant 0 : index
        %swap3A_667 = tpu.vector_load %swap3A_665[%swap3A_666] {strides = array<i32>} : memref<128xf32, #tpu.memory_space<vmem>>, vector<16xf32>,
        tpu.vector_store %swap3A_665[%swap3A_666], %mul3A_662 {strides = array<i32>} : memref<128xf32, #tpu.memory_space<vmem>>, vector<16xf32>,
        %get3A_668 = arith.constant 0 : i32
        %get3A_669 = tpu.memref_slice %arg22[%add3A_651, %get3A_668] : memref<80x128xf32, #tpu.memory_space<vmem>> -> memref<1x128xf32, #tpu.memory_space<vmem>>
        %get3A_670 = tpu.memref_squeeze %get3A_669 : memref<1x128xf32, #tpu.memory_space<vmem>> -> memref<128xf32, #tpu.memory_space<vmem>>
        %get3A_671 = arith.constant 16 : index
        %get3A_672 = tpu.vector_load %get3A_670[%get3A_671] {strides = array<i32>} : memref<128xf32, #tpu.memory_space<vmem>>, vector<16xf32>,
        %mul3A_673 = arith.mulf %get3A_672, %gather3A_656 : vector<16xf32>
        %swap3A_674 = arith.constant 0 : i32
        %swap3A_675 = tpu.memref_slice %arg22[%add3A_651, %swap3A_674] : memref<80x128xf32, #tpu.memory_space<vmem>> -> memref<1x128xf32, #tpu.memory_space<vmem>>
        %swap3A_676 = tpu.memref_squeeze %swap3A_675 : memref<1x128xf32, #tpu.memory_space<vmem>> -> memref<128xf32, #tpu.memory_space<vmem>>
        %swap3A_677 = arith.constant 16 : index
        %swap3A_678 = tpu.vector_load %swap3A_676[%swap3A_677] {strides = array<i32>} : memref<128xf32, #tpu.memory_space<vmem>>, vector<16xf32>,
        tpu.vector_store %swap3A_676[%swap3A_677], %mul3A_673 {strides = array<i32>} : memref<128xf32, #tpu.memory_space<vmem>>, vector<16xf32>,
        %get3A_679 = arith.constant 0 : i32
        %get3A_680 = tpu.memref_slice %arg22[%add3A_651, %get3A_679] : memref<80x128xf32, #tpu.memory_space<vmem>> -> memref<1x128xf32, #tpu.memory_space<vmem>>
        %get3A_681 = tpu.memref_squeeze %get3A_680 : memref<1x128xf32, #tpu.memory_space<vmem>> -> memref<128xf32, #tpu.memory_space<vmem>>
        %get3A_682 = arith.constant 32 : index
        %get3A_683 = tpu.vector_load %get3A_681[%get3A_682] {strides = array<i32>} : memref<128xf32, #tpu.memory_space<vmem>>, vector<16xf32>,
        %mul3A_684 = arith.mulf %get3A_683, %gather3A_656 : vector<16xf32>
        %swap3A_685 = arith.constant 0 : i32
        %swap3A_686 = tpu.memref_slice %arg22[%add3A_651, %swap3A_685] : memref<80x128xf32, #tpu.memory_space<vmem>> -> memref<1x128xf32, #tpu.memory_space<vmem>>
        %swap3A_687 = tpu.memref_squeeze %swap3A_686 : memref<1x128xf32, #tpu.memory_space<vmem>> -> memref<128xf32, #tpu.memory_space<vmem>>
        %swap3A_688 = arith.constant 32 : index
        %swap3A_689 = tpu.vector_load %swap3A_687[%swap3A_688] {strides = array<i32>} : memref<128xf32, #tpu.memory_space<vmem>>, vector<16xf32>,
        tpu.vector_store %swap3A_687[%swap3A_688], %mul3A_684 {strides = array<i32>} : memref<128xf32, #tpu.memory_space<vmem>>, vector<16xf32>,
        %get3A_690 = arith.constant 0 : i32
        %get3A_691 = tpu.memref_slice %arg22[%add3A_651, %get3A_690] : memref<80x128xf32, #tpu.memory_space<vmem>> -> memref<1x128xf32, #tpu.memory_space<vmem>>
        %get3A_692 = tpu.memref_squeeze %get3A_691 : memref<1x128xf32, #tpu.memory_space<vmem>> -> memref<128xf32, #tpu.memory_space<vmem>>
        %get3A_693 = arith.constant 48 : index
        %get3A_694 = tpu.vector_load %get3A_692[%get3A_693] {strides = array<i32>} : memref<128xf32, #tpu.memory_space<vmem>>, vector<16xf32>,
        %mul3A_695 = arith.mulf %get3A_694, %gather3A_656 : vector<16xf32>
        %swap3A_696 = arith.constant 0 : i32
        %swap3A_697 = tpu.memref_slice %arg22[%add3A_651, %swap3A_696] : memref<80x128xf32, #tpu.memory_space<vmem>> -> memref<1x128xf32, #tpu.memory_space<vmem>>
        %swap3A_698 = tpu.memref_squeeze %swap3A_697 : memref<1x128xf32, #tpu.memory_space<vmem>> -> memref<128xf32, #tpu.memory_space<vmem>>
        %swap3A_699 = arith.constant 48 : index
        %swap3A_700 = tpu.vector_load %swap3A_698[%swap3A_699] {strides = array<i32>} : memref<128xf32, #tpu.memory_space<vmem>>, vector<16xf32>,
        tpu.vector_store %swap3A_698[%swap3A_699], %mul3A_695 {strides = array<i32>} : memref<128xf32, #tpu.memory_space<vmem>>, vector<16xf32>,
        %get3A_701 = arith.constant 0 : i32
        %get3A_702 = tpu.memref_slice %arg22[%add3A_651, %get3A_701] : memref<80x128xf32, #tpu.memory_space<vmem>> -> memref<1x128xf32, #tpu.memory_space<vmem>>
        %get3A_703 = tpu.memref_squeeze %get3A_702 : memref<1x128xf32, #tpu.memory_space<vmem>> -> memref<128xf32, #tpu.memory_space<vmem>>
        %get3A_704 = arith.constant 64 : index
        %get3A_705 = tpu.vector_load %get3A_703[%get3A_704] {strides = array<i32>} : memref<128xf32, #tpu.memory_space<vmem>>, vector<16xf32>,
        %mul3A_706 = arith.mulf %get3A_705, %gather3A_656 : vector<16xf32>
        %swap3A_707 = arith.constant 0 : i32
        %swap3A_708 = tpu.memref_slice %arg22[%add3A_651, %swap3A_707] : memref<80x128xf32, #tpu.memory_space<vmem>> -> memref<1x128xf32, #tpu.memory_space<vmem>>
        %swap3A_709 = tpu.memref_squeeze %swap3A_708 : memref<1x128xf32, #tpu.memory_space<vmem>> -> memref<128xf32, #tpu.memory_space<vmem>>
        %swap3A_710 = arith.constant 64 : index
        %swap3A_711 = tpu.vector_load %swap3A_709[%swap3A_710] {strides = array<i32>} : memref<128xf32, #tpu.memory_space<vmem>>, vector<16xf32>,
        tpu.vector_store %swap3A_709[%swap3A_710], %mul3A_706 {strides = array<i32>} : memref<128xf32, #tpu.memory_space<vmem>>, vector<16xf32>,
        %get3A_712 = arith.constant 0 : i32
        %get3A_713 = tpu.memref_slice %arg22[%add3A_651, %get3A_712] : memref<80x128xf32, #tpu.memory_space<vmem>> -> memref<1x128xf32, #tpu.memory_space<vmem>>
        %get3A_714 = tpu.memref_squeeze %get3A_713 : memref<1x128xf32, #tpu.memory_space<vmem>> -> memref<128xf32, #tpu.memory_space<vmem>>
        %get3A_715 = arith.constant 80 : index
        %get3A_716 = tpu.vector_load %get3A_714[%get3A_715] {strides = array<i32>} : memref<128xf32, #tpu.memory_space<vmem>>, vector<16xf32>,
        %mul3A_717 = arith.mulf %get3A_716, %gather3A_656 : vector<16xf32>
        %swap3A_718 = arith.constant 0 : i32
        %swap3A_719 = tpu.memref_slice %arg22[%add3A_651, %swap3A_718] : memref<80x128xf32, #tpu.memory_space<vmem>> -> memref<1x128xf32, #tpu.memory_space<vmem>>
        %swap3A_720 = tpu.memref_squeeze %swap3A_719 : memref<1x128xf32, #tpu.memory_space<vmem>> -> memref<128xf32, #tpu.memory_space<vmem>>
        %swap3A_721 = arith.constant 80 : index
        %swap3A_722 = tpu.vector_load %swap3A_720[%swap3A_721] {strides = array<i32>} : memref<128xf32, #tpu.memory_space<vmem>>, vector<16xf32>,
        tpu.vector_store %swap3A_720[%swap3A_721], %mul3A_717 {strides = array<i32>} : memref<128xf32, #tpu.memory_space<vmem>>, vector<16xf32>,
        %get3A_723 = arith.constant 0 : i32
        %get3A_724 = tpu.memref_slice %arg22[%add3A_651, %get3A_723] : memref<80x128xf32, #tpu.memory_space<vmem>> -> memref<1x128xf32, #tpu.memory_space<vmem>>
        %get3A_725 = tpu.memref_squeeze %get3A_724 : memref<1x128xf32, #tpu.memory_space<vmem>> -> memref<128xf32, #tpu.memory_space<vmem>>
        %get3A_726 = arith.constant 96 : index
        %get3A_727 = tpu.vector_load %get3A_725[%get3A_726] {strides = array<i32>} : memref<128xf32, #tpu.memory_space<vmem>>, vector<16xf32>,
        %mul3A_728 = arith.mulf %get3A_727, %gather3A_656 : vector<16xf32>
        %swap3A_729 = arith.constant 0 : i32
        %swap3A_730 = tpu.memref_slice %arg22[%add3A_651, %swap3A_729] : memref<80x128xf32, #tpu.memory_space<vmem>> -> memref<1x128xf32, #tpu.memory_space<vmem>>
        %swap3A_731 = tpu.memref_squeeze %swap3A_730 : memref<1x128xf32, #tpu.memory_space<vmem>> -> memref<128xf32, #tpu.memory_space<vmem>>
        %swap3A_732 = arith.constant 96 : index
        %swap3A_733 = tpu.vector_load %swap3A_731[%swap3A_732] {strides = array<i32>} : memref<128xf32, #tpu.memory_space<vmem>>, vector<16xf32>,
        tpu.vector_store %swap3A_731[%swap3A_732], %mul3A_728 {strides = array<i32>} : memref<128xf32, #tpu.memory_space<vmem>>, vector<16xf32>,
        %get3A_734 = arith.constant 0 : i32
        %get3A_735 = tpu.memref_slice %arg22[%add3A_651, %get3A_734] : memref<80x128xf32, #tpu.memory_space<vmem>> -> memref<1x128xf32, #tpu.memory_space<vmem>>
        %get3A_736 = tpu.memref_squeeze %get3A_735 : memref<1x128xf32, #tpu.memory_space<vmem>> -> memref<128xf32, #tpu.memory_space<vmem>>
        %get3A_737 = arith.constant 112 : index
        %get3A_738 = tpu.vector_load %get3A_736[%get3A_737] {strides = array<i32>} : memref<128xf32, #tpu.memory_space<vmem>>, vector<16xf32>,
        %mul3A_739 = arith.mulf %get3A_738, %gather3A_656 : vector<16xf32>
        %swap3A_740 = arith.constant 0 : i32
        %swap3A_741 = tpu.memref_slice %arg22[%add3A_651, %swap3A_740] : memref<80x128xf32, #tpu.memory_space<vmem>> -> memref<1x128xf32, #tpu.memory_space<vmem>>
        %swap3A_742 = tpu.memref_squeeze %swap3A_741 : memref<1x128xf32, #tpu.memory_space<vmem>> -> memref<128xf32, #tpu.memory_space<vmem>>
        %swap3A_743 = arith.constant 112 : index
        %swap3A_744 = tpu.vector_load %swap3A_742[%swap3A_743] {strides = array<i32>} : memref<128xf32, #tpu.memory_space<vmem>>, vector<16xf32>,
        tpu.vector_store %swap3A_742[%swap3A_743], %mul3A_739 {strides = array<i32>} : memref<128xf32, #tpu.memory_space<vmem>>, vector<16xf32>,
        %add3A_745 = arith.constant 3 : i32
        %add3A_746 = arith.addi %add3A_459, %add3A_745 : i32
        %broadcast_in_dim3A_747 = arith.constant 0 : i32
        %broadcast_in_dim3A_748 = vector.broadcast %broadcast_in_dim3A_747 : i32 to vector<16xi32>
        %add3A_749 = vector.broadcast %add3A_746 : i32 to vector<16xi32>
        %add3A_750 = arith.addi %broadcast_in_dim3A_748, %add3A_749 : vector<16xi32>
        %gather3A_751 = tpu.vector_load_idx %arg18[%add3A_750] : memref<80xf32, #tpu.memory_space<vmem>>[vector<16xi32>], vector<16xf32>,
        %get3A_752 = arith.constant 0 : i32
        %get3A_753 = tpu.memref_slice %arg22[%add3A_746, %get3A_752] : memref<80x128xf32, #tpu.memory_space<vmem>> -> memref<1x128xf32, #tpu.memory_space<vmem>>
        %get3A_754 = tpu.memref_squeeze %get3A_753 : memref<1x128xf32, #tpu.memory_space<vmem>> -> memref<128xf32, #tpu.memory_space<vmem>>
        %get3A_755 = arith.constant 0 : index
        %get3A_756 = tpu.vector_load %get3A_754[%get3A_755] {strides = array<i32>} : memref<128xf32, #tpu.memory_space<vmem>>, vector<16xf32>,
        %mul3A_757 = arith.mulf %get3A_756, %gather3A_751 : vector<16xf32>
        %swap3A_758 = arith.constant 0 : i32
        %swap3A_759 = tpu.memref_slice %arg22[%add3A_746, %swap3A_758] : memref<80x128xf32, #tpu.memory_space<vmem>> -> memref<1x128xf32, #tpu.memory_space<vmem>>
        %swap3A_760 = tpu.memref_squeeze %swap3A_759 : memref<1x128xf32, #tpu.memory_space<vmem>> -> memref<128xf32, #tpu.memory_space<vmem>>
        %swap3A_761 = arith.constant 0 : index
        %swap3A_762 = tpu.vector_load %swap3A_760[%swap3A_761] {strides = array<i32>} : memref<128xf32, #tpu.memory_space<vmem>>, vector<16xf32>,
        tpu.vector_store %swap3A_760[%swap3A_761], %mul3A_757 {strides = array<i32>} : memref<128xf32, #tpu.memory_space<vmem>>, vector<16xf32>,
        %get3A_763 = arith.constant 0 : i32
        %get3A_764 = tpu.memref_slice %arg22[%add3A_746, %get3A_763] : memref<80x128xf32, #tpu.memory_space<vmem>> -> memref<1x128xf32, #tpu.memory_space<vmem>>
        %get3A_765 = tpu.memref_squeeze %get3A_764 : memref<1x128xf32, #tpu.memory_space<vmem>> -> memref<128xf32, #tpu.memory_space<vmem>>
        %get3A_766 = arith.constant 16 : index
        %get3A_767 = tpu.vector_load %get3A_765[%get3A_766] {strides = array<i32>} : memref<128xf32, #tpu.memory_space<vmem>>, vector<16xf32>,
        %mul3A_768 = arith.mulf %get3A_767, %gather3A_751 : vector<16xf32>
        %swap3A_769 = arith.constant 0 : i32
        %swap3A_770 = tpu.memref_slice %arg22[%add3A_746, %swap3A_769] : memref<80x128xf32, #tpu.memory_space<vmem>> -> memref<1x128xf32, #tpu.memory_space<vmem>>
        %swap3A_771 = tpu.memref_squeeze %swap3A_770 : memref<1x128xf32, #tpu.memory_space<vmem>> -> memref<128xf32, #tpu.memory_space<vmem>>
        %swap3A_772 = arith.constant 16 : index
        %swap3A_773 = tpu.vector_load %swap3A_771[%swap3A_772] {strides = array<i32>} : memref<128xf32, #tpu.memory_space<vmem>>, vector<16xf32>,
        tpu.vector_store %swap3A_771[%swap3A_772], %mul3A_768 {strides = array<i32>} : memref<128xf32, #tpu.memory_space<vmem>>, vector<16xf32>,
        %get3A_774 = arith.constant 0 : i32
        %get3A_775 = tpu.memref_slice %arg22[%add3A_746, %get3A_774] : memref<80x128xf32, #tpu.memory_space<vmem>> -> memref<1x128xf32, #tpu.memory_space<vmem>>
        %get3A_776 = tpu.memref_squeeze %get3A_775 : memref<1x128xf32, #tpu.memory_space<vmem>> -> memref<128xf32, #tpu.memory_space<vmem>>
        %get3A_777 = arith.constant 32 : index
        %get3A_778 = tpu.vector_load %get3A_776[%get3A_777] {strides = array<i32>} : memref<128xf32, #tpu.memory_space<vmem>>, vector<16xf32>,
        %mul3A_779 = arith.mulf %get3A_778, %gather3A_751 : vector<16xf32>
        %swap3A_780 = arith.constant 0 : i32
        %swap3A_781 = tpu.memref_slice %arg22[%add3A_746, %swap3A_780] : memref<80x128xf32, #tpu.memory_space<vmem>> -> memref<1x128xf32, #tpu.memory_space<vmem>>
        %swap3A_782 = tpu.memref_squeeze %swap3A_781 : memref<1x128xf32, #tpu.memory_space<vmem>> -> memref<128xf32, #tpu.memory_space<vmem>>
        %swap3A_783 = arith.constant 32 : index
        %swap3A_784 = tpu.vector_load %swap3A_782[%swap3A_783] {strides = array<i32>} : memref<128xf32, #tpu.memory_space<vmem>>, vector<16xf32>,
        tpu.vector_store %swap3A_782[%swap3A_783], %mul3A_779 {strides = array<i32>} : memref<128xf32, #tpu.memory_space<vmem>>, vector<16xf32>,
        %get3A_785 = arith.constant 0 : i32
        %get3A_786 = tpu.memref_slice %arg22[%add3A_746, %get3A_785] : memref<80x128xf32, #tpu.memory_space<vmem>> -> memref<1x128xf32, #tpu.memory_space<vmem>>
        %get3A_787 = tpu.memref_squeeze %get3A_786 : memref<1x128xf32, #tpu.memory_space<vmem>> -> memref<128xf32, #tpu.memory_space<vmem>>
        %get3A_788 = arith.constant 48 : index
        %get3A_789 = tpu.vector_load %get3A_787[%get3A_788] {strides = array<i32>} : memref<128xf32, #tpu.memory_space<vmem>>, vector<16xf32>,
        %mul3A_790 = arith.mulf %get3A_789, %gather3A_751 : vector<16xf32>
        %swap3A_791 = arith.constant 0 : i32
        %swap3A_792 = tpu.memref_slice %arg22[%add3A_746, %swap3A_791] : memref<80x128xf32, #tpu.memory_space<vmem>> -> memref<1x128xf32, #tpu.memory_space<vmem>>
        %swap3A_793 = tpu.memref_squeeze %swap3A_792 : memref<1x128xf32, #tpu.memory_space<vmem>> -> memref<128xf32, #tpu.memory_space<vmem>>
        %swap3A_794 = arith.constant 48 : index
        %swap3A_795 = tpu.vector_load %swap3A_793[%swap3A_794] {strides = array<i32>} : memref<128xf32, #tpu.memory_space<vmem>>, vector<16xf32>,
        tpu.vector_store %swap3A_793[%swap3A_794], %mul3A_790 {strides = array<i32>} : memref<128xf32, #tpu.memory_space<vmem>>, vector<16xf32>,
        %get3A_796 = arith.constant 0 : i32
        %get3A_797 = tpu.memref_slice %arg22[%add3A_746, %get3A_796] : memref<80x128xf32, #tpu.memory_space<vmem>> -> memref<1x128xf32, #tpu.memory_space<vmem>>
        %get3A_798 = tpu.memref_squeeze %get3A_797 : memref<1x128xf32, #tpu.memory_space<vmem>> -> memref<128xf32, #tpu.memory_space<vmem>>
        %get3A_799 = arith.constant 64 : index
        %get3A_800 = tpu.vector_load %get3A_798[%get3A_799] {strides = array<i32>} : memref<128xf32, #tpu.memory_space<vmem>>, vector<16xf32>,
        %mul3A_801 = arith.mulf %get3A_800, %gather3A_751 : vector<16xf32>
        %swap3A_802 = arith.constant 0 : i32
        %swap3A_803 = tpu.memref_slice %arg22[%add3A_746, %swap3A_802] : memref<80x128xf32, #tpu.memory_space<vmem>> -> memref<1x128xf32, #tpu.memory_space<vmem>>
        %swap3A_804 = tpu.memref_squeeze %swap3A_803 : memref<1x128xf32, #tpu.memory_space<vmem>> -> memref<128xf32, #tpu.memory_space<vmem>>
        %swap3A_805 = arith.constant 64 : index
        %swap3A_806 = tpu.vector_load %swap3A_804[%swap3A_805] {strides = array<i32>} : memref<128xf32, #tpu.memory_space<vmem>>, vector<16xf32>,
        tpu.vector_store %swap3A_804[%swap3A_805], %mul3A_801 {strides = array<i32>} : memref<128xf32, #tpu.memory_space<vmem>>, vector<16xf32>,
        %get3A_807 = arith.constant 0 : i32
        %get3A_808 = tpu.memref_slice %arg22[%add3A_746, %get3A_807] : memref<80x128xf32, #tpu.memory_space<vmem>> -> memref<1x128xf32, #tpu.memory_space<vmem>>
        %get3A_809 = tpu.memref_squeeze %get3A_808 : memref<1x128xf32, #tpu.memory_space<vmem>> -> memref<128xf32, #tpu.memory_space<vmem>>
        %get3A_810 = arith.constant 80 : index
        %get3A_811 = tpu.vector_load %get3A_809[%get3A_810] {strides = array<i32>} : memref<128xf32, #tpu.memory_space<vmem>>, vector<16xf32>,
        %mul3A_812 = arith.mulf %get3A_811, %gather3A_751 : vector<16xf32>
        %swap3A_813 = arith.constant 0 : i32
        %swap3A_814 = tpu.memref_slice %arg22[%add3A_746, %swap3A_813] : memref<80x128xf32, #tpu.memory_space<vmem>> -> memref<1x128xf32, #tpu.memory_space<vmem>>
        %swap3A_815 = tpu.memref_squeeze %swap3A_814 : memref<1x128xf32, #tpu.memory_space<vmem>> -> memref<128xf32, #tpu.memory_space<vmem>>
        %swap3A_816 = arith.constant 80 : index
        %swap3A_817 = tpu.vector_load %swap3A_815[%swap3A_816] {strides = array<i32>} : memref<128xf32, #tpu.memory_space<vmem>>, vector<16xf32>,
        tpu.vector_store %swap3A_815[%swap3A_816], %mul3A_812 {strides = array<i32>} : memref<128xf32, #tpu.memory_space<vmem>>, vector<16xf32>,
        %get3A_818 = arith.constant 0 : i32
        %get3A_819 = tpu.memref_slice %arg22[%add3A_746, %get3A_818] : memref<80x128xf32, #tpu.memory_space<vmem>> -> memref<1x128xf32, #tpu.memory_space<vmem>>
        %get3A_820 = tpu.memref_squeeze %get3A_819 : memref<1x128xf32, #tpu.memory_space<vmem>> -> memref<128xf32, #tpu.memory_space<vmem>>
        %get3A_821 = arith.constant 96 : index
        %get3A_822 = tpu.vector_load %get3A_820[%get3A_821] {strides = array<i32>} : memref<128xf32, #tpu.memory_space<vmem>>, vector<16xf32>,
        %mul3A_823 = arith.mulf %get3A_822, %gather3A_751 : vector<16xf32>
        %swap3A_824 = arith.constant 0 : i32
        %swap3A_825 = tpu.memref_slice %arg22[%add3A_746, %swap3A_824] : memref<80x128xf32, #tpu.memory_space<vmem>> -> memref<1x128xf32, #tpu.memory_space<vmem>>
        %swap3A_826 = tpu.memref_squeeze %swap3A_825 : memref<1x128xf32, #tpu.memory_space<vmem>> -> memref<128xf32, #tpu.memory_space<vmem>>
        %swap3A_827 = arith.constant 96 : index
        %swap3A_828 = tpu.vector_load %swap3A_826[%swap3A_827] {strides = array<i32>} : memref<128xf32, #tpu.memory_space<vmem>>, vector<16xf32>,
        tpu.vector_store %swap3A_826[%swap3A_827], %mul3A_823 {strides = array<i32>} : memref<128xf32, #tpu.memory_space<vmem>>, vector<16xf32>,
        %get3A_829 = arith.constant 0 : i32
        %get3A_830 = tpu.memref_slice %arg22[%add3A_746, %get3A_829] : memref<80x128xf32, #tpu.memory_space<vmem>> -> memref<1x128xf32, #tpu.memory_space<vmem>>
        %get3A_831 = tpu.memref_squeeze %get3A_830 : memref<1x128xf32, #tpu.memory_space<vmem>> -> memref<128xf32, #tpu.memory_space<vmem>>
        %get3A_832 = arith.constant 112 : index
        %get3A_833 = tpu.vector_load %get3A_831[%get3A_832] {strides = array<i32>} : memref<128xf32, #tpu.memory_space<vmem>>, vector<16xf32>,
        %mul3A_834 = arith.mulf %get3A_833, %gather3A_751 : vector<16xf32>
        %swap3A_835 = arith.constant 0 : i32
        %swap3A_836 = tpu.memref_slice %arg22[%add3A_746, %swap3A_835] : memref<80x128xf32, #tpu.memory_space<vmem>> -> memref<1x128xf32, #tpu.memory_space<vmem>>
        %swap3A_837 = tpu.memref_squeeze %swap3A_836 : memref<1x128xf32, #tpu.memory_space<vmem>> -> memref<128xf32, #tpu.memory_space<vmem>>
        %swap3A_838 = arith.constant 112 : index
        %swap3A_839 = tpu.vector_load %swap3A_837[%swap3A_838] {strides = array<i32>} : memref<128xf32, #tpu.memory_space<vmem>>, vector<16xf32>,
        tpu.vector_store %swap3A_837[%swap3A_838], %mul3A_834 {strides = array<i32>} : memref<128xf32, #tpu.memory_space<vmem>>, vector<16xf32>,
      }
      %scan3A_301 = arith.constant 20 : i32
      %add3A_302 = arith.constant 2 : i32
      %add3A_303 = arith.addi %add3A_176, %add3A_302 : i32
      %lt3A = arith.constant 125 : i32
      %lt3A_304 = arith.cmpi slt, %add3A_303, %lt3A : i32
      %convert_element_type3A_305 = arith.extui %lt3A_304 : i1 to i32
      %cond3A_306 = arith.constant 0 : i32
      %cond3A_307 = arith.cmpi ne, %convert_element_type3A_305, %cond3A_306 : i32
      scf.if %cond3A_307 {
        %add3A_455 = arith.constant 2 : i32
        %add3A_456 = arith.addi %add3A_176, %add3A_455 : i32
        %mul3A_457 = arith.constant 80 : i32
        %mul3A_458 = arith.muli %add3A_456, %mul3A_457 : i32
        %add3A_459 = arith.addi %mul3A_19, %mul3A_458 : i32
        %dma_start3A_460 = tpu.memref_slice %arg3[%add3A_459] : memref<320000xi32, #tpu.memory_space<hbm>> -> memref<80xi32, #tpu.memory_space<hbm>>
        %dma_start3A_461 = tpu.memref_slice %arg3[%add3A_459] : memref<320000xi32, #tpu.memory_space<hbm>> -> memref<80xi32, #tpu.memory_space<hbm>>
        tpu.enqueue_dma source(%dma_start3A_461 : memref<80xi32, #tpu.memory_space<hbm>>) target(%arg10 : memref<80xi32, #tpu.memory_space<vmem>>) target_semaphore(%arg27 : memref<!tpu.dma_semaphore, #tpu.memory_space<semaphore_mem>>)
        %dma_start3A_462 = tpu.memref_slice %arg4[%add3A_459] : memref<320000xi32, #tpu.memory_space<hbm>> -> memref<80xi32, #tpu.memory_space<hbm>>
        %dma_start3A_463 = tpu.memref_slice %arg4[%add3A_459] : memref<320000xi32, #tpu.memory_space<hbm>> -> memref<80xi32, #tpu.memory_space<hbm>>
        tpu.enqueue_dma source(%dma_start3A_463 : memref<80xi32, #tpu.memory_space<hbm>>) target(%arg12 : memref<80xi32, #tpu.memory_space<vmem>>) target_semaphore(%arg27 : memref<!tpu.dma_semaphore, #tpu.memory_space<semaphore_mem>>)
      } else {
      }
      %dma_start3A_308 = arith.constant 0 : i32
      %dma_start3A_309 = arith.constant 0 : i32
      %dma_start3A_310 = tpu.memref_slice %arg25[%dma_start3A_308, %dma_start3A_309] : memref<10240x128xf32, #tpu.memory_space<vmem_shared>> -> memref<10240x128xf32, #tpu.memory_space<vmem_shared>>
      tpu.enqueue_indirect_dma source(%arg22 : memref<80x128xf32, #tpu.memory_space<vmem>>) target(%dma_start3A_310 : memref<10240x128xf32, #tpu.memory_space<vmem_shared>>) offsets(%arg14 : memref<80xi32, #tpu.memory_space<vmem>>) semaphore(%arg31 : memref<!tpu.dma_semaphore, #tpu.memory_space<semaphore_mem>>) {add = true}
      %dma_start3A_311 = arith.constant 0 : i32
      %dma_start3A_312 = tpu.memref_slice %arg26[%dma_start3A_311] : memref<10240xf32, #tpu.memory_space<vmem_shared>> -> memref<10240xf32, #tpu.memory_space<vmem_shared>>
      tpu.enqueue_indirect_dma source(%arg18 : memref<80xf32, #tpu.memory_space<vmem>>) target(%dma_start3A_312 : memref<10240xf32, #tpu.memory_space<vmem_shared>>) offsets(%arg14 : memref<80xi32, #tpu.memory_space<vmem>>) semaphore(%arg31 : memref<!tpu.dma_semaphore, #tpu.memory_space<semaphore_mem>>) {add = true}
      %mul3A_313 = arith.constant 2 : i32
      %mul3A_314 = arith.muli %mul3A_313, %add3A_172 : i32
      %add3A_315 = arith.constant 1 : i32
      %add3A_316 = arith.addi %mul3A_314, %add3A_315 : i32
      %dma_wait3A_317 = arith.constant 0 : i32
      %dma_wait3A_318 = tpu.memref_slice %arg5[%dma_wait3A_317] : memref<320000xf32, #tpu.memory_space<hbm>> -> memref<80xf32, #tpu.memory_space<hbm>>
      %dma_wait3A_319 = arith.constant 0 : i32
      %dma_wait3A_320 = tpu.memref_slice %arg5[%dma_wait3A_319] : memref<320000xf32, #tpu.memory_space<hbm>> -> memref<80xf32, #tpu.memory_space<hbm>>
      tpu.wait_dma2 semaphore(%arg30 : memref<!tpu.dma_semaphore, #tpu.memory_space<semaphore_mem>>) src(%dma_wait3A_320 : memref<80xf32, #tpu.memory_space<hbm>>) dst(%arg17 : memref<80xf32, #tpu.memory_space<vmem>>)
      %dma_wait3A_321 = arith.constant 0 : i32
      %dma_wait3A_322 = tpu.memref_slice %arg4[%dma_wait3A_321] : memref<320000xi32, #tpu.memory_space<hbm>> -> memref<80xi32, #tpu.memory_space<hbm>>
      %dma_wait3A_323 = arith.constant 0 : i32
      %dma_wait3A_324 = tpu.memref_slice %arg4[%dma_wait3A_323] : memref<320000xi32, #tpu.memory_space<hbm>> -> memref<80xi32, #tpu.memory_space<hbm>>
      tpu.wait_dma2 semaphore(%arg30 : memref<!tpu.dma_semaphore, #tpu.memory_space<semaphore_mem>>) src(%dma_wait3A_324 : memref<80xi32, #tpu.memory_space<hbm>>) dst(%arg15 : memref<80xi32, #tpu.memory_space<vmem>>)
      %dma_wait3A_325 = arith.constant 0 : i32
      %dma_wait3A_326 = arith.constant 0 : i32
      %dma_wait3A_327 = tpu.memref_slice %arg2[%dma_wait3A_325, %dma_wait3A_326] : memref<10000x128xf32, #tpu.memory_space<hbm>> -> memref<10000x128xf32, #tpu.memory_space<hbm>>
      tpu.wait_indirect_dma semaphore(%arg30 : memref<!tpu.dma_semaphore, #tpu.memory_space<semaphore_mem>>) src(%dma_wait3A_327 : memref<10000x128xf32, #tpu.memory_space<hbm>>) dst(%arg23 : memref<80x128xf32, #tpu.memory_space<vmem>>)
      %dma_wait3A_328 = arith.constant 0 : i32
      %dma_wait3A_329 = tpu.memref_slice %arg3[%dma_wait3A_328] : memref<320000xi32, #tpu.memory_space<hbm>> -> memref<80xi32, #tpu.memory_space<hbm>>
      %dma_wait3A_330 = arith.constant 0 : i32
      %dma_wait3A_331 = tpu.memref_slice %arg3[%dma_wait3A_330] : memref<320000xi32, #tpu.memory_space<hbm>> -> memref<80xi32, #tpu.memory_space<hbm>>
      tpu.wait_dma2 semaphore(%arg27 : memref<!tpu.dma_semaphore, #tpu.memory_space<semaphore_mem>>) src(%dma_wait3A_331 : memref<80xi32, #tpu.memory_space<hbm>>) dst(%arg10 : memref<80xi32, #tpu.memory_space<vmem>>)
      %dma_wait3A_332 = arith.constant 0 : i32
      %dma_wait3A_333 = tpu.memref_slice %arg4[%dma_wait3A_332] : memref<320000xi32, #tpu.memory_space<hbm>> -> memref<80xi32, #tpu.memory_space<hbm>>
      %dma_wait3A_334 = arith.constant 0 : i32
      %dma_wait3A_335 = tpu.memref_slice %arg4[%dma_wait3A_334] : memref<320000xi32, #tpu.memory_space<hbm>> -> memref<80xi32, #tpu.memory_space<hbm>>
      tpu.wait_dma2 semaphore(%arg27 : memref<!tpu.dma_semaphore, #tpu.memory_space<semaphore_mem>>) src(%dma_wait3A_335 : memref<80xi32, #tpu.memory_space<hbm>>) dst(%arg12 : memref<80xi32, #tpu.memory_space<vmem>>)
      %ge3A_336 = arith.constant 1 : i32
      %ge3A_337 = arith.cmpi sge, %add3A_316, %ge3A_336 : i32
      %convert_element_type3A_338 = arith.extui %ge3A_337 : i1 to i32
      %cond3A_339 = arith.constant 0 : i32
      %cond3A_340 = arith.cmpi ne, %convert_element_type3A_338, %cond3A_339 : i32
      scf.if %cond3A_340 {
        %dma_wait3A_455 = arith.constant 0 : i32
        %dma_wait3A_456 = arith.constant 0 : i32
        %dma_wait3A_457 = tpu.memref_slice %arg25[%dma_wait3A_455, %dma_wait3A_456] : memref<10240x128xf32, #tpu.memory_space<vmem_shared>> -> memref<10240x128xf32, #tpu.memory_space<vmem_shared>>
        tpu.wait_indirect_dma semaphore(%arg31 : memref<!tpu.dma_semaphore, #tpu.memory_space<semaphore_mem>>) src(%arg22 : memref<80x128xf32, #tpu.memory_space<vmem>>) dst(%dma_wait3A_457 : memref<10240x128xf32, #tpu.memory_space<vmem_shared>>)
        %dma_wait3A_458 = arith.constant 0 : i32
        %dma_wait3A_459 = tpu.memref_slice %arg26[%dma_wait3A_458] : memref<10240xf32, #tpu.memory_space<vmem_shared>> -> memref<10240xf32, #tpu.memory_space<vmem_shared>>
        tpu.wait_indirect_dma semaphore(%arg31 : memref<!tpu.dma_semaphore, #tpu.memory_space<semaphore_mem>>) src(%arg18 : memref<80xf32, #tpu.memory_space<vmem>>) dst(%dma_wait3A_459 : memref<10240xf32, #tpu.memory_space<vmem_shared>>)
      } else {
      }
      %add3A_341 = arith.constant 1 : i32
      %add3A_342 = arith.addi %add3A_316, %add3A_341 : i32
      %mul3A_343 = arith.constant 80 : i32
      %mul3A_344 = arith.muli %add3A_342, %mul3A_343 : i32
      %add3A_345 = arith.addi %mul3A_19, %mul3A_344 : i32
      %dma_start3A_346 = tpu.memref_slice %arg5[%add3A_345] : memref<320000xf32, #tpu.memory_space<hbm>> -> memref<80xf32, #tpu.memory_space<hbm>>
      %dma_start3A_347 = tpu.memref_slice %arg5[%add3A_345] : memref<320000xf32, #tpu.memory_space<hbm>> -> memref<80xf32, #tpu.memory_space<hbm>>
      tpu.enqueue_dma source(%dma_start3A_347 : memref<80xf32, #tpu.memory_space<hbm>>) target(%arg16 : memref<80xf32, #tpu.memory_space<vmem>>) target_semaphore(%arg29 : memref<!tpu.dma_semaphore, #tpu.memory_space<semaphore_mem>>)
      %dma_start3A_348 = tpu.memref_slice %arg4[%add3A_345] : memref<320000xi32, #tpu.memory_space<hbm>> -> memref<80xi32, #tpu.memory_space<hbm>>
      %dma_start3A_349 = tpu.memref_slice %arg4[%add3A_345] : memref<320000xi32, #tpu.memory_space<hbm>> -> memref<80xi32, #tpu.memory_space<hbm>>
      tpu.enqueue_dma source(%dma_start3A_349 : memref<80xi32, #tpu.memory_space<hbm>>) target(%arg14 : memref<80xi32, #tpu.memory_space<vmem>>) target_semaphore(%arg29 : memref<!tpu.dma_semaphore, #tpu.memory_space<semaphore_mem>>)
      %dma_start3A_350 = arith.constant 0 : i32
      %dma_start3A_351 = arith.constant 0 : i32
      %dma_start3A_352 = tpu.memref_slice %arg2[%dma_start3A_350, %dma_start3A_351] : memref<10000x128xf32, #tpu.memory_space<hbm>> -> memref<10000x128xf32, #tpu.memory_space<hbm>>
      tpu.enqueue_indirect_dma source(%dma_start3A_352 : memref<10000x128xf32, #tpu.memory_space<hbm>>) target(%arg22 : memref<80x128xf32, #tpu.memory_space<vmem>>) offsets(%arg10 : memref<80xi32, #tpu.memory_space<vmem>>) semaphore(%arg29 : memref<!tpu.dma_semaphore, #tpu.memory_space<semaphore_mem>>)
      %get3A_353 = arith.constant 0 : index
      %get3A_354 = tpu.vector_load %arg11[%get3A_353] {strides = array<i32>} : memref<80xi32, #tpu.memory_space<vmem>>, vector<16xi32>,
      %get3A_355 = arith.constant 0 : index
      %get3A_356 = tpu.vector_load %arg13[%get3A_355] {strides = array<i32>} : memref<80xi32, #tpu.memory_space<vmem>>, vector<16xi32>,
      %gather3A_357 = tpu.vector_load_idx %arg20[%get3A_354] : memref<10000xf32, #tpu.memory_space<vmem>>[vector<16xi32>], vector<16xf32>,
      %gather3A_358 = tpu.vector_load_idx %arg21[%get3A_356] : memref<10000xf32, #tpu.memory_space<vmem>>[vector<16xi32>], vector<16xf32>,
      %add3A_359 = arith.addf %gather3A_357, %gather3A_358 : vector<16xf32>
      %get3A_360 = arith.constant 0 : index
      %get3A_361 = tpu.vector_load %arg17[%get3A_360] {strides = array<i32>} : memref<80xf32, #tpu.memory_space<vmem>>, vector<16xf32>,
      %add3A_362 = arith.addf %add3A_359, %get3A_361 : vector<16xf32>
      %mul3A_363 = arith.constant 2.000000e-01 : f32
      %mul3A_364 = vector.broadcast %mul3A_363 : f32 to vector<16xf32>
      %mul3A_365 = arith.mulf %add3A_362, %mul3A_364 : vector<16xf32>
      %max3A_366 = arith.maximumf %add3A_362, %mul3A_365 : vector<16xf32>
      %exp3A_367 = math.exp %max3A_366 : vector<16xf32>
      %swap3A_368 = arith.constant 0 : index
      %swap3A_369 = tpu.vector_load %arg19[%swap3A_368] {strides = array<i32>} : memref<80xf32, #tpu.memory_space<vmem>>, vector<16xf32>,
      tpu.vector_store %arg19[%swap3A_368], %exp3A_367 {strides = array<i32>} : memref<80xf32, #tpu.memory_space<vmem>>, vector<16xf32>,
      %get3A_370 = arith.constant 16 : index
      %get3A_371 = tpu.vector_load %arg11[%get3A_370] {strides = array<i32>} : memref<80xi32, #tpu.memory_space<vmem>>, vector<16xi32>,
      %get3A_372 = arith.constant 16 : index
      %get3A_373 = tpu.vector_load %arg13[%get3A_372] {strides = array<i32>} : memref<80xi32, #tpu.memory_space<vmem>>, vector<16xi32>,
      %gather3A_374 = tpu.vector_load_idx %arg20[%get3A_371] : memref<10000xf32, #tpu.memory_space<vmem>>[vector<16xi32>], vector<16xf32>,
      %gather3A_375 = tpu.vector_load_idx %arg21[%get3A_373] : memref<10000xf32, #tpu.memory_space<vmem>>[vector<16xi32>], vector<16xf32>,
      %add3A_376 = arith.addf %gather3A_374, %gather3A_375 : vector<16xf32>
      %get3A_377 = arith.constant 16 : index
      %get3A_378 = tpu.vector_load %arg17[%get3A_377] {strides = array<i32>} : memref<80xf32, #tpu.memory_space<vmem>>, vector<16xf32>,
      %add3A_379 = arith.addf %add3A_376, %get3A_378 : vector<16xf32>
      %mul3A_380 = arith.constant 2.000000e-01 : f32
      %mul3A_381 = vector.broadcast %mul3A_380 : f32 to vector<16xf32>
      %mul3A_382 = arith.mulf %add3A_379, %mul3A_381 : vector<16xf32>
      %max3A_383 = arith.maximumf %add3A_379, %mul3A_382 : vector<16xf32>
      %exp3A_384 = math.exp %max3A_383 : vector<16xf32>
      %swap3A_385 = arith.constant 16 : index
      %swap3A_386 = tpu.vector_load %arg19[%swap3A_385] {strides = array<i32>} : memref<80xf32, #tpu.memory_space<vmem>>, vector<16xf32>,
      tpu.vector_store %arg19[%swap3A_385], %exp3A_384 {strides = array<i32>} : memref<80xf32, #tpu.memory_space<vmem>>, vector<16xf32>,
      %get3A_387 = arith.constant 32 : index
      %get3A_388 = tpu.vector_load %arg11[%get3A_387] {strides = array<i32>} : memref<80xi32, #tpu.memory_space<vmem>>, vector<16xi32>,
      %get3A_389 = arith.constant 32 : index
      %get3A_390 = tpu.vector_load %arg13[%get3A_389] {strides = array<i32>} : memref<80xi32, #tpu.memory_space<vmem>>, vector<16xi32>,
      %gather3A_391 = tpu.vector_load_idx %arg20[%get3A_388] : memref<10000xf32, #tpu.memory_space<vmem>>[vector<16xi32>], vector<16xf32>,
      %gather3A_392 = tpu.vector_load_idx %arg21[%get3A_390] : memref<10000xf32, #tpu.memory_space<vmem>>[vector<16xi32>], vector<16xf32>,
      %add3A_393 = arith.addf %gather3A_391, %gather3A_392 : vector<16xf32>
      %get3A_394 = arith.constant 32 : index
      %get3A_395 = tpu.vector_load %arg17[%get3A_394] {strides = array<i32>} : memref<80xf32, #tpu.memory_space<vmem>>, vector<16xf32>,
      %add3A_396 = arith.addf %add3A_393, %get3A_395 : vector<16xf32>
      %mul3A_397 = arith.constant 2.000000e-01 : f32
      %mul3A_398 = vector.broadcast %mul3A_397 : f32 to vector<16xf32>
      %mul3A_399 = arith.mulf %add3A_396, %mul3A_398 : vector<16xf32>
      %max3A_400 = arith.maximumf %add3A_396, %mul3A_399 : vector<16xf32>
      %exp3A_401 = math.exp %max3A_400 : vector<16xf32>
      %swap3A_402 = arith.constant 32 : index
      %swap3A_403 = tpu.vector_load %arg19[%swap3A_402] {strides = array<i32>} : memref<80xf32, #tpu.memory_space<vmem>>, vector<16xf32>,
      tpu.vector_store %arg19[%swap3A_402], %exp3A_401 {strides = array<i32>} : memref<80xf32, #tpu.memory_space<vmem>>, vector<16xf32>,
      %get3A_404 = arith.constant 48 : index
      %get3A_405 = tpu.vector_load %arg11[%get3A_404] {strides = array<i32>} : memref<80xi32, #tpu.memory_space<vmem>>, vector<16xi32>,
      %get3A_406 = arith.constant 48 : index
      %get3A_407 = tpu.vector_load %arg13[%get3A_406] {strides = array<i32>} : memref<80xi32, #tpu.memory_space<vmem>>, vector<16xi32>,
      %gather3A_408 = tpu.vector_load_idx %arg20[%get3A_405] : memref<10000xf32, #tpu.memory_space<vmem>>[vector<16xi32>], vector<16xf32>,
      %gather3A_409 = tpu.vector_load_idx %arg21[%get3A_407] : memref<10000xf32, #tpu.memory_space<vmem>>[vector<16xi32>], vector<16xf32>,
      %add3A_410 = arith.addf %gather3A_408, %gather3A_409 : vector<16xf32>
      %get3A_411 = arith.constant 48 : index
      %get3A_412 = tpu.vector_load %arg17[%get3A_411] {strides = array<i32>} : memref<80xf32, #tpu.memory_space<vmem>>, vector<16xf32>,
      %add3A_413 = arith.addf %add3A_410, %get3A_412 : vector<16xf32>
      %mul3A_414 = arith.constant 2.000000e-01 : f32
      %mul3A_415 = vector.broadcast %mul3A_414 : f32 to vector<16xf32>
      %mul3A_416 = arith.mulf %add3A_413, %mul3A_415 : vector<16xf32>
      %max3A_417 = arith.maximumf %add3A_413, %mul3A_416 : vector<16xf32>
      %exp3A_418 = math.exp %max3A_417 : vector<16xf32>
      %swap3A_419 = arith.constant 48 : index
      %swap3A_420 = tpu.vector_load %arg19[%swap3A_419] {strides = array<i32>} : memref<80xf32, #tpu.memory_space<vmem>>, vector<16xf32>,
      tpu.vector_store %arg19[%swap3A_419], %exp3A_418 {strides = array<i32>} : memref<80xf32, #tpu.memory_space<vmem>>, vector<16xf32>,
      %get3A_421 = arith.constant 64 : index
      %get3A_422 = tpu.vector_load %arg11[%get3A_421] {strides = array<i32>} : memref<80xi32, #tpu.memory_space<vmem>>, vector<16xi32>,
      %get3A_423 = arith.constant 64 : index
      %get3A_424 = tpu.vector_load %arg13[%get3A_423] {strides = array<i32>} : memref<80xi32, #tpu.memory_space<vmem>>, vector<16xi32>,
      %gather3A_425 = tpu.vector_load_idx %arg20[%get3A_422] : memref<10000xf32, #tpu.memory_space<vmem>>[vector<16xi32>], vector<16xf32>,
      %gather3A_426 = tpu.vector_load_idx %arg21[%get3A_424] : memref<10000xf32, #tpu.memory_space<vmem>>[vector<16xi32>], vector<16xf32>,
      %add3A_427 = arith.addf %gather3A_425, %gather3A_426 : vector<16xf32>
      %get3A_428 = arith.constant 64 : index
      %get3A_429 = tpu.vector_load %arg17[%get3A_428] {strides = array<i32>} : memref<80xf32, #tpu.memory_space<vmem>>, vector<16xf32>,
      %add3A_430 = arith.addf %add3A_427, %get3A_429 : vector<16xf32>
      %mul3A_431 = arith.constant 2.000000e-01 : f32
      %mul3A_432 = vector.broadcast %mul3A_431 : f32 to vector<16xf32>
      %mul3A_433 = arith.mulf %add3A_430, %mul3A_432 : vector<16xf32>
      %max3A_434 = arith.maximumf %add3A_430, %mul3A_433 : vector<16xf32>
      %exp3A_435 = math.exp %max3A_434 : vector<16xf32>
      %swap3A_436 = arith.constant 64 : index
      %swap3A_437 = tpu.vector_load %arg19[%swap3A_436] {strides = array<i32>} : memref<80xf32, #tpu.memory_space<vmem>>, vector<16xf32>,
      tpu.vector_store %arg19[%swap3A_436], %exp3A_435 {strides = array<i32>} : memref<80xf32, #tpu.memory_space<vmem>>, vector<16xf32>,
      %scan3A_438 = arith.constant 0 : i32
      %scan3A_439 = arith.constant 20 : i32
      %scan3A_440 = arith.addi %scan3A_438, %scan3A_439 : i32
      %scan3A_441 = arith.constant 1 : i32
      scf.for %scan3A_455 = %scan3A_438 to %scan3A_440 step %scan3A_441  : i32 {
        %mul3A_456 = arith.constant 4 : i32
        %mul3A_457 = arith.muli %scan3A_455, %mul3A_456 : i32
        %add3A_458 = arith.constant 0 : i32
        %add3A_459 = arith.addi %add3A_458, %mul3A_457 : i32
        %add3A_460 = arith.constant 0 : i32
        %add3A_461 = arith.addi %add3A_459, %add3A_460 : i32
        %broadcast_in_dim3A_462 = arith.constant 0 : i32
        %broadcast_in_dim3A_463 = vector.broadcast %broadcast_in_dim3A_462 : i32 to vector<16xi32>
        %add3A_464 = vector.broadcast %add3A_461 : i32 to vector<16xi32>
        %add3A_465 = arith.addi %broadcast_in_dim3A_463, %add3A_464 : vector<16xi32>
        %gather3A_466 = tpu.vector_load_idx %arg19[%add3A_465] : memref<80xf32, #tpu.memory_space<vmem>>[vector<16xi32>], vector<16xf32>,
        %get3A_467 = arith.constant 0 : i32
        %get3A_468 = tpu.memref_slice %arg23[%add3A_461, %get3A_467] : memref<80x128xf32, #tpu.memory_space<vmem>> -> memref<1x128xf32, #tpu.memory_space<vmem>>
        %get3A_469 = tpu.memref_squeeze %get3A_468 : memref<1x128xf32, #tpu.memory_space<vmem>> -> memref<128xf32, #tpu.memory_space<vmem>>
        %get3A_470 = arith.constant 0 : index
        %get3A_471 = tpu.vector_load %get3A_469[%get3A_470] {strides = array<i32>} : memref<128xf32, #tpu.memory_space<vmem>>, vector<16xf32>,
        %mul3A_472 = arith.mulf %get3A_471, %gather3A_466 : vector<16xf32>
        %swap3A_473 = arith.constant 0 : i32
        %swap3A_474 = tpu.memref_slice %arg23[%add3A_461, %swap3A_473] : memref<80x128xf32, #tpu.memory_space<vmem>> -> memref<1x128xf32, #tpu.memory_space<vmem>>
        %swap3A_475 = tpu.memref_squeeze %swap3A_474 : memref<1x128xf32, #tpu.memory_space<vmem>> -> memref<128xf32, #tpu.memory_space<vmem>>
        %swap3A_476 = arith.constant 0 : index
        %swap3A_477 = tpu.vector_load %swap3A_475[%swap3A_476] {strides = array<i32>} : memref<128xf32, #tpu.memory_space<vmem>>, vector<16xf32>,
        tpu.vector_store %swap3A_475[%swap3A_476], %mul3A_472 {strides = array<i32>} : memref<128xf32, #tpu.memory_space<vmem>>, vector<16xf32>,
        %get3A_478 = arith.constant 0 : i32
        %get3A_479 = tpu.memref_slice %arg23[%add3A_461, %get3A_478] : memref<80x128xf32, #tpu.memory_space<vmem>> -> memref<1x128xf32, #tpu.memory_space<vmem>>
        %get3A_480 = tpu.memref_squeeze %get3A_479 : memref<1x128xf32, #tpu.memory_space<vmem>> -> memref<128xf32, #tpu.memory_space<vmem>>
        %get3A_481 = arith.constant 16 : index
        %get3A_482 = tpu.vector_load %get3A_480[%get3A_481] {strides = array<i32>} : memref<128xf32, #tpu.memory_space<vmem>>, vector<16xf32>,
        %mul3A_483 = arith.mulf %get3A_482, %gather3A_466 : vector<16xf32>
        %swap3A_484 = arith.constant 0 : i32
        %swap3A_485 = tpu.memref_slice %arg23[%add3A_461, %swap3A_484] : memref<80x128xf32, #tpu.memory_space<vmem>> -> memref<1x128xf32, #tpu.memory_space<vmem>>
        %swap3A_486 = tpu.memref_squeeze %swap3A_485 : memref<1x128xf32, #tpu.memory_space<vmem>> -> memref<128xf32, #tpu.memory_space<vmem>>
        %swap3A_487 = arith.constant 16 : index
        %swap3A_488 = tpu.vector_load %swap3A_486[%swap3A_487] {strides = array<i32>} : memref<128xf32, #tpu.memory_space<vmem>>, vector<16xf32>,
        tpu.vector_store %swap3A_486[%swap3A_487], %mul3A_483 {strides = array<i32>} : memref<128xf32, #tpu.memory_space<vmem>>, vector<16xf32>,
        %get3A_489 = arith.constant 0 : i32
        %get3A_490 = tpu.memref_slice %arg23[%add3A_461, %get3A_489] : memref<80x128xf32, #tpu.memory_space<vmem>> -> memref<1x128xf32, #tpu.memory_space<vmem>>
        %get3A_491 = tpu.memref_squeeze %get3A_490 : memref<1x128xf32, #tpu.memory_space<vmem>> -> memref<128xf32, #tpu.memory_space<vmem>>
        %get3A_492 = arith.constant 32 : index
        %get3A_493 = tpu.vector_load %get3A_491[%get3A_492] {strides = array<i32>} : memref<128xf32, #tpu.memory_space<vmem>>, vector<16xf32>,
        %mul3A_494 = arith.mulf %get3A_493, %gather3A_466 : vector<16xf32>
        %swap3A_495 = arith.constant 0 : i32
        %swap3A_496 = tpu.memref_slice %arg23[%add3A_461, %swap3A_495] : memref<80x128xf32, #tpu.memory_space<vmem>> -> memref<1x128xf32, #tpu.memory_space<vmem>>
        %swap3A_497 = tpu.memref_squeeze %swap3A_496 : memref<1x128xf32, #tpu.memory_space<vmem>> -> memref<128xf32, #tpu.memory_space<vmem>>
        %swap3A_498 = arith.constant 32 : index
        %swap3A_499 = tpu.vector_load %swap3A_497[%swap3A_498] {strides = array<i32>} : memref<128xf32, #tpu.memory_space<vmem>>, vector<16xf32>,
        tpu.vector_store %swap3A_497[%swap3A_498], %mul3A_494 {strides = array<i32>} : memref<128xf32, #tpu.memory_space<vmem>>, vector<16xf32>,
        %get3A_500 = arith.constant 0 : i32
        %get3A_501 = tpu.memref_slice %arg23[%add3A_461, %get3A_500] : memref<80x128xf32, #tpu.memory_space<vmem>> -> memref<1x128xf32, #tpu.memory_space<vmem>>
        %get3A_502 = tpu.memref_squeeze %get3A_501 : memref<1x128xf32, #tpu.memory_space<vmem>> -> memref<128xf32, #tpu.memory_space<vmem>>
        %get3A_503 = arith.constant 48 : index
        %get3A_504 = tpu.vector_load %get3A_502[%get3A_503] {strides = array<i32>} : memref<128xf32, #tpu.memory_space<vmem>>, vector<16xf32>,
        %mul3A_505 = arith.mulf %get3A_504, %gather3A_466 : vector<16xf32>
        %swap3A_506 = arith.constant 0 : i32
        %swap3A_507 = tpu.memref_slice %arg23[%add3A_461, %swap3A_506] : memref<80x128xf32, #tpu.memory_space<vmem>> -> memref<1x128xf32, #tpu.memory_space<vmem>>
        %swap3A_508 = tpu.memref_squeeze %swap3A_507 : memref<1x128xf32, #tpu.memory_space<vmem>> -> memref<128xf32, #tpu.memory_space<vmem>>
        %swap3A_509 = arith.constant 48 : index
        %swap3A_510 = tpu.vector_load %swap3A_508[%swap3A_509] {strides = array<i32>} : memref<128xf32, #tpu.memory_space<vmem>>, vector<16xf32>,
        tpu.vector_store %swap3A_508[%swap3A_509], %mul3A_505 {strides = array<i32>} : memref<128xf32, #tpu.memory_space<vmem>>, vector<16xf32>,
        %get3A_511 = arith.constant 0 : i32
        %get3A_512 = tpu.memref_slice %arg23[%add3A_461, %get3A_511] : memref<80x128xf32, #tpu.memory_space<vmem>> -> memref<1x128xf32, #tpu.memory_space<vmem>>
        %get3A_513 = tpu.memref_squeeze %get3A_512 : memref<1x128xf32, #tpu.memory_space<vmem>> -> memref<128xf32, #tpu.memory_space<vmem>>
        %get3A_514 = arith.constant 64 : index
        %get3A_515 = tpu.vector_load %get3A_513[%get3A_514] {strides = array<i32>} : memref<128xf32, #tpu.memory_space<vmem>>, vector<16xf32>,
        %mul3A_516 = arith.mulf %get3A_515, %gather3A_466 : vector<16xf32>
        %swap3A_517 = arith.constant 0 : i32
        %swap3A_518 = tpu.memref_slice %arg23[%add3A_461, %swap3A_517] : memref<80x128xf32, #tpu.memory_space<vmem>> -> memref<1x128xf32, #tpu.memory_space<vmem>>
        %swap3A_519 = tpu.memref_squeeze %swap3A_518 : memref<1x128xf32, #tpu.memory_space<vmem>> -> memref<128xf32, #tpu.memory_space<vmem>>
        %swap3A_520 = arith.constant 64 : index
        %swap3A_521 = tpu.vector_load %swap3A_519[%swap3A_520] {strides = array<i32>} : memref<128xf32, #tpu.memory_space<vmem>>, vector<16xf32>,
        tpu.vector_store %swap3A_519[%swap3A_520], %mul3A_516 {strides = array<i32>} : memref<128xf32, #tpu.memory_space<vmem>>, vector<16xf32>,
        %get3A_522 = arith.constant 0 : i32
        %get3A_523 = tpu.memref_slice %arg23[%add3A_461, %get3A_522] : memref<80x128xf32, #tpu.memory_space<vmem>> -> memref<1x128xf32, #tpu.memory_space<vmem>>
        %get3A_524 = tpu.memref_squeeze %get3A_523 : memref<1x128xf32, #tpu.memory_space<vmem>> -> memref<128xf32, #tpu.memory_space<vmem>>
        %get3A_525 = arith.constant 80 : index
        %get3A_526 = tpu.vector_load %get3A_524[%get3A_525] {strides = array<i32>} : memref<128xf32, #tpu.memory_space<vmem>>, vector<16xf32>,
        %mul3A_527 = arith.mulf %get3A_526, %gather3A_466 : vector<16xf32>
        %swap3A_528 = arith.constant 0 : i32
        %swap3A_529 = tpu.memref_slice %arg23[%add3A_461, %swap3A_528] : memref<80x128xf32, #tpu.memory_space<vmem>> -> memref<1x128xf32, #tpu.memory_space<vmem>>
        %swap3A_530 = tpu.memref_squeeze %swap3A_529 : memref<1x128xf32, #tpu.memory_space<vmem>> -> memref<128xf32, #tpu.memory_space<vmem>>
        %swap3A_531 = arith.constant 80 : index
        %swap3A_532 = tpu.vector_load %swap3A_530[%swap3A_531] {strides = array<i32>} : memref<128xf32, #tpu.memory_space<vmem>>, vector<16xf32>,
        tpu.vector_store %swap3A_530[%swap3A_531], %mul3A_527 {strides = array<i32>} : memref<128xf32, #tpu.memory_space<vmem>>, vector<16xf32>,
        %get3A_533 = arith.constant 0 : i32
        %get3A_534 = tpu.memref_slice %arg23[%add3A_461, %get3A_533] : memref<80x128xf32, #tpu.memory_space<vmem>> -> memref<1x128xf32, #tpu.memory_space<vmem>>
        %get3A_535 = tpu.memref_squeeze %get3A_534 : memref<1x128xf32, #tpu.memory_space<vmem>> -> memref<128xf32, #tpu.memory_space<vmem>>
        %get3A_536 = arith.constant 96 : index
        %get3A_537 = tpu.vector_load %get3A_535[%get3A_536] {strides = array<i32>} : memref<128xf32, #tpu.memory_space<vmem>>, vector<16xf32>,
        %mul3A_538 = arith.mulf %get3A_537, %gather3A_466 : vector<16xf32>
        %swap3A_539 = arith.constant 0 : i32
        %swap3A_540 = tpu.memref_slice %arg23[%add3A_461, %swap3A_539] : memref<80x128xf32, #tpu.memory_space<vmem>> -> memref<1x128xf32, #tpu.memory_space<vmem>>
        %swap3A_541 = tpu.memref_squeeze %swap3A_540 : memref<1x128xf32, #tpu.memory_space<vmem>> -> memref<128xf32, #tpu.memory_space<vmem>>
        %swap3A_542 = arith.constant 96 : index
        %swap3A_543 = tpu.vector_load %swap3A_541[%swap3A_542] {strides = array<i32>} : memref<128xf32, #tpu.memory_space<vmem>>, vector<16xf32>,
        tpu.vector_store %swap3A_541[%swap3A_542], %mul3A_538 {strides = array<i32>} : memref<128xf32, #tpu.memory_space<vmem>>, vector<16xf32>,
        %get3A_544 = arith.constant 0 : i32
        %get3A_545 = tpu.memref_slice %arg23[%add3A_461, %get3A_544] : memref<80x128xf32, #tpu.memory_space<vmem>> -> memref<1x128xf32, #tpu.memory_space<vmem>>
        %get3A_546 = tpu.memref_squeeze %get3A_545 : memref<1x128xf32, #tpu.memory_space<vmem>> -> memref<128xf32, #tpu.memory_space<vmem>>
        %get3A_547 = arith.constant 112 : index
        %get3A_548 = tpu.vector_load %get3A_546[%get3A_547] {strides = array<i32>} : memref<128xf32, #tpu.memory_space<vmem>>, vector<16xf32>,
        %mul3A_549 = arith.mulf %get3A_548, %gather3A_466 : vector<16xf32>
        %swap3A_550 = arith.constant 0 : i32
        %swap3A_551 = tpu.memref_slice %arg23[%add3A_461, %swap3A_550] : memref<80x128xf32, #tpu.memory_space<vmem>> -> memref<1x128xf32, #tpu.memory_space<vmem>>
        %swap3A_552 = tpu.memref_squeeze %swap3A_551 : memref<1x128xf32, #tpu.memory_space<vmem>> -> memref<128xf32, #tpu.memory_space<vmem>>
        %swap3A_553 = arith.constant 112 : index
        %swap3A_554 = tpu.vector_load %swap3A_552[%swap3A_553] {strides = array<i32>} : memref<128xf32, #tpu.memory_space<vmem>>, vector<16xf32>,
        tpu.vector_store %swap3A_552[%swap3A_553], %mul3A_549 {strides = array<i32>} : memref<128xf32, #tpu.memory_space<vmem>>, vector<16xf32>,
        %add3A_555 = arith.constant 1 : i32
        %add3A_556 = arith.addi %add3A_459, %add3A_555 : i32
        %broadcast_in_dim3A_557 = arith.constant 0 : i32
        %broadcast_in_dim3A_558 = vector.broadcast %broadcast_in_dim3A_557 : i32 to vector<16xi32>
        %add3A_559 = vector.broadcast %add3A_556 : i32 to vector<16xi32>
        %add3A_560 = arith.addi %broadcast_in_dim3A_558, %add3A_559 : vector<16xi32>
        %gather3A_561 = tpu.vector_load_idx %arg19[%add3A_560] : memref<80xf32, #tpu.memory_space<vmem>>[vector<16xi32>], vector<16xf32>,
        %get3A_562 = arith.constant 0 : i32
        %get3A_563 = tpu.memref_slice %arg23[%add3A_556, %get3A_562] : memref<80x128xf32, #tpu.memory_space<vmem>> -> memref<1x128xf32, #tpu.memory_space<vmem>>
        %get3A_564 = tpu.memref_squeeze %get3A_563 : memref<1x128xf32, #tpu.memory_space<vmem>> -> memref<128xf32, #tpu.memory_space<vmem>>
        %get3A_565 = arith.constant 0 : index
        %get3A_566 = tpu.vector_load %get3A_564[%get3A_565] {strides = array<i32>} : memref<128xf32, #tpu.memory_space<vmem>>, vector<16xf32>,
        %mul3A_567 = arith.mulf %get3A_566, %gather3A_561 : vector<16xf32>
        %swap3A_568 = arith.constant 0 : i32
        %swap3A_569 = tpu.memref_slice %arg23[%add3A_556, %swap3A_568] : memref<80x128xf32, #tpu.memory_space<vmem>> -> memref<1x128xf32, #tpu.memory_space<vmem>>
        %swap3A_570 = tpu.memref_squeeze %swap3A_569 : memref<1x128xf32, #tpu.memory_space<vmem>> -> memref<128xf32, #tpu.memory_space<vmem>>
        %swap3A_571 = arith.constant 0 : index
        %swap3A_572 = tpu.vector_load %swap3A_570[%swap3A_571] {strides = array<i32>} : memref<128xf32, #tpu.memory_space<vmem>>, vector<16xf32>,
        tpu.vector_store %swap3A_570[%swap3A_571], %mul3A_567 {strides = array<i32>} : memref<128xf32, #tpu.memory_space<vmem>>, vector<16xf32>,
        %get3A_573 = arith.constant 0 : i32
        %get3A_574 = tpu.memref_slice %arg23[%add3A_556, %get3A_573] : memref<80x128xf32, #tpu.memory_space<vmem>> -> memref<1x128xf32, #tpu.memory_space<vmem>>
        %get3A_575 = tpu.memref_squeeze %get3A_574 : memref<1x128xf32, #tpu.memory_space<vmem>> -> memref<128xf32, #tpu.memory_space<vmem>>
        %get3A_576 = arith.constant 16 : index
        %get3A_577 = tpu.vector_load %get3A_575[%get3A_576] {strides = array<i32>} : memref<128xf32, #tpu.memory_space<vmem>>, vector<16xf32>,
        %mul3A_578 = arith.mulf %get3A_577, %gather3A_561 : vector<16xf32>
        %swap3A_579 = arith.constant 0 : i32
        %swap3A_580 = tpu.memref_slice %arg23[%add3A_556, %swap3A_579] : memref<80x128xf32, #tpu.memory_space<vmem>> -> memref<1x128xf32, #tpu.memory_space<vmem>>
        %swap3A_581 = tpu.memref_squeeze %swap3A_580 : memref<1x128xf32, #tpu.memory_space<vmem>> -> memref<128xf32, #tpu.memory_space<vmem>>
        %swap3A_582 = arith.constant 16 : index
        %swap3A_583 = tpu.vector_load %swap3A_581[%swap3A_582] {strides = array<i32>} : memref<128xf32, #tpu.memory_space<vmem>>, vector<16xf32>,
        tpu.vector_store %swap3A_581[%swap3A_582], %mul3A_578 {strides = array<i32>} : memref<128xf32, #tpu.memory_space<vmem>>, vector<16xf32>,
        %get3A_584 = arith.constant 0 : i32
        %get3A_585 = tpu.memref_slice %arg23[%add3A_556, %get3A_584] : memref<80x128xf32, #tpu.memory_space<vmem>> -> memref<1x128xf32, #tpu.memory_space<vmem>>
        %get3A_586 = tpu.memref_squeeze %get3A_585 : memref<1x128xf32, #tpu.memory_space<vmem>> -> memref<128xf32, #tpu.memory_space<vmem>>
        %get3A_587 = arith.constant 32 : index
        %get3A_588 = tpu.vector_load %get3A_586[%get3A_587] {strides = array<i32>} : memref<128xf32, #tpu.memory_space<vmem>>, vector<16xf32>,
        %mul3A_589 = arith.mulf %get3A_588, %gather3A_561 : vector<16xf32>
        %swap3A_590 = arith.constant 0 : i32
        %swap3A_591 = tpu.memref_slice %arg23[%add3A_556, %swap3A_590] : memref<80x128xf32, #tpu.memory_space<vmem>> -> memref<1x128xf32, #tpu.memory_space<vmem>>
        %swap3A_592 = tpu.memref_squeeze %swap3A_591 : memref<1x128xf32, #tpu.memory_space<vmem>> -> memref<128xf32, #tpu.memory_space<vmem>>
        %swap3A_593 = arith.constant 32 : index
        %swap3A_594 = tpu.vector_load %swap3A_592[%swap3A_593] {strides = array<i32>} : memref<128xf32, #tpu.memory_space<vmem>>, vector<16xf32>,
        tpu.vector_store %swap3A_592[%swap3A_593], %mul3A_589 {strides = array<i32>} : memref<128xf32, #tpu.memory_space<vmem>>, vector<16xf32>,
        %get3A_595 = arith.constant 0 : i32
        %get3A_596 = tpu.memref_slice %arg23[%add3A_556, %get3A_595] : memref<80x128xf32, #tpu.memory_space<vmem>> -> memref<1x128xf32, #tpu.memory_space<vmem>>
        %get3A_597 = tpu.memref_squeeze %get3A_596 : memref<1x128xf32, #tpu.memory_space<vmem>> -> memref<128xf32, #tpu.memory_space<vmem>>
        %get3A_598 = arith.constant 48 : index
        %get3A_599 = tpu.vector_load %get3A_597[%get3A_598] {strides = array<i32>} : memref<128xf32, #tpu.memory_space<vmem>>, vector<16xf32>,
        %mul3A_600 = arith.mulf %get3A_599, %gather3A_561 : vector<16xf32>
        %swap3A_601 = arith.constant 0 : i32
        %swap3A_602 = tpu.memref_slice %arg23[%add3A_556, %swap3A_601] : memref<80x128xf32, #tpu.memory_space<vmem>> -> memref<1x128xf32, #tpu.memory_space<vmem>>
        %swap3A_603 = tpu.memref_squeeze %swap3A_602 : memref<1x128xf32, #tpu.memory_space<vmem>> -> memref<128xf32, #tpu.memory_space<vmem>>
        %swap3A_604 = arith.constant 48 : index
        %swap3A_605 = tpu.vector_load %swap3A_603[%swap3A_604] {strides = array<i32>} : memref<128xf32, #tpu.memory_space<vmem>>, vector<16xf32>,
        tpu.vector_store %swap3A_603[%swap3A_604], %mul3A_600 {strides = array<i32>} : memref<128xf32, #tpu.memory_space<vmem>>, vector<16xf32>,
        %get3A_606 = arith.constant 0 : i32
        %get3A_607 = tpu.memref_slice %arg23[%add3A_556, %get3A_606] : memref<80x128xf32, #tpu.memory_space<vmem>> -> memref<1x128xf32, #tpu.memory_space<vmem>>
        %get3A_608 = tpu.memref_squeeze %get3A_607 : memref<1x128xf32, #tpu.memory_space<vmem>> -> memref<128xf32, #tpu.memory_space<vmem>>
        %get3A_609 = arith.constant 64 : index
        %get3A_610 = tpu.vector_load %get3A_608[%get3A_609] {strides = array<i32>} : memref<128xf32, #tpu.memory_space<vmem>>, vector<16xf32>,
        %mul3A_611 = arith.mulf %get3A_610, %gather3A_561 : vector<16xf32>
        %swap3A_612 = arith.constant 0 : i32
        %swap3A_613 = tpu.memref_slice %arg23[%add3A_556, %swap3A_612] : memref<80x128xf32, #tpu.memory_space<vmem>> -> memref<1x128xf32, #tpu.memory_space<vmem>>
        %swap3A_614 = tpu.memref_squeeze %swap3A_613 : memref<1x128xf32, #tpu.memory_space<vmem>> -> memref<128xf32, #tpu.memory_space<vmem>>
        %swap3A_615 = arith.constant 64 : index
        %swap3A_616 = tpu.vector_load %swap3A_614[%swap3A_615] {strides = array<i32>} : memref<128xf32, #tpu.memory_space<vmem>>, vector<16xf32>,
        tpu.vector_store %swap3A_614[%swap3A_615], %mul3A_611 {strides = array<i32>} : memref<128xf32, #tpu.memory_space<vmem>>, vector<16xf32>,
        %get3A_617 = arith.constant 0 : i32
        %get3A_618 = tpu.memref_slice %arg23[%add3A_556, %get3A_617] : memref<80x128xf32, #tpu.memory_space<vmem>> -> memref<1x128xf32, #tpu.memory_space<vmem>>
        %get3A_619 = tpu.memref_squeeze %get3A_618 : memref<1x128xf32, #tpu.memory_space<vmem>> -> memref<128xf32, #tpu.memory_space<vmem>>
        %get3A_620 = arith.constant 80 : index
        %get3A_621 = tpu.vector_load %get3A_619[%get3A_620] {strides = array<i32>} : memref<128xf32, #tpu.memory_space<vmem>>, vector<16xf32>,
        %mul3A_622 = arith.mulf %get3A_621, %gather3A_561 : vector<16xf32>
        %swap3A_623 = arith.constant 0 : i32
        %swap3A_624 = tpu.memref_slice %arg23[%add3A_556, %swap3A_623] : memref<80x128xf32, #tpu.memory_space<vmem>> -> memref<1x128xf32, #tpu.memory_space<vmem>>
        %swap3A_625 = tpu.memref_squeeze %swap3A_624 : memref<1x128xf32, #tpu.memory_space<vmem>> -> memref<128xf32, #tpu.memory_space<vmem>>
        %swap3A_626 = arith.constant 80 : index
        %swap3A_627 = tpu.vector_load %swap3A_625[%swap3A_626] {strides = array<i32>} : memref<128xf32, #tpu.memory_space<vmem>>, vector<16xf32>,
        tpu.vector_store %swap3A_625[%swap3A_626], %mul3A_622 {strides = array<i32>} : memref<128xf32, #tpu.memory_space<vmem>>, vector<16xf32>,
        %get3A_628 = arith.constant 0 : i32
        %get3A_629 = tpu.memref_slice %arg23[%add3A_556, %get3A_628] : memref<80x128xf32, #tpu.memory_space<vmem>> -> memref<1x128xf32, #tpu.memory_space<vmem>>
        %get3A_630 = tpu.memref_squeeze %get3A_629 : memref<1x128xf32, #tpu.memory_space<vmem>> -> memref<128xf32, #tpu.memory_space<vmem>>
        %get3A_631 = arith.constant 96 : index
        %get3A_632 = tpu.vector_load %get3A_630[%get3A_631] {strides = array<i32>} : memref<128xf32, #tpu.memory_space<vmem>>, vector<16xf32>,
        %mul3A_633 = arith.mulf %get3A_632, %gather3A_561 : vector<16xf32>
        %swap3A_634 = arith.constant 0 : i32
        %swap3A_635 = tpu.memref_slice %arg23[%add3A_556, %swap3A_634] : memref<80x128xf32, #tpu.memory_space<vmem>> -> memref<1x128xf32, #tpu.memory_space<vmem>>
        %swap3A_636 = tpu.memref_squeeze %swap3A_635 : memref<1x128xf32, #tpu.memory_space<vmem>> -> memref<128xf32, #tpu.memory_space<vmem>>
        %swap3A_637 = arith.constant 96 : index
        %swap3A_638 = tpu.vector_load %swap3A_636[%swap3A_637] {strides = array<i32>} : memref<128xf32, #tpu.memory_space<vmem>>, vector<16xf32>,
        tpu.vector_store %swap3A_636[%swap3A_637], %mul3A_633 {strides = array<i32>} : memref<128xf32, #tpu.memory_space<vmem>>, vector<16xf32>,
        %get3A_639 = arith.constant 0 : i32
        %get3A_640 = tpu.memref_slice %arg23[%add3A_556, %get3A_639] : memref<80x128xf32, #tpu.memory_space<vmem>> -> memref<1x128xf32, #tpu.memory_space<vmem>>
        %get3A_641 = tpu.memref_squeeze %get3A_640 : memref<1x128xf32, #tpu.memory_space<vmem>> -> memref<128xf32, #tpu.memory_space<vmem>>
        %get3A_642 = arith.constant 112 : index
        %get3A_643 = tpu.vector_load %get3A_641[%get3A_642] {strides = array<i32>} : memref<128xf32, #tpu.memory_space<vmem>>, vector<16xf32>,
        %mul3A_644 = arith.mulf %get3A_643, %gather3A_561 : vector<16xf32>
        %swap3A_645 = arith.constant 0 : i32
        %swap3A_646 = tpu.memref_slice %arg23[%add3A_556, %swap3A_645] : memref<80x128xf32, #tpu.memory_space<vmem>> -> memref<1x128xf32, #tpu.memory_space<vmem>>
        %swap3A_647 = tpu.memref_squeeze %swap3A_646 : memref<1x128xf32, #tpu.memory_space<vmem>> -> memref<128xf32, #tpu.memory_space<vmem>>
        %swap3A_648 = arith.constant 112 : index
        %swap3A_649 = tpu.vector_load %swap3A_647[%swap3A_648] {strides = array<i32>} : memref<128xf32, #tpu.memory_space<vmem>>, vector<16xf32>,
        tpu.vector_store %swap3A_647[%swap3A_648], %mul3A_644 {strides = array<i32>} : memref<128xf32, #tpu.memory_space<vmem>>, vector<16xf32>,
        %add3A_650 = arith.constant 2 : i32
        %add3A_651 = arith.addi %add3A_459, %add3A_650 : i32
        %broadcast_in_dim3A_652 = arith.constant 0 : i32
        %broadcast_in_dim3A_653 = vector.broadcast %broadcast_in_dim3A_652 : i32 to vector<16xi32>
        %add3A_654 = vector.broadcast %add3A_651 : i32 to vector<16xi32>
        %add3A_655 = arith.addi %broadcast_in_dim3A_653, %add3A_654 : vector<16xi32>
        %gather3A_656 = tpu.vector_load_idx %arg19[%add3A_655] : memref<80xf32, #tpu.memory_space<vmem>>[vector<16xi32>], vector<16xf32>,
        %get3A_657 = arith.constant 0 : i32
        %get3A_658 = tpu.memref_slice %arg23[%add3A_651, %get3A_657] : memref<80x128xf32, #tpu.memory_space<vmem>> -> memref<1x128xf32, #tpu.memory_space<vmem>>
        %get3A_659 = tpu.memref_squeeze %get3A_658 : memref<1x128xf32, #tpu.memory_space<vmem>> -> memref<128xf32, #tpu.memory_space<vmem>>
        %get3A_660 = arith.constant 0 : index
        %get3A_661 = tpu.vector_load %get3A_659[%get3A_660] {strides = array<i32>} : memref<128xf32, #tpu.memory_space<vmem>>, vector<16xf32>,
        %mul3A_662 = arith.mulf %get3A_661, %gather3A_656 : vector<16xf32>
        %swap3A_663 = arith.constant 0 : i32
        %swap3A_664 = tpu.memref_slice %arg23[%add3A_651, %swap3A_663] : memref<80x128xf32, #tpu.memory_space<vmem>> -> memref<1x128xf32, #tpu.memory_space<vmem>>
        %swap3A_665 = tpu.memref_squeeze %swap3A_664 : memref<1x128xf32, #tpu.memory_space<vmem>> -> memref<128xf32, #tpu.memory_space<vmem>>
        %swap3A_666 = arith.constant 0 : index
        %swap3A_667 = tpu.vector_load %swap3A_665[%swap3A_666] {strides = array<i32>} : memref<128xf32, #tpu.memory_space<vmem>>, vector<16xf32>,
        tpu.vector_store %swap3A_665[%swap3A_666], %mul3A_662 {strides = array<i32>} : memref<128xf32, #tpu.memory_space<vmem>>, vector<16xf32>,
        %get3A_668 = arith.constant 0 : i32
        %get3A_669 = tpu.memref_slice %arg23[%add3A_651, %get3A_668] : memref<80x128xf32, #tpu.memory_space<vmem>> -> memref<1x128xf32, #tpu.memory_space<vmem>>
        %get3A_670 = tpu.memref_squeeze %get3A_669 : memref<1x128xf32, #tpu.memory_space<vmem>> -> memref<128xf32, #tpu.memory_space<vmem>>
        %get3A_671 = arith.constant 16 : index
        %get3A_672 = tpu.vector_load %get3A_670[%get3A_671] {strides = array<i32>} : memref<128xf32, #tpu.memory_space<vmem>>, vector<16xf32>,
        %mul3A_673 = arith.mulf %get3A_672, %gather3A_656 : vector<16xf32>
        %swap3A_674 = arith.constant 0 : i32
        %swap3A_675 = tpu.memref_slice %arg23[%add3A_651, %swap3A_674] : memref<80x128xf32, #tpu.memory_space<vmem>> -> memref<1x128xf32, #tpu.memory_space<vmem>>
        %swap3A_676 = tpu.memref_squeeze %swap3A_675 : memref<1x128xf32, #tpu.memory_space<vmem>> -> memref<128xf32, #tpu.memory_space<vmem>>
        %swap3A_677 = arith.constant 16 : index
        %swap3A_678 = tpu.vector_load %swap3A_676[%swap3A_677] {strides = array<i32>} : memref<128xf32, #tpu.memory_space<vmem>>, vector<16xf32>,
        tpu.vector_store %swap3A_676[%swap3A_677], %mul3A_673 {strides = array<i32>} : memref<128xf32, #tpu.memory_space<vmem>>, vector<16xf32>,
        %get3A_679 = arith.constant 0 : i32
        %get3A_680 = tpu.memref_slice %arg23[%add3A_651, %get3A_679] : memref<80x128xf32, #tpu.memory_space<vmem>> -> memref<1x128xf32, #tpu.memory_space<vmem>>
        %get3A_681 = tpu.memref_squeeze %get3A_680 : memref<1x128xf32, #tpu.memory_space<vmem>> -> memref<128xf32, #tpu.memory_space<vmem>>
        %get3A_682 = arith.constant 32 : index
        %get3A_683 = tpu.vector_load %get3A_681[%get3A_682] {strides = array<i32>} : memref<128xf32, #tpu.memory_space<vmem>>, vector<16xf32>,
        %mul3A_684 = arith.mulf %get3A_683, %gather3A_656 : vector<16xf32>
        %swap3A_685 = arith.constant 0 : i32
        %swap3A_686 = tpu.memref_slice %arg23[%add3A_651, %swap3A_685] : memref<80x128xf32, #tpu.memory_space<vmem>> -> memref<1x128xf32, #tpu.memory_space<vmem>>
        %swap3A_687 = tpu.memref_squeeze %swap3A_686 : memref<1x128xf32, #tpu.memory_space<vmem>> -> memref<128xf32, #tpu.memory_space<vmem>>
        %swap3A_688 = arith.constant 32 : index
        %swap3A_689 = tpu.vector_load %swap3A_687[%swap3A_688] {strides = array<i32>} : memref<128xf32, #tpu.memory_space<vmem>>, vector<16xf32>,
        tpu.vector_store %swap3A_687[%swap3A_688], %mul3A_684 {strides = array<i32>} : memref<128xf32, #tpu.memory_space<vmem>>, vector<16xf32>,
        %get3A_690 = arith.constant 0 : i32
        %get3A_691 = tpu.memref_slice %arg23[%add3A_651, %get3A_690] : memref<80x128xf32, #tpu.memory_space<vmem>> -> memref<1x128xf32, #tpu.memory_space<vmem>>
        %get3A_692 = tpu.memref_squeeze %get3A_691 : memref<1x128xf32, #tpu.memory_space<vmem>> -> memref<128xf32, #tpu.memory_space<vmem>>
        %get3A_693 = arith.constant 48 : index
        %get3A_694 = tpu.vector_load %get3A_692[%get3A_693] {strides = array<i32>} : memref<128xf32, #tpu.memory_space<vmem>>, vector<16xf32>,
        %mul3A_695 = arith.mulf %get3A_694, %gather3A_656 : vector<16xf32>
        %swap3A_696 = arith.constant 0 : i32
        %swap3A_697 = tpu.memref_slice %arg23[%add3A_651, %swap3A_696] : memref<80x128xf32, #tpu.memory_space<vmem>> -> memref<1x128xf32, #tpu.memory_space<vmem>>
        %swap3A_698 = tpu.memref_squeeze %swap3A_697 : memref<1x128xf32, #tpu.memory_space<vmem>> -> memref<128xf32, #tpu.memory_space<vmem>>
        %swap3A_699 = arith.constant 48 : index
        %swap3A_700 = tpu.vector_load %swap3A_698[%swap3A_699] {strides = array<i32>} : memref<128xf32, #tpu.memory_space<vmem>>, vector<16xf32>,
        tpu.vector_store %swap3A_698[%swap3A_699], %mul3A_695 {strides = array<i32>} : memref<128xf32, #tpu.memory_space<vmem>>, vector<16xf32>,
        %get3A_701 = arith.constant 0 : i32
        %get3A_702 = tpu.memref_slice %arg23[%add3A_651, %get3A_701] : memref<80x128xf32, #tpu.memory_space<vmem>> -> memref<1x128xf32, #tpu.memory_space<vmem>>
        %get3A_703 = tpu.memref_squeeze %get3A_702 : memref<1x128xf32, #tpu.memory_space<vmem>> -> memref<128xf32, #tpu.memory_space<vmem>>
        %get3A_704 = arith.constant 64 : index
        %get3A_705 = tpu.vector_load %get3A_703[%get3A_704] {strides = array<i32>} : memref<128xf32, #tpu.memory_space<vmem>>, vector<16xf32>,
        %mul3A_706 = arith.mulf %get3A_705, %gather3A_656 : vector<16xf32>
        %swap3A_707 = arith.constant 0 : i32
        %swap3A_708 = tpu.memref_slice %arg23[%add3A_651, %swap3A_707] : memref<80x128xf32, #tpu.memory_space<vmem>> -> memref<1x128xf32, #tpu.memory_space<vmem>>
        %swap3A_709 = tpu.memref_squeeze %swap3A_708 : memref<1x128xf32, #tpu.memory_space<vmem>> -> memref<128xf32, #tpu.memory_space<vmem>>
        %swap3A_710 = arith.constant 64 : index
        %swap3A_711 = tpu.vector_load %swap3A_709[%swap3A_710] {strides = array<i32>} : memref<128xf32, #tpu.memory_space<vmem>>, vector<16xf32>,
        tpu.vector_store %swap3A_709[%swap3A_710], %mul3A_706 {strides = array<i32>} : memref<128xf32, #tpu.memory_space<vmem>>, vector<16xf32>,
        %get3A_712 = arith.constant 0 : i32
        %get3A_713 = tpu.memref_slice %arg23[%add3A_651, %get3A_712] : memref<80x128xf32, #tpu.memory_space<vmem>> -> memref<1x128xf32, #tpu.memory_space<vmem>>
        %get3A_714 = tpu.memref_squeeze %get3A_713 : memref<1x128xf32, #tpu.memory_space<vmem>> -> memref<128xf32, #tpu.memory_space<vmem>>
        %get3A_715 = arith.constant 80 : index
        %get3A_716 = tpu.vector_load %get3A_714[%get3A_715] {strides = array<i32>} : memref<128xf32, #tpu.memory_space<vmem>>, vector<16xf32>,
        %mul3A_717 = arith.mulf %get3A_716, %gather3A_656 : vector<16xf32>
        %swap3A_718 = arith.constant 0 : i32
        %swap3A_719 = tpu.memref_slice %arg23[%add3A_651, %swap3A_718] : memref<80x128xf32, #tpu.memory_space<vmem>> -> memref<1x128xf32, #tpu.memory_space<vmem>>
        %swap3A_720 = tpu.memref_squeeze %swap3A_719 : memref<1x128xf32, #tpu.memory_space<vmem>> -> memref<128xf32, #tpu.memory_space<vmem>>
        %swap3A_721 = arith.constant 80 : index
        %swap3A_722 = tpu.vector_load %swap3A_720[%swap3A_721] {strides = array<i32>} : memref<128xf32, #tpu.memory_space<vmem>>, vector<16xf32>,
        tpu.vector_store %swap3A_720[%swap3A_721], %mul3A_717 {strides = array<i32>} : memref<128xf32, #tpu.memory_space<vmem>>, vector<16xf32>,
        %get3A_723 = arith.constant 0 : i32
        %get3A_724 = tpu.memref_slice %arg23[%add3A_651, %get3A_723] : memref<80x128xf32, #tpu.memory_space<vmem>> -> memref<1x128xf32, #tpu.memory_space<vmem>>
        %get3A_725 = tpu.memref_squeeze %get3A_724 : memref<1x128xf32, #tpu.memory_space<vmem>> -> memref<128xf32, #tpu.memory_space<vmem>>
        %get3A_726 = arith.constant 96 : index
        %get3A_727 = tpu.vector_load %get3A_725[%get3A_726] {strides = array<i32>} : memref<128xf32, #tpu.memory_space<vmem>>, vector<16xf32>,
        %mul3A_728 = arith.mulf %get3A_727, %gather3A_656 : vector<16xf32>
        %swap3A_729 = arith.constant 0 : i32
        %swap3A_730 = tpu.memref_slice %arg23[%add3A_651, %swap3A_729] : memref<80x128xf32, #tpu.memory_space<vmem>> -> memref<1x128xf32, #tpu.memory_space<vmem>>
        %swap3A_731 = tpu.memref_squeeze %swap3A_730 : memref<1x128xf32, #tpu.memory_space<vmem>> -> memref<128xf32, #tpu.memory_space<vmem>>
        %swap3A_732 = arith.constant 96 : index
        %swap3A_733 = tpu.vector_load %swap3A_731[%swap3A_732] {strides = array<i32>} : memref<128xf32, #tpu.memory_space<vmem>>, vector<16xf32>,
        tpu.vector_store %swap3A_731[%swap3A_732], %mul3A_728 {strides = array<i32>} : memref<128xf32, #tpu.memory_space<vmem>>, vector<16xf32>,
        %get3A_734 = arith.constant 0 : i32
        %get3A_735 = tpu.memref_slice %arg23[%add3A_651, %get3A_734] : memref<80x128xf32, #tpu.memory_space<vmem>> -> memref<1x128xf32, #tpu.memory_space<vmem>>
        %get3A_736 = tpu.memref_squeeze %get3A_735 : memref<1x128xf32, #tpu.memory_space<vmem>> -> memref<128xf32, #tpu.memory_space<vmem>>
        %get3A_737 = arith.constant 112 : index
        %get3A_738 = tpu.vector_load %get3A_736[%get3A_737] {strides = array<i32>} : memref<128xf32, #tpu.memory_space<vmem>>, vector<16xf32>,
        %mul3A_739 = arith.mulf %get3A_738, %gather3A_656 : vector<16xf32>
        %swap3A_740 = arith.constant 0 : i32
        %swap3A_741 = tpu.memref_slice %arg23[%add3A_651, %swap3A_740] : memref<80x128xf32, #tpu.memory_space<vmem>> -> memref<1x128xf32, #tpu.memory_space<vmem>>
        %swap3A_742 = tpu.memref_squeeze %swap3A_741 : memref<1x128xf32, #tpu.memory_space<vmem>> -> memref<128xf32, #tpu.memory_space<vmem>>
        %swap3A_743 = arith.constant 112 : index
        %swap3A_744 = tpu.vector_load %swap3A_742[%swap3A_743] {strides = array<i32>} : memref<128xf32, #tpu.memory_space<vmem>>, vector<16xf32>,
        tpu.vector_store %swap3A_742[%swap3A_743], %mul3A_739 {strides = array<i32>} : memref<128xf32, #tpu.memory_space<vmem>>, vector<16xf32>,
        %add3A_745 = arith.constant 3 : i32
        %add3A_746 = arith.addi %add3A_459, %add3A_745 : i32
        %broadcast_in_dim3A_747 = arith.constant 0 : i32
        %broadcast_in_dim3A_748 = vector.broadcast %broadcast_in_dim3A_747 : i32 to vector<16xi32>
        %add3A_749 = vector.broadcast %add3A_746 : i32 to vector<16xi32>
        %add3A_750 = arith.addi %broadcast_in_dim3A_748, %add3A_749 : vector<16xi32>
        %gather3A_751 = tpu.vector_load_idx %arg19[%add3A_750] : memref<80xf32, #tpu.memory_space<vmem>>[vector<16xi32>], vector<16xf32>,
        %get3A_752 = arith.constant 0 : i32
        %get3A_753 = tpu.memref_slice %arg23[%add3A_746, %get3A_752] : memref<80x128xf32, #tpu.memory_space<vmem>> -> memref<1x128xf32, #tpu.memory_space<vmem>>
        %get3A_754 = tpu.memref_squeeze %get3A_753 : memref<1x128xf32, #tpu.memory_space<vmem>> -> memref<128xf32, #tpu.memory_space<vmem>>
        %get3A_755 = arith.constant 0 : index
        %get3A_756 = tpu.vector_load %get3A_754[%get3A_755] {strides = array<i32>} : memref<128xf32, #tpu.memory_space<vmem>>, vector<16xf32>,
        %mul3A_757 = arith.mulf %get3A_756, %gather3A_751 : vector<16xf32>
        %swap3A_758 = arith.constant 0 : i32
        %swap3A_759 = tpu.memref_slice %arg23[%add3A_746, %swap3A_758] : memref<80x128xf32, #tpu.memory_space<vmem>> -> memref<1x128xf32, #tpu.memory_space<vmem>>
        %swap3A_760 = tpu.memref_squeeze %swap3A_759 : memref<1x128xf32, #tpu.memory_space<vmem>> -> memref<128xf32, #tpu.memory_space<vmem>>
        %swap3A_761 = arith.constant 0 : index
        %swap3A_762 = tpu.vector_load %swap3A_760[%swap3A_761] {strides = array<i32>} : memref<128xf32, #tpu.memory_space<vmem>>, vector<16xf32>,
        tpu.vector_store %swap3A_760[%swap3A_761], %mul3A_757 {strides = array<i32>} : memref<128xf32, #tpu.memory_space<vmem>>, vector<16xf32>,
        %get3A_763 = arith.constant 0 : i32
        %get3A_764 = tpu.memref_slice %arg23[%add3A_746, %get3A_763] : memref<80x128xf32, #tpu.memory_space<vmem>> -> memref<1x128xf32, #tpu.memory_space<vmem>>
        %get3A_765 = tpu.memref_squeeze %get3A_764 : memref<1x128xf32, #tpu.memory_space<vmem>> -> memref<128xf32, #tpu.memory_space<vmem>>
        %get3A_766 = arith.constant 16 : index
        %get3A_767 = tpu.vector_load %get3A_765[%get3A_766] {strides = array<i32>} : memref<128xf32, #tpu.memory_space<vmem>>, vector<16xf32>,
        %mul3A_768 = arith.mulf %get3A_767, %gather3A_751 : vector<16xf32>
        %swap3A_769 = arith.constant 0 : i32
        %swap3A_770 = tpu.memref_slice %arg23[%add3A_746, %swap3A_769] : memref<80x128xf32, #tpu.memory_space<vmem>> -> memref<1x128xf32, #tpu.memory_space<vmem>>
        %swap3A_771 = tpu.memref_squeeze %swap3A_770 : memref<1x128xf32, #tpu.memory_space<vmem>> -> memref<128xf32, #tpu.memory_space<vmem>>
        %swap3A_772 = arith.constant 16 : index
        %swap3A_773 = tpu.vector_load %swap3A_771[%swap3A_772] {strides = array<i32>} : memref<128xf32, #tpu.memory_space<vmem>>, vector<16xf32>,
        tpu.vector_store %swap3A_771[%swap3A_772], %mul3A_768 {strides = array<i32>} : memref<128xf32, #tpu.memory_space<vmem>>, vector<16xf32>,
        %get3A_774 = arith.constant 0 : i32
        %get3A_775 = tpu.memref_slice %arg23[%add3A_746, %get3A_774] : memref<80x128xf32, #tpu.memory_space<vmem>> -> memref<1x128xf32, #tpu.memory_space<vmem>>
        %get3A_776 = tpu.memref_squeeze %get3A_775 : memref<1x128xf32, #tpu.memory_space<vmem>> -> memref<128xf32, #tpu.memory_space<vmem>>
        %get3A_777 = arith.constant 32 : index
        %get3A_778 = tpu.vector_load %get3A_776[%get3A_777] {strides = array<i32>} : memref<128xf32, #tpu.memory_space<vmem>>, vector<16xf32>,
        %mul3A_779 = arith.mulf %get3A_778, %gather3A_751 : vector<16xf32>
        %swap3A_780 = arith.constant 0 : i32
        %swap3A_781 = tpu.memref_slice %arg23[%add3A_746, %swap3A_780] : memref<80x128xf32, #tpu.memory_space<vmem>> -> memref<1x128xf32, #tpu.memory_space<vmem>>
        %swap3A_782 = tpu.memref_squeeze %swap3A_781 : memref<1x128xf32, #tpu.memory_space<vmem>> -> memref<128xf32, #tpu.memory_space<vmem>>
        %swap3A_783 = arith.constant 32 : index
        %swap3A_784 = tpu.vector_load %swap3A_782[%swap3A_783] {strides = array<i32>} : memref<128xf32, #tpu.memory_space<vmem>>, vector<16xf32>,
        tpu.vector_store %swap3A_782[%swap3A_783], %mul3A_779 {strides = array<i32>} : memref<128xf32, #tpu.memory_space<vmem>>, vector<16xf32>,
        %get3A_785 = arith.constant 0 : i32
        %get3A_786 = tpu.memref_slice %arg23[%add3A_746, %get3A_785] : memref<80x128xf32, #tpu.memory_space<vmem>> -> memref<1x128xf32, #tpu.memory_space<vmem>>
        %get3A_787 = tpu.memref_squeeze %get3A_786 : memref<1x128xf32, #tpu.memory_space<vmem>> -> memref<128xf32, #tpu.memory_space<vmem>>
        %get3A_788 = arith.constant 48 : index
        %get3A_789 = tpu.vector_load %get3A_787[%get3A_788] {strides = array<i32>} : memref<128xf32, #tpu.memory_space<vmem>>, vector<16xf32>,
        %mul3A_790 = arith.mulf %get3A_789, %gather3A_751 : vector<16xf32>
        %swap3A_791 = arith.constant 0 : i32
        %swap3A_792 = tpu.memref_slice %arg23[%add3A_746, %swap3A_791] : memref<80x128xf32, #tpu.memory_space<vmem>> -> memref<1x128xf32, #tpu.memory_space<vmem>>
        %swap3A_793 = tpu.memref_squeeze %swap3A_792 : memref<1x128xf32, #tpu.memory_space<vmem>> -> memref<128xf32, #tpu.memory_space<vmem>>
        %swap3A_794 = arith.constant 48 : index
        %swap3A_795 = tpu.vector_load %swap3A_793[%swap3A_794] {strides = array<i32>} : memref<128xf32, #tpu.memory_space<vmem>>, vector<16xf32>,
        tpu.vector_store %swap3A_793[%swap3A_794], %mul3A_790 {strides = array<i32>} : memref<128xf32, #tpu.memory_space<vmem>>, vector<16xf32>,
        %get3A_796 = arith.constant 0 : i32
        %get3A_797 = tpu.memref_slice %arg23[%add3A_746, %get3A_796] : memref<80x128xf32, #tpu.memory_space<vmem>> -> memref<1x128xf32, #tpu.memory_space<vmem>>
        %get3A_798 = tpu.memref_squeeze %get3A_797 : memref<1x128xf32, #tpu.memory_space<vmem>> -> memref<128xf32, #tpu.memory_space<vmem>>
        %get3A_799 = arith.constant 64 : index
        %get3A_800 = tpu.vector_load %get3A_798[%get3A_799] {strides = array<i32>} : memref<128xf32, #tpu.memory_space<vmem>>, vector<16xf32>,
        %mul3A_801 = arith.mulf %get3A_800, %gather3A_751 : vector<16xf32>
        %swap3A_802 = arith.constant 0 : i32
        %swap3A_803 = tpu.memref_slice %arg23[%add3A_746, %swap3A_802] : memref<80x128xf32, #tpu.memory_space<vmem>> -> memref<1x128xf32, #tpu.memory_space<vmem>>
        %swap3A_804 = tpu.memref_squeeze %swap3A_803 : memref<1x128xf32, #tpu.memory_space<vmem>> -> memref<128xf32, #tpu.memory_space<vmem>>
        %swap3A_805 = arith.constant 64 : index
        %swap3A_806 = tpu.vector_load %swap3A_804[%swap3A_805] {strides = array<i32>} : memref<128xf32, #tpu.memory_space<vmem>>, vector<16xf32>,
        tpu.vector_store %swap3A_804[%swap3A_805], %mul3A_801 {strides = array<i32>} : memref<128xf32, #tpu.memory_space<vmem>>, vector<16xf32>,
        %get3A_807 = arith.constant 0 : i32
        %get3A_808 = tpu.memref_slice %arg23[%add3A_746, %get3A_807] : memref<80x128xf32, #tpu.memory_space<vmem>> -> memref<1x128xf32, #tpu.memory_space<vmem>>
        %get3A_809 = tpu.memref_squeeze %get3A_808 : memref<1x128xf32, #tpu.memory_space<vmem>> -> memref<128xf32, #tpu.memory_space<vmem>>
        %get3A_810 = arith.constant 80 : index
        %get3A_811 = tpu.vector_load %get3A_809[%get3A_810] {strides = array<i32>} : memref<128xf32, #tpu.memory_space<vmem>>, vector<16xf32>,
        %mul3A_812 = arith.mulf %get3A_811, %gather3A_751 : vector<16xf32>
        %swap3A_813 = arith.constant 0 : i32
        %swap3A_814 = tpu.memref_slice %arg23[%add3A_746, %swap3A_813] : memref<80x128xf32, #tpu.memory_space<vmem>> -> memref<1x128xf32, #tpu.memory_space<vmem>>
        %swap3A_815 = tpu.memref_squeeze %swap3A_814 : memref<1x128xf32, #tpu.memory_space<vmem>> -> memref<128xf32, #tpu.memory_space<vmem>>
        %swap3A_816 = arith.constant 80 : index
        %swap3A_817 = tpu.vector_load %swap3A_815[%swap3A_816] {strides = array<i32>} : memref<128xf32, #tpu.memory_space<vmem>>, vector<16xf32>,
        tpu.vector_store %swap3A_815[%swap3A_816], %mul3A_812 {strides = array<i32>} : memref<128xf32, #tpu.memory_space<vmem>>, vector<16xf32>,
        %get3A_818 = arith.constant 0 : i32
        %get3A_819 = tpu.memref_slice %arg23[%add3A_746, %get3A_818] : memref<80x128xf32, #tpu.memory_space<vmem>> -> memref<1x128xf32, #tpu.memory_space<vmem>>
        %get3A_820 = tpu.memref_squeeze %get3A_819 : memref<1x128xf32, #tpu.memory_space<vmem>> -> memref<128xf32, #tpu.memory_space<vmem>>
        %get3A_821 = arith.constant 96 : index
        %get3A_822 = tpu.vector_load %get3A_820[%get3A_821] {strides = array<i32>} : memref<128xf32, #tpu.memory_space<vmem>>, vector<16xf32>,
        %mul3A_823 = arith.mulf %get3A_822, %gather3A_751 : vector<16xf32>
        %swap3A_824 = arith.constant 0 : i32
        %swap3A_825 = tpu.memref_slice %arg23[%add3A_746, %swap3A_824] : memref<80x128xf32, #tpu.memory_space<vmem>> -> memref<1x128xf32, #tpu.memory_space<vmem>>
        %swap3A_826 = tpu.memref_squeeze %swap3A_825 : memref<1x128xf32, #tpu.memory_space<vmem>> -> memref<128xf32, #tpu.memory_space<vmem>>
        %swap3A_827 = arith.constant 96 : index
        %swap3A_828 = tpu.vector_load %swap3A_826[%swap3A_827] {strides = array<i32>} : memref<128xf32, #tpu.memory_space<vmem>>, vector<16xf32>,
        tpu.vector_store %swap3A_826[%swap3A_827], %mul3A_823 {strides = array<i32>} : memref<128xf32, #tpu.memory_space<vmem>>, vector<16xf32>,
        %get3A_829 = arith.constant 0 : i32
        %get3A_830 = tpu.memref_slice %arg23[%add3A_746, %get3A_829] : memref<80x128xf32, #tpu.memory_space<vmem>> -> memref<1x128xf32, #tpu.memory_space<vmem>>
        %get3A_831 = tpu.memref_squeeze %get3A_830 : memref<1x128xf32, #tpu.memory_space<vmem>> -> memref<128xf32, #tpu.memory_space<vmem>>
        %get3A_832 = arith.constant 112 : index
        %get3A_833 = tpu.vector_load %get3A_831[%get3A_832] {strides = array<i32>} : memref<128xf32, #tpu.memory_space<vmem>>, vector<16xf32>,
        %mul3A_834 = arith.mulf %get3A_833, %gather3A_751 : vector<16xf32>
        %swap3A_835 = arith.constant 0 : i32
        %swap3A_836 = tpu.memref_slice %arg23[%add3A_746, %swap3A_835] : memref<80x128xf32, #tpu.memory_space<vmem>> -> memref<1x128xf32, #tpu.memory_space<vmem>>
        %swap3A_837 = tpu.memref_squeeze %swap3A_836 : memref<1x128xf32, #tpu.memory_space<vmem>> -> memref<128xf32, #tpu.memory_space<vmem>>
        %swap3A_838 = arith.constant 112 : index
        %swap3A_839 = tpu.vector_load %swap3A_837[%swap3A_838] {strides = array<i32>} : memref<128xf32, #tpu.memory_space<vmem>>, vector<16xf32>,
        tpu.vector_store %swap3A_837[%swap3A_838], %mul3A_834 {strides = array<i32>} : memref<128xf32, #tpu.memory_space<vmem>>, vector<16xf32>,
      }
      %scan3A_442 = arith.constant 20 : i32
      %add3A_443 = arith.constant 2 : i32
      %add3A_444 = arith.addi %add3A_316, %add3A_443 : i32
      %lt3A_445 = arith.constant 125 : i32
      %lt3A_446 = arith.cmpi slt, %add3A_444, %lt3A_445 : i32
      %convert_element_type3A_447 = arith.extui %lt3A_446 : i1 to i32
      %cond3A_448 = arith.constant 0 : i32
      %cond3A_449 = arith.cmpi ne, %convert_element_type3A_447, %cond3A_448 : i32
      scf.if %cond3A_449 {
        %add3A_455 = arith.constant 2 : i32
        %add3A_456 = arith.addi %add3A_316, %add3A_455 : i32
        %mul3A_457 = arith.constant 80 : i32
        %mul3A_458 = arith.muli %add3A_456, %mul3A_457 : i32
        %add3A_459 = arith.addi %mul3A_19, %mul3A_458 : i32
        %dma_start3A_460 = tpu.memref_slice %arg3[%add3A_459] : memref<320000xi32, #tpu.memory_space<hbm>> -> memref<80xi32, #tpu.memory_space<hbm>>
        %dma_start3A_461 = tpu.memref_slice %arg3[%add3A_459] : memref<320000xi32, #tpu.memory_space<hbm>> -> memref<80xi32, #tpu.memory_space<hbm>>
        tpu.enqueue_dma source(%dma_start3A_461 : memref<80xi32, #tpu.memory_space<hbm>>) target(%arg11 : memref<80xi32, #tpu.memory_space<vmem>>) target_semaphore(%arg28 : memref<!tpu.dma_semaphore, #tpu.memory_space<semaphore_mem>>)
        %dma_start3A_462 = tpu.memref_slice %arg4[%add3A_459] : memref<320000xi32, #tpu.memory_space<hbm>> -> memref<80xi32, #tpu.memory_space<hbm>>
        %dma_start3A_463 = tpu.memref_slice %arg4[%add3A_459] : memref<320000xi32, #tpu.memory_space<hbm>> -> memref<80xi32, #tpu.memory_space<hbm>>
        tpu.enqueue_dma source(%dma_start3A_463 : memref<80xi32, #tpu.memory_space<hbm>>) target(%arg13 : memref<80xi32, #tpu.memory_space<vmem>>) target_semaphore(%arg28 : memref<!tpu.dma_semaphore, #tpu.memory_space<semaphore_mem>>)
      } else {
      }
      %dma_start3A_450 = arith.constant 0 : i32
      %dma_start3A_451 = arith.constant 0 : i32
      %dma_start3A_452 = tpu.memref_slice %arg25[%dma_start3A_450, %dma_start3A_451] : memref<10240x128xf32, #tpu.memory_space<vmem_shared>> -> memref<10240x128xf32, #tpu.memory_space<vmem_shared>>
      tpu.enqueue_indirect_dma source(%arg23 : memref<80x128xf32, #tpu.memory_space<vmem>>) target(%dma_start3A_452 : memref<10240x128xf32, #tpu.memory_space<vmem_shared>>) offsets(%arg15 : memref<80xi32, #tpu.memory_space<vmem>>) semaphore(%arg32 : memref<!tpu.dma_semaphore, #tpu.memory_space<semaphore_mem>>) {add = true}
      %dma_start3A_453 = arith.constant 0 : i32
      %dma_start3A_454 = tpu.memref_slice %arg26[%dma_start3A_453] : memref<10240xf32, #tpu.memory_space<vmem_shared>> -> memref<10240xf32, #tpu.memory_space<vmem_shared>>
      tpu.enqueue_indirect_dma source(%arg19 : memref<80xf32, #tpu.memory_space<vmem>>) target(%dma_start3A_454 : memref<10240xf32, #tpu.memory_space<vmem_shared>>) offsets(%arg15 : memref<80xi32, #tpu.memory_space<vmem>>) semaphore(%arg32 : memref<!tpu.dma_semaphore, #tpu.memory_space<semaphore_mem>>) {add = true}
    }
    %scan3A_51 = arith.constant 62 : i32
    %dma_wait3A_52 = arith.constant 0 : i32
    %dma_wait3A_53 = tpu.memref_slice %arg5[%dma_wait3A_52] : memref<320000xf32, #tpu.memory_space<hbm>> -> memref<80xf32, #tpu.memory_space<hbm>>
    %dma_wait3A_54 = arith.constant 0 : i32
    %dma_wait3A_55 = tpu.memref_slice %arg5[%dma_wait3A_54] : memref<320000xf32, #tpu.memory_space<hbm>> -> memref<80xf32, #tpu.memory_space<hbm>>
    tpu.wait_dma2 semaphore(%arg29 : memref<!tpu.dma_semaphore, #tpu.memory_space<semaphore_mem>>) src(%dma_wait3A_55 : memref<80xf32, #tpu.memory_space<hbm>>) dst(%arg16 : memref<80xf32, #tpu.memory_space<vmem>>)
    %dma_wait3A_56 = arith.constant 0 : i32
    %dma_wait3A_57 = tpu.memref_slice %arg4[%dma_wait3A_56] : memref<320000xi32, #tpu.memory_space<hbm>> -> memref<80xi32, #tpu.memory_space<hbm>>
    %dma_wait3A_58 = arith.constant 0 : i32
    %dma_wait3A_59 = tpu.memref_slice %arg4[%dma_wait3A_58] : memref<320000xi32, #tpu.memory_space<hbm>> -> memref<80xi32, #tpu.memory_space<hbm>>
    tpu.wait_dma2 semaphore(%arg29 : memref<!tpu.dma_semaphore, #tpu.memory_space<semaphore_mem>>) src(%dma_wait3A_59 : memref<80xi32, #tpu.memory_space<hbm>>) dst(%arg14 : memref<80xi32, #tpu.memory_space<vmem>>)
    %dma_wait3A_60 = arith.constant 0 : i32
    %dma_wait3A_61 = arith.constant 0 : i32
    %dma_wait3A_62 = tpu.memref_slice %arg2[%dma_wait3A_60, %dma_wait3A_61] : memref<10000x128xf32, #tpu.memory_space<hbm>> -> memref<10000x128xf32, #tpu.memory_space<hbm>>
    tpu.wait_indirect_dma semaphore(%arg29 : memref<!tpu.dma_semaphore, #tpu.memory_space<semaphore_mem>>) src(%dma_wait3A_62 : memref<10000x128xf32, #tpu.memory_space<hbm>>) dst(%arg22 : memref<80x128xf32, #tpu.memory_space<vmem>>)
    %get3A = arith.constant 0 : index
    %get3A_63 = tpu.vector_load %arg10[%get3A] {strides = array<i32>} : memref<80xi32, #tpu.memory_space<vmem>>, vector<16xi32>,
    %get3A_64 = arith.constant 0 : index
    %get3A_65 = tpu.vector_load %arg12[%get3A_64] {strides = array<i32>} : memref<80xi32, #tpu.memory_space<vmem>>, vector<16xi32>,
    %gather3A = tpu.vector_load_idx %arg20[%get3A_63] : memref<10000xf32, #tpu.memory_space<vmem>>[vector<16xi32>], vector<16xf32>,
    %gather3A_66 = tpu.vector_load_idx %arg21[%get3A_65] : memref<10000xf32, #tpu.memory_space<vmem>>[vector<16xi32>], vector<16xf32>,
    %add3A_67 = arith.addf %gather3A, %gather3A_66 : vector<16xf32>
    %get3A_68 = arith.constant 0 : index
    %get3A_69 = tpu.vector_load %arg16[%get3A_68] {strides = array<i32>} : memref<80xf32, #tpu.memory_space<vmem>>, vector<16xf32>,
    %add3A_70 = arith.addf %add3A_67, %get3A_69 : vector<16xf32>
    %mul3A_71 = arith.constant 2.000000e-01 : f32
    %mul3A_72 = vector.broadcast %mul3A_71 : f32 to vector<16xf32>
    %mul3A_73 = arith.mulf %add3A_70, %mul3A_72 : vector<16xf32>
    %max3A = arith.maximumf %add3A_70, %mul3A_73 : vector<16xf32>
    %exp3A = math.exp %max3A : vector<16xf32>
    %swap3A = arith.constant 0 : index
    %swap3A_74 = tpu.vector_load %arg18[%swap3A] {strides = array<i32>} : memref<80xf32, #tpu.memory_space<vmem>>, vector<16xf32>,
    tpu.vector_store %arg18[%swap3A], %exp3A {strides = array<i32>} : memref<80xf32, #tpu.memory_space<vmem>>, vector<16xf32>,
    %get3A_75 = arith.constant 16 : index
    %get3A_76 = tpu.vector_load %arg10[%get3A_75] {strides = array<i32>} : memref<80xi32, #tpu.memory_space<vmem>>, vector<16xi32>,
    %get3A_77 = arith.constant 16 : index
    %get3A_78 = tpu.vector_load %arg12[%get3A_77] {strides = array<i32>} : memref<80xi32, #tpu.memory_space<vmem>>, vector<16xi32>,
    %gather3A_79 = tpu.vector_load_idx %arg20[%get3A_76] : memref<10000xf32, #tpu.memory_space<vmem>>[vector<16xi32>], vector<16xf32>,
    %gather3A_80 = tpu.vector_load_idx %arg21[%get3A_78] : memref<10000xf32, #tpu.memory_space<vmem>>[vector<16xi32>], vector<16xf32>,
    %add3A_81 = arith.addf %gather3A_79, %gather3A_80 : vector<16xf32>
    %get3A_82 = arith.constant 16 : index
    %get3A_83 = tpu.vector_load %arg16[%get3A_82] {strides = array<i32>} : memref<80xf32, #tpu.memory_space<vmem>>, vector<16xf32>,
    %add3A_84 = arith.addf %add3A_81, %get3A_83 : vector<16xf32>
    %mul3A_85 = arith.constant 2.000000e-01 : f32
    %mul3A_86 = vector.broadcast %mul3A_85 : f32 to vector<16xf32>
    %mul3A_87 = arith.mulf %add3A_84, %mul3A_86 : vector<16xf32>
    %max3A_88 = arith.maximumf %add3A_84, %mul3A_87 : vector<16xf32>
    %exp3A_89 = math.exp %max3A_88 : vector<16xf32>
    %swap3A_90 = arith.constant 16 : index
    %swap3A_91 = tpu.vector_load %arg18[%swap3A_90] {strides = array<i32>} : memref<80xf32, #tpu.memory_space<vmem>>, vector<16xf32>,
    tpu.vector_store %arg18[%swap3A_90], %exp3A_89 {strides = array<i32>} : memref<80xf32, #tpu.memory_space<vmem>>, vector<16xf32>,
    %get3A_92 = arith.constant 32 : index
    %get3A_93 = tpu.vector_load %arg10[%get3A_92] {strides = array<i32>} : memref<80xi32, #tpu.memory_space<vmem>>, vector<16xi32>,
    %get3A_94 = arith.constant 32 : index
    %get3A_95 = tpu.vector_load %arg12[%get3A_94] {strides = array<i32>} : memref<80xi32, #tpu.memory_space<vmem>>, vector<16xi32>,
    %gather3A_96 = tpu.vector_load_idx %arg20[%get3A_93] : memref<10000xf32, #tpu.memory_space<vmem>>[vector<16xi32>], vector<16xf32>,
    %gather3A_97 = tpu.vector_load_idx %arg21[%get3A_95] : memref<10000xf32, #tpu.memory_space<vmem>>[vector<16xi32>], vector<16xf32>,
    %add3A_98 = arith.addf %gather3A_96, %gather3A_97 : vector<16xf32>
    %get3A_99 = arith.constant 32 : index
    %get3A_100 = tpu.vector_load %arg16[%get3A_99] {strides = array<i32>} : memref<80xf32, #tpu.memory_space<vmem>>, vector<16xf32>,
    %add3A_101 = arith.addf %add3A_98, %get3A_100 : vector<16xf32>
    %mul3A_102 = arith.constant 2.000000e-01 : f32
    %mul3A_103 = vector.broadcast %mul3A_102 : f32 to vector<16xf32>
    %mul3A_104 = arith.mulf %add3A_101, %mul3A_103 : vector<16xf32>
    %max3A_105 = arith.maximumf %add3A_101, %mul3A_104 : vector<16xf32>
    %exp3A_106 = math.exp %max3A_105 : vector<16xf32>
    %swap3A_107 = arith.constant 32 : index
    %swap3A_108 = tpu.vector_load %arg18[%swap3A_107] {strides = array<i32>} : memref<80xf32, #tpu.memory_space<vmem>>, vector<16xf32>,
    tpu.vector_store %arg18[%swap3A_107], %exp3A_106 {strides = array<i32>} : memref<80xf32, #tpu.memory_space<vmem>>, vector<16xf32>,
    %get3A_109 = arith.constant 48 : index
    %get3A_110 = tpu.vector_load %arg10[%get3A_109] {strides = array<i32>} : memref<80xi32, #tpu.memory_space<vmem>>, vector<16xi32>,
    %get3A_111 = arith.constant 48 : index
    %get3A_112 = tpu.vector_load %arg12[%get3A_111] {strides = array<i32>} : memref<80xi32, #tpu.memory_space<vmem>>, vector<16xi32>,
    %gather3A_113 = tpu.vector_load_idx %arg20[%get3A_110] : memref<10000xf32, #tpu.memory_space<vmem>>[vector<16xi32>], vector<16xf32>,
    %gather3A_114 = tpu.vector_load_idx %arg21[%get3A_112] : memref<10000xf32, #tpu.memory_space<vmem>>[vector<16xi32>], vector<16xf32>,
    %add3A_115 = arith.addf %gather3A_113, %gather3A_114 : vector<16xf32>
    %get3A_116 = arith.constant 48 : index
    %get3A_117 = tpu.vector_load %arg16[%get3A_116] {strides = array<i32>} : memref<80xf32, #tpu.memory_space<vmem>>, vector<16xf32>,
    %add3A_118 = arith.addf %add3A_115, %get3A_117 : vector<16xf32>
    %mul3A_119 = arith.constant 2.000000e-01 : f32
    %mul3A_120 = vector.broadcast %mul3A_119 : f32 to vector<16xf32>
    %mul3A_121 = arith.mulf %add3A_118, %mul3A_120 : vector<16xf32>
    %max3A_122 = arith.maximumf %add3A_118, %mul3A_121 : vector<16xf32>
    %exp3A_123 = math.exp %max3A_122 : vector<16xf32>
    %swap3A_124 = arith.constant 48 : index
    %swap3A_125 = tpu.vector_load %arg18[%swap3A_124] {strides = array<i32>} : memref<80xf32, #tpu.memory_space<vmem>>, vector<16xf32>,
    tpu.vector_store %arg18[%swap3A_124], %exp3A_123 {strides = array<i32>} : memref<80xf32, #tpu.memory_space<vmem>>, vector<16xf32>,
    %get3A_126 = arith.constant 64 : index
    %get3A_127 = tpu.vector_load %arg10[%get3A_126] {strides = array<i32>} : memref<80xi32, #tpu.memory_space<vmem>>, vector<16xi32>,
    %get3A_128 = arith.constant 64 : index
    %get3A_129 = tpu.vector_load %arg12[%get3A_128] {strides = array<i32>} : memref<80xi32, #tpu.memory_space<vmem>>, vector<16xi32>,
    %gather3A_130 = tpu.vector_load_idx %arg20[%get3A_127] : memref<10000xf32, #tpu.memory_space<vmem>>[vector<16xi32>], vector<16xf32>,
    %gather3A_131 = tpu.vector_load_idx %arg21[%get3A_129] : memref<10000xf32, #tpu.memory_space<vmem>>[vector<16xi32>], vector<16xf32>,
    %add3A_132 = arith.addf %gather3A_130, %gather3A_131 : vector<16xf32>
    %get3A_133 = arith.constant 64 : index
    %get3A_134 = tpu.vector_load %arg16[%get3A_133] {strides = array<i32>} : memref<80xf32, #tpu.memory_space<vmem>>, vector<16xf32>,
    %add3A_135 = arith.addf %add3A_132, %get3A_134 : vector<16xf32>
    %mul3A_136 = arith.constant 2.000000e-01 : f32
    %mul3A_137 = vector.broadcast %mul3A_136 : f32 to vector<16xf32>
    %mul3A_138 = arith.mulf %add3A_135, %mul3A_137 : vector<16xf32>
    %max3A_139 = arith.maximumf %add3A_135, %mul3A_138 : vector<16xf32>
    %exp3A_140 = math.exp %max3A_139 : vector<16xf32>
    %swap3A_141 = arith.constant 64 : index
    %swap3A_142 = tpu.vector_load %arg18[%swap3A_141] {strides = array<i32>} : memref<80xf32, #tpu.memory_space<vmem>>, vector<16xf32>,
    tpu.vector_store %arg18[%swap3A_141], %exp3A_140 {strides = array<i32>} : memref<80xf32, #tpu.memory_space<vmem>>, vector<16xf32>,
    %scan3A_143 = arith.constant 0 : i32
    %scan3A_144 = arith.constant 20 : i32
    %scan3A_145 = arith.addi %scan3A_143, %scan3A_144 : i32
    %scan3A_146 = arith.constant 1 : i32
    scf.for %scan3A_168 = %scan3A_143 to %scan3A_145 step %scan3A_146  : i32 {
      %mul3A_169 = arith.constant 4 : i32
      %mul3A_170 = arith.muli %scan3A_168, %mul3A_169 : i32
      %add3A_171 = arith.constant 0 : i32
      %add3A_172 = arith.addi %add3A_171, %mul3A_170 : i32
      %add3A_173 = arith.constant 0 : i32
      %add3A_174 = arith.addi %add3A_172, %add3A_173 : i32
      %broadcast_in_dim3A_175 = arith.constant 0 : i32
      %broadcast_in_dim3A_176 = vector.broadcast %broadcast_in_dim3A_175 : i32 to vector<16xi32>
      %add3A_177 = vector.broadcast %add3A_174 : i32 to vector<16xi32>
      %add3A_178 = arith.addi %broadcast_in_dim3A_176, %add3A_177 : vector<16xi32>
      %gather3A_179 = tpu.vector_load_idx %arg18[%add3A_178] : memref<80xf32, #tpu.memory_space<vmem>>[vector<16xi32>], vector<16xf32>,
      %get3A_180 = arith.constant 0 : i32
      %get3A_181 = tpu.memref_slice %arg22[%add3A_174, %get3A_180] : memref<80x128xf32, #tpu.memory_space<vmem>> -> memref<1x128xf32, #tpu.memory_space<vmem>>
      %get3A_182 = tpu.memref_squeeze %get3A_181 : memref<1x128xf32, #tpu.memory_space<vmem>> -> memref<128xf32, #tpu.memory_space<vmem>>
      %get3A_183 = arith.constant 0 : index
      %get3A_184 = tpu.vector_load %get3A_182[%get3A_183] {strides = array<i32>} : memref<128xf32, #tpu.memory_space<vmem>>, vector<16xf32>,
      %mul3A_185 = arith.mulf %get3A_184, %gather3A_179 : vector<16xf32>
      %swap3A_186 = arith.constant 0 : i32
      %swap3A_187 = tpu.memref_slice %arg22[%add3A_174, %swap3A_186] : memref<80x128xf32, #tpu.memory_space<vmem>> -> memref<1x128xf32, #tpu.memory_space<vmem>>
      %swap3A_188 = tpu.memref_squeeze %swap3A_187 : memref<1x128xf32, #tpu.memory_space<vmem>> -> memref<128xf32, #tpu.memory_space<vmem>>
      %swap3A_189 = arith.constant 0 : index
      %swap3A_190 = tpu.vector_load %swap3A_188[%swap3A_189] {strides = array<i32>} : memref<128xf32, #tpu.memory_space<vmem>>, vector<16xf32>,
      tpu.vector_store %swap3A_188[%swap3A_189], %mul3A_185 {strides = array<i32>} : memref<128xf32, #tpu.memory_space<vmem>>, vector<16xf32>,
      %get3A_191 = arith.constant 0 : i32
      %get3A_192 = tpu.memref_slice %arg22[%add3A_174, %get3A_191] : memref<80x128xf32, #tpu.memory_space<vmem>> -> memref<1x128xf32, #tpu.memory_space<vmem>>
      %get3A_193 = tpu.memref_squeeze %get3A_192 : memref<1x128xf32, #tpu.memory_space<vmem>> -> memref<128xf32, #tpu.memory_space<vmem>>
      %get3A_194 = arith.constant 16 : index
      %get3A_195 = tpu.vector_load %get3A_193[%get3A_194] {strides = array<i32>} : memref<128xf32, #tpu.memory_space<vmem>>, vector<16xf32>,
      %mul3A_196 = arith.mulf %get3A_195, %gather3A_179 : vector<16xf32>
      %swap3A_197 = arith.constant 0 : i32
      %swap3A_198 = tpu.memref_slice %arg22[%add3A_174, %swap3A_197] : memref<80x128xf32, #tpu.memory_space<vmem>> -> memref<1x128xf32, #tpu.memory_space<vmem>>
      %swap3A_199 = tpu.memref_squeeze %swap3A_198 : memref<1x128xf32, #tpu.memory_space<vmem>> -> memref<128xf32, #tpu.memory_space<vmem>>
      %swap3A_200 = arith.constant 16 : index
      %swap3A_201 = tpu.vector_load %swap3A_199[%swap3A_200] {strides = array<i32>} : memref<128xf32, #tpu.memory_space<vmem>>, vector<16xf32>,
      tpu.vector_store %swap3A_199[%swap3A_200], %mul3A_196 {strides = array<i32>} : memref<128xf32, #tpu.memory_space<vmem>>, vector<16xf32>,
      %get3A_202 = arith.constant 0 : i32
      %get3A_203 = tpu.memref_slice %arg22[%add3A_174, %get3A_202] : memref<80x128xf32, #tpu.memory_space<vmem>> -> memref<1x128xf32, #tpu.memory_space<vmem>>
      %get3A_204 = tpu.memref_squeeze %get3A_203 : memref<1x128xf32, #tpu.memory_space<vmem>> -> memref<128xf32, #tpu.memory_space<vmem>>
      %get3A_205 = arith.constant 32 : index
      %get3A_206 = tpu.vector_load %get3A_204[%get3A_205] {strides = array<i32>} : memref<128xf32, #tpu.memory_space<vmem>>, vector<16xf32>,
      %mul3A_207 = arith.mulf %get3A_206, %gather3A_179 : vector<16xf32>
      %swap3A_208 = arith.constant 0 : i32
      %swap3A_209 = tpu.memref_slice %arg22[%add3A_174, %swap3A_208] : memref<80x128xf32, #tpu.memory_space<vmem>> -> memref<1x128xf32, #tpu.memory_space<vmem>>
      %swap3A_210 = tpu.memref_squeeze %swap3A_209 : memref<1x128xf32, #tpu.memory_space<vmem>> -> memref<128xf32, #tpu.memory_space<vmem>>
      %swap3A_211 = arith.constant 32 : index
      %swap3A_212 = tpu.vector_load %swap3A_210[%swap3A_211] {strides = array<i32>} : memref<128xf32, #tpu.memory_space<vmem>>, vector<16xf32>,
      tpu.vector_store %swap3A_210[%swap3A_211], %mul3A_207 {strides = array<i32>} : memref<128xf32, #tpu.memory_space<vmem>>, vector<16xf32>,
      %get3A_213 = arith.constant 0 : i32
      %get3A_214 = tpu.memref_slice %arg22[%add3A_174, %get3A_213] : memref<80x128xf32, #tpu.memory_space<vmem>> -> memref<1x128xf32, #tpu.memory_space<vmem>>
      %get3A_215 = tpu.memref_squeeze %get3A_214 : memref<1x128xf32, #tpu.memory_space<vmem>> -> memref<128xf32, #tpu.memory_space<vmem>>
      %get3A_216 = arith.constant 48 : index
      %get3A_217 = tpu.vector_load %get3A_215[%get3A_216] {strides = array<i32>} : memref<128xf32, #tpu.memory_space<vmem>>, vector<16xf32>,
      %mul3A_218 = arith.mulf %get3A_217, %gather3A_179 : vector<16xf32>
      %swap3A_219 = arith.constant 0 : i32
      %swap3A_220 = tpu.memref_slice %arg22[%add3A_174, %swap3A_219] : memref<80x128xf32, #tpu.memory_space<vmem>> -> memref<1x128xf32, #tpu.memory_space<vmem>>
      %swap3A_221 = tpu.memref_squeeze %swap3A_220 : memref<1x128xf32, #tpu.memory_space<vmem>> -> memref<128xf32, #tpu.memory_space<vmem>>
      %swap3A_222 = arith.constant 48 : index
      %swap3A_223 = tpu.vector_load %swap3A_221[%swap3A_222] {strides = array<i32>} : memref<128xf32, #tpu.memory_space<vmem>>, vector<16xf32>,
      tpu.vector_store %swap3A_221[%swap3A_222], %mul3A_218 {strides = array<i32>} : memref<128xf32, #tpu.memory_space<vmem>>, vector<16xf32>,
      %get3A_224 = arith.constant 0 : i32
      %get3A_225 = tpu.memref_slice %arg22[%add3A_174, %get3A_224] : memref<80x128xf32, #tpu.memory_space<vmem>> -> memref<1x128xf32, #tpu.memory_space<vmem>>
      %get3A_226 = tpu.memref_squeeze %get3A_225 : memref<1x128xf32, #tpu.memory_space<vmem>> -> memref<128xf32, #tpu.memory_space<vmem>>
      %get3A_227 = arith.constant 64 : index
      %get3A_228 = tpu.vector_load %get3A_226[%get3A_227] {strides = array<i32>} : memref<128xf32, #tpu.memory_space<vmem>>, vector<16xf32>,
      %mul3A_229 = arith.mulf %get3A_228, %gather3A_179 : vector<16xf32>
      %swap3A_230 = arith.constant 0 : i32
      %swap3A_231 = tpu.memref_slice %arg22[%add3A_174, %swap3A_230] : memref<80x128xf32, #tpu.memory_space<vmem>> -> memref<1x128xf32, #tpu.memory_space<vmem>>
      %swap3A_232 = tpu.memref_squeeze %swap3A_231 : memref<1x128xf32, #tpu.memory_space<vmem>> -> memref<128xf32, #tpu.memory_space<vmem>>
      %swap3A_233 = arith.constant 64 : index
      %swap3A_234 = tpu.vector_load %swap3A_232[%swap3A_233] {strides = array<i32>} : memref<128xf32, #tpu.memory_space<vmem>>, vector<16xf32>,
      tpu.vector_store %swap3A_232[%swap3A_233], %mul3A_229 {strides = array<i32>} : memref<128xf32, #tpu.memory_space<vmem>>, vector<16xf32>,
      %get3A_235 = arith.constant 0 : i32
      %get3A_236 = tpu.memref_slice %arg22[%add3A_174, %get3A_235] : memref<80x128xf32, #tpu.memory_space<vmem>> -> memref<1x128xf32, #tpu.memory_space<vmem>>
      %get3A_237 = tpu.memref_squeeze %get3A_236 : memref<1x128xf32, #tpu.memory_space<vmem>> -> memref<128xf32, #tpu.memory_space<vmem>>
      %get3A_238 = arith.constant 80 : index
      %get3A_239 = tpu.vector_load %get3A_237[%get3A_238] {strides = array<i32>} : memref<128xf32, #tpu.memory_space<vmem>>, vector<16xf32>,
      %mul3A_240 = arith.mulf %get3A_239, %gather3A_179 : vector<16xf32>
      %swap3A_241 = arith.constant 0 : i32
      %swap3A_242 = tpu.memref_slice %arg22[%add3A_174, %swap3A_241] : memref<80x128xf32, #tpu.memory_space<vmem>> -> memref<1x128xf32, #tpu.memory_space<vmem>>
      %swap3A_243 = tpu.memref_squeeze %swap3A_242 : memref<1x128xf32, #tpu.memory_space<vmem>> -> memref<128xf32, #tpu.memory_space<vmem>>
      %swap3A_244 = arith.constant 80 : index
      %swap3A_245 = tpu.vector_load %swap3A_243[%swap3A_244] {strides = array<i32>} : memref<128xf32, #tpu.memory_space<vmem>>, vector<16xf32>,
      tpu.vector_store %swap3A_243[%swap3A_244], %mul3A_240 {strides = array<i32>} : memref<128xf32, #tpu.memory_space<vmem>>, vector<16xf32>,
      %get3A_246 = arith.constant 0 : i32
      %get3A_247 = tpu.memref_slice %arg22[%add3A_174, %get3A_246] : memref<80x128xf32, #tpu.memory_space<vmem>> -> memref<1x128xf32, #tpu.memory_space<vmem>>
      %get3A_248 = tpu.memref_squeeze %get3A_247 : memref<1x128xf32, #tpu.memory_space<vmem>> -> memref<128xf32, #tpu.memory_space<vmem>>
      %get3A_249 = arith.constant 96 : index
      %get3A_250 = tpu.vector_load %get3A_248[%get3A_249] {strides = array<i32>} : memref<128xf32, #tpu.memory_space<vmem>>, vector<16xf32>,
      %mul3A_251 = arith.mulf %get3A_250, %gather3A_179 : vector<16xf32>
      %swap3A_252 = arith.constant 0 : i32
      %swap3A_253 = tpu.memref_slice %arg22[%add3A_174, %swap3A_252] : memref<80x128xf32, #tpu.memory_space<vmem>> -> memref<1x128xf32, #tpu.memory_space<vmem>>
      %swap3A_254 = tpu.memref_squeeze %swap3A_253 : memref<1x128xf32, #tpu.memory_space<vmem>> -> memref<128xf32, #tpu.memory_space<vmem>>
      %swap3A_255 = arith.constant 96 : index
      %swap3A_256 = tpu.vector_load %swap3A_254[%swap3A_255] {strides = array<i32>} : memref<128xf32, #tpu.memory_space<vmem>>, vector<16xf32>,
      tpu.vector_store %swap3A_254[%swap3A_255], %mul3A_251 {strides = array<i32>} : memref<128xf32, #tpu.memory_space<vmem>>, vector<16xf32>,
      %get3A_257 = arith.constant 0 : i32
      %get3A_258 = tpu.memref_slice %arg22[%add3A_174, %get3A_257] : memref<80x128xf32, #tpu.memory_space<vmem>> -> memref<1x128xf32, #tpu.memory_space<vmem>>
      %get3A_259 = tpu.memref_squeeze %get3A_258 : memref<1x128xf32, #tpu.memory_space<vmem>> -> memref<128xf32, #tpu.memory_space<vmem>>
      %get3A_260 = arith.constant 112 : index
      %get3A_261 = tpu.vector_load %get3A_259[%get3A_260] {strides = array<i32>} : memref<128xf32, #tpu.memory_space<vmem>>, vector<16xf32>,
      %mul3A_262 = arith.mulf %get3A_261, %gather3A_179 : vector<16xf32>
      %swap3A_263 = arith.constant 0 : i32
      %swap3A_264 = tpu.memref_slice %arg22[%add3A_174, %swap3A_263] : memref<80x128xf32, #tpu.memory_space<vmem>> -> memref<1x128xf32, #tpu.memory_space<vmem>>
      %swap3A_265 = tpu.memref_squeeze %swap3A_264 : memref<1x128xf32, #tpu.memory_space<vmem>> -> memref<128xf32, #tpu.memory_space<vmem>>
      %swap3A_266 = arith.constant 112 : index
      %swap3A_267 = tpu.vector_load %swap3A_265[%swap3A_266] {strides = array<i32>} : memref<128xf32, #tpu.memory_space<vmem>>, vector<16xf32>,
      tpu.vector_store %swap3A_265[%swap3A_266], %mul3A_262 {strides = array<i32>} : memref<128xf32, #tpu.memory_space<vmem>>, vector<16xf32>,
      %add3A_268 = arith.constant 1 : i32
      %add3A_269 = arith.addi %add3A_172, %add3A_268 : i32
      %broadcast_in_dim3A_270 = arith.constant 0 : i32
      %broadcast_in_dim3A_271 = vector.broadcast %broadcast_in_dim3A_270 : i32 to vector<16xi32>
      %add3A_272 = vector.broadcast %add3A_269 : i32 to vector<16xi32>
      %add3A_273 = arith.addi %broadcast_in_dim3A_271, %add3A_272 : vector<16xi32>
      %gather3A_274 = tpu.vector_load_idx %arg18[%add3A_273] : memref<80xf32, #tpu.memory_space<vmem>>[vector<16xi32>], vector<16xf32>,
      %get3A_275 = arith.constant 0 : i32
      %get3A_276 = tpu.memref_slice %arg22[%add3A_269, %get3A_275] : memref<80x128xf32, #tpu.memory_space<vmem>> -> memref<1x128xf32, #tpu.memory_space<vmem>>
      %get3A_277 = tpu.memref_squeeze %get3A_276 : memref<1x128xf32, #tpu.memory_space<vmem>> -> memref<128xf32, #tpu.memory_space<vmem>>
      %get3A_278 = arith.constant 0 : index
      %get3A_279 = tpu.vector_load %get3A_277[%get3A_278] {strides = array<i32>} : memref<128xf32, #tpu.memory_space<vmem>>, vector<16xf32>,
      %mul3A_280 = arith.mulf %get3A_279, %gather3A_274 : vector<16xf32>
      %swap3A_281 = arith.constant 0 : i32
      %swap3A_282 = tpu.memref_slice %arg22[%add3A_269, %swap3A_281] : memref<80x128xf32, #tpu.memory_space<vmem>> -> memref<1x128xf32, #tpu.memory_space<vmem>>
      %swap3A_283 = tpu.memref_squeeze %swap3A_282 : memref<1x128xf32, #tpu.memory_space<vmem>> -> memref<128xf32, #tpu.memory_space<vmem>>
      %swap3A_284 = arith.constant 0 : index
      %swap3A_285 = tpu.vector_load %swap3A_283[%swap3A_284] {strides = array<i32>} : memref<128xf32, #tpu.memory_space<vmem>>, vector<16xf32>,
      tpu.vector_store %swap3A_283[%swap3A_284], %mul3A_280 {strides = array<i32>} : memref<128xf32, #tpu.memory_space<vmem>>, vector<16xf32>,
      %get3A_286 = arith.constant 0 : i32
      %get3A_287 = tpu.memref_slice %arg22[%add3A_269, %get3A_286] : memref<80x128xf32, #tpu.memory_space<vmem>> -> memref<1x128xf32, #tpu.memory_space<vmem>>
      %get3A_288 = tpu.memref_squeeze %get3A_287 : memref<1x128xf32, #tpu.memory_space<vmem>> -> memref<128xf32, #tpu.memory_space<vmem>>
      %get3A_289 = arith.constant 16 : index
      %get3A_290 = tpu.vector_load %get3A_288[%get3A_289] {strides = array<i32>} : memref<128xf32, #tpu.memory_space<vmem>>, vector<16xf32>,
      %mul3A_291 = arith.mulf %get3A_290, %gather3A_274 : vector<16xf32>
      %swap3A_292 = arith.constant 0 : i32
      %swap3A_293 = tpu.memref_slice %arg22[%add3A_269, %swap3A_292] : memref<80x128xf32, #tpu.memory_space<vmem>> -> memref<1x128xf32, #tpu.memory_space<vmem>>
      %swap3A_294 = tpu.memref_squeeze %swap3A_293 : memref<1x128xf32, #tpu.memory_space<vmem>> -> memref<128xf32, #tpu.memory_space<vmem>>
      %swap3A_295 = arith.constant 16 : index
      %swap3A_296 = tpu.vector_load %swap3A_294[%swap3A_295] {strides = array<i32>} : memref<128xf32, #tpu.memory_space<vmem>>, vector<16xf32>,
      tpu.vector_store %swap3A_294[%swap3A_295], %mul3A_291 {strides = array<i32>} : memref<128xf32, #tpu.memory_space<vmem>>, vector<16xf32>,
      %get3A_297 = arith.constant 0 : i32
      %get3A_298 = tpu.memref_slice %arg22[%add3A_269, %get3A_297] : memref<80x128xf32, #tpu.memory_space<vmem>> -> memref<1x128xf32, #tpu.memory_space<vmem>>
      %get3A_299 = tpu.memref_squeeze %get3A_298 : memref<1x128xf32, #tpu.memory_space<vmem>> -> memref<128xf32, #tpu.memory_space<vmem>>
      %get3A_300 = arith.constant 32 : index
      %get3A_301 = tpu.vector_load %get3A_299[%get3A_300] {strides = array<i32>} : memref<128xf32, #tpu.memory_space<vmem>>, vector<16xf32>,
      %mul3A_302 = arith.mulf %get3A_301, %gather3A_274 : vector<16xf32>
      %swap3A_303 = arith.constant 0 : i32
      %swap3A_304 = tpu.memref_slice %arg22[%add3A_269, %swap3A_303] : memref<80x128xf32, #tpu.memory_space<vmem>> -> memref<1x128xf32, #tpu.memory_space<vmem>>
      %swap3A_305 = tpu.memref_squeeze %swap3A_304 : memref<1x128xf32, #tpu.memory_space<vmem>> -> memref<128xf32, #tpu.memory_space<vmem>>
      %swap3A_306 = arith.constant 32 : index
      %swap3A_307 = tpu.vector_load %swap3A_305[%swap3A_306] {strides = array<i32>} : memref<128xf32, #tpu.memory_space<vmem>>, vector<16xf32>,
      tpu.vector_store %swap3A_305[%swap3A_306], %mul3A_302 {strides = array<i32>} : memref<128xf32, #tpu.memory_space<vmem>>, vector<16xf32>,
      %get3A_308 = arith.constant 0 : i32
      %get3A_309 = tpu.memref_slice %arg22[%add3A_269, %get3A_308] : memref<80x128xf32, #tpu.memory_space<vmem>> -> memref<1x128xf32, #tpu.memory_space<vmem>>
      %get3A_310 = tpu.memref_squeeze %get3A_309 : memref<1x128xf32, #tpu.memory_space<vmem>> -> memref<128xf32, #tpu.memory_space<vmem>>
      %get3A_311 = arith.constant 48 : index
      %get3A_312 = tpu.vector_load %get3A_310[%get3A_311] {strides = array<i32>} : memref<128xf32, #tpu.memory_space<vmem>>, vector<16xf32>,
      %mul3A_313 = arith.mulf %get3A_312, %gather3A_274 : vector<16xf32>
      %swap3A_314 = arith.constant 0 : i32
      %swap3A_315 = tpu.memref_slice %arg22[%add3A_269, %swap3A_314] : memref<80x128xf32, #tpu.memory_space<vmem>> -> memref<1x128xf32, #tpu.memory_space<vmem>>
      %swap3A_316 = tpu.memref_squeeze %swap3A_315 : memref<1x128xf32, #tpu.memory_space<vmem>> -> memref<128xf32, #tpu.memory_space<vmem>>
      %swap3A_317 = arith.constant 48 : index
      %swap3A_318 = tpu.vector_load %swap3A_316[%swap3A_317] {strides = array<i32>} : memref<128xf32, #tpu.memory_space<vmem>>, vector<16xf32>,
      tpu.vector_store %swap3A_316[%swap3A_317], %mul3A_313 {strides = array<i32>} : memref<128xf32, #tpu.memory_space<vmem>>, vector<16xf32>,
      %get3A_319 = arith.constant 0 : i32
      %get3A_320 = tpu.memref_slice %arg22[%add3A_269, %get3A_319] : memref<80x128xf32, #tpu.memory_space<vmem>> -> memref<1x128xf32, #tpu.memory_space<vmem>>
      %get3A_321 = tpu.memref_squeeze %get3A_320 : memref<1x128xf32, #tpu.memory_space<vmem>> -> memref<128xf32, #tpu.memory_space<vmem>>
      %get3A_322 = arith.constant 64 : index
      %get3A_323 = tpu.vector_load %get3A_321[%get3A_322] {strides = array<i32>} : memref<128xf32, #tpu.memory_space<vmem>>, vector<16xf32>,
      %mul3A_324 = arith.mulf %get3A_323, %gather3A_274 : vector<16xf32>
      %swap3A_325 = arith.constant 0 : i32
      %swap3A_326 = tpu.memref_slice %arg22[%add3A_269, %swap3A_325] : memref<80x128xf32, #tpu.memory_space<vmem>> -> memref<1x128xf32, #tpu.memory_space<vmem>>
      %swap3A_327 = tpu.memref_squeeze %swap3A_326 : memref<1x128xf32, #tpu.memory_space<vmem>> -> memref<128xf32, #tpu.memory_space<vmem>>
      %swap3A_328 = arith.constant 64 : index
      %swap3A_329 = tpu.vector_load %swap3A_327[%swap3A_328] {strides = array<i32>} : memref<128xf32, #tpu.memory_space<vmem>>, vector<16xf32>,
      tpu.vector_store %swap3A_327[%swap3A_328], %mul3A_324 {strides = array<i32>} : memref<128xf32, #tpu.memory_space<vmem>>, vector<16xf32>,
      %get3A_330 = arith.constant 0 : i32
      %get3A_331 = tpu.memref_slice %arg22[%add3A_269, %get3A_330] : memref<80x128xf32, #tpu.memory_space<vmem>> -> memref<1x128xf32, #tpu.memory_space<vmem>>
      %get3A_332 = tpu.memref_squeeze %get3A_331 : memref<1x128xf32, #tpu.memory_space<vmem>> -> memref<128xf32, #tpu.memory_space<vmem>>
      %get3A_333 = arith.constant 80 : index
      %get3A_334 = tpu.vector_load %get3A_332[%get3A_333] {strides = array<i32>} : memref<128xf32, #tpu.memory_space<vmem>>, vector<16xf32>,
      %mul3A_335 = arith.mulf %get3A_334, %gather3A_274 : vector<16xf32>
      %swap3A_336 = arith.constant 0 : i32
      %swap3A_337 = tpu.memref_slice %arg22[%add3A_269, %swap3A_336] : memref<80x128xf32, #tpu.memory_space<vmem>> -> memref<1x128xf32, #tpu.memory_space<vmem>>
      %swap3A_338 = tpu.memref_squeeze %swap3A_337 : memref<1x128xf32, #tpu.memory_space<vmem>> -> memref<128xf32, #tpu.memory_space<vmem>>
      %swap3A_339 = arith.constant 80 : index
      %swap3A_340 = tpu.vector_load %swap3A_338[%swap3A_339] {strides = array<i32>} : memref<128xf32, #tpu.memory_space<vmem>>, vector<16xf32>,
      tpu.vector_store %swap3A_338[%swap3A_339], %mul3A_335 {strides = array<i32>} : memref<128xf32, #tpu.memory_space<vmem>>, vector<16xf32>,
      %get3A_341 = arith.constant 0 : i32
      %get3A_342 = tpu.memref_slice %arg22[%add3A_269, %get3A_341] : memref<80x128xf32, #tpu.memory_space<vmem>> -> memref<1x128xf32, #tpu.memory_space<vmem>>
      %get3A_343 = tpu.memref_squeeze %get3A_342 : memref<1x128xf32, #tpu.memory_space<vmem>> -> memref<128xf32, #tpu.memory_space<vmem>>
      %get3A_344 = arith.constant 96 : index
      %get3A_345 = tpu.vector_load %get3A_343[%get3A_344] {strides = array<i32>} : memref<128xf32, #tpu.memory_space<vmem>>, vector<16xf32>,
      %mul3A_346 = arith.mulf %get3A_345, %gather3A_274 : vector<16xf32>
      %swap3A_347 = arith.constant 0 : i32
      %swap3A_348 = tpu.memref_slice %arg22[%add3A_269, %swap3A_347] : memref<80x128xf32, #tpu.memory_space<vmem>> -> memref<1x128xf32, #tpu.memory_space<vmem>>
      %swap3A_349 = tpu.memref_squeeze %swap3A_348 : memref<1x128xf32, #tpu.memory_space<vmem>> -> memref<128xf32, #tpu.memory_space<vmem>>
      %swap3A_350 = arith.constant 96 : index
      %swap3A_351 = tpu.vector_load %swap3A_349[%swap3A_350] {strides = array<i32>} : memref<128xf32, #tpu.memory_space<vmem>>, vector<16xf32>,
      tpu.vector_store %swap3A_349[%swap3A_350], %mul3A_346 {strides = array<i32>} : memref<128xf32, #tpu.memory_space<vmem>>, vector<16xf32>,
      %get3A_352 = arith.constant 0 : i32
      %get3A_353 = tpu.memref_slice %arg22[%add3A_269, %get3A_352] : memref<80x128xf32, #tpu.memory_space<vmem>> -> memref<1x128xf32, #tpu.memory_space<vmem>>
      %get3A_354 = tpu.memref_squeeze %get3A_353 : memref<1x128xf32, #tpu.memory_space<vmem>> -> memref<128xf32, #tpu.memory_space<vmem>>
      %get3A_355 = arith.constant 112 : index
      %get3A_356 = tpu.vector_load %get3A_354[%get3A_355] {strides = array<i32>} : memref<128xf32, #tpu.memory_space<vmem>>, vector<16xf32>,
      %mul3A_357 = arith.mulf %get3A_356, %gather3A_274 : vector<16xf32>
      %swap3A_358 = arith.constant 0 : i32
      %swap3A_359 = tpu.memref_slice %arg22[%add3A_269, %swap3A_358] : memref<80x128xf32, #tpu.memory_space<vmem>> -> memref<1x128xf32, #tpu.memory_space<vmem>>
      %swap3A_360 = tpu.memref_squeeze %swap3A_359 : memref<1x128xf32, #tpu.memory_space<vmem>> -> memref<128xf32, #tpu.memory_space<vmem>>
      %swap3A_361 = arith.constant 112 : index
      %swap3A_362 = tpu.vector_load %swap3A_360[%swap3A_361] {strides = array<i32>} : memref<128xf32, #tpu.memory_space<vmem>>, vector<16xf32>,
      tpu.vector_store %swap3A_360[%swap3A_361], %mul3A_357 {strides = array<i32>} : memref<128xf32, #tpu.memory_space<vmem>>, vector<16xf32>,
      %add3A_363 = arith.constant 2 : i32
      %add3A_364 = arith.addi %add3A_172, %add3A_363 : i32
      %broadcast_in_dim3A_365 = arith.constant 0 : i32
      %broadcast_in_dim3A_366 = vector.broadcast %broadcast_in_dim3A_365 : i32 to vector<16xi32>
      %add3A_367 = vector.broadcast %add3A_364 : i32 to vector<16xi32>
      %add3A_368 = arith.addi %broadcast_in_dim3A_366, %add3A_367 : vector<16xi32>
      %gather3A_369 = tpu.vector_load_idx %arg18[%add3A_368] : memref<80xf32, #tpu.memory_space<vmem>>[vector<16xi32>], vector<16xf32>,
      %get3A_370 = arith.constant 0 : i32
      %get3A_371 = tpu.memref_slice %arg22[%add3A_364, %get3A_370] : memref<80x128xf32, #tpu.memory_space<vmem>> -> memref<1x128xf32, #tpu.memory_space<vmem>>
      %get3A_372 = tpu.memref_squeeze %get3A_371 : memref<1x128xf32, #tpu.memory_space<vmem>> -> memref<128xf32, #tpu.memory_space<vmem>>
      %get3A_373 = arith.constant 0 : index
      %get3A_374 = tpu.vector_load %get3A_372[%get3A_373] {strides = array<i32>} : memref<128xf32, #tpu.memory_space<vmem>>, vector<16xf32>,
      %mul3A_375 = arith.mulf %get3A_374, %gather3A_369 : vector<16xf32>
      %swap3A_376 = arith.constant 0 : i32
      %swap3A_377 = tpu.memref_slice %arg22[%add3A_364, %swap3A_376] : memref<80x128xf32, #tpu.memory_space<vmem>> -> memref<1x128xf32, #tpu.memory_space<vmem>>
      %swap3A_378 = tpu.memref_squeeze %swap3A_377 : memref<1x128xf32, #tpu.memory_space<vmem>> -> memref<128xf32, #tpu.memory_space<vmem>>
      %swap3A_379 = arith.constant 0 : index
      %swap3A_380 = tpu.vector_load %swap3A_378[%swap3A_379] {strides = array<i32>} : memref<128xf32, #tpu.memory_space<vmem>>, vector<16xf32>,
      tpu.vector_store %swap3A_378[%swap3A_379], %mul3A_375 {strides = array<i32>} : memref<128xf32, #tpu.memory_space<vmem>>, vector<16xf32>,
      %get3A_381 = arith.constant 0 : i32
      %get3A_382 = tpu.memref_slice %arg22[%add3A_364, %get3A_381] : memref<80x128xf32, #tpu.memory_space<vmem>> -> memref<1x128xf32, #tpu.memory_space<vmem>>
      %get3A_383 = tpu.memref_squeeze %get3A_382 : memref<1x128xf32, #tpu.memory_space<vmem>> -> memref<128xf32, #tpu.memory_space<vmem>>
      %get3A_384 = arith.constant 16 : index
      %get3A_385 = tpu.vector_load %get3A_383[%get3A_384] {strides = array<i32>} : memref<128xf32, #tpu.memory_space<vmem>>, vector<16xf32>,
      %mul3A_386 = arith.mulf %get3A_385, %gather3A_369 : vector<16xf32>
      %swap3A_387 = arith.constant 0 : i32
      %swap3A_388 = tpu.memref_slice %arg22[%add3A_364, %swap3A_387] : memref<80x128xf32, #tpu.memory_space<vmem>> -> memref<1x128xf32, #tpu.memory_space<vmem>>
      %swap3A_389 = tpu.memref_squeeze %swap3A_388 : memref<1x128xf32, #tpu.memory_space<vmem>> -> memref<128xf32, #tpu.memory_space<vmem>>
      %swap3A_390 = arith.constant 16 : index
      %swap3A_391 = tpu.vector_load %swap3A_389[%swap3A_390] {strides = array<i32>} : memref<128xf32, #tpu.memory_space<vmem>>, vector<16xf32>,
      tpu.vector_store %swap3A_389[%swap3A_390], %mul3A_386 {strides = array<i32>} : memref<128xf32, #tpu.memory_space<vmem>>, vector<16xf32>,
      %get3A_392 = arith.constant 0 : i32
      %get3A_393 = tpu.memref_slice %arg22[%add3A_364, %get3A_392] : memref<80x128xf32, #tpu.memory_space<vmem>> -> memref<1x128xf32, #tpu.memory_space<vmem>>
      %get3A_394 = tpu.memref_squeeze %get3A_393 : memref<1x128xf32, #tpu.memory_space<vmem>> -> memref<128xf32, #tpu.memory_space<vmem>>
      %get3A_395 = arith.constant 32 : index
      %get3A_396 = tpu.vector_load %get3A_394[%get3A_395] {strides = array<i32>} : memref<128xf32, #tpu.memory_space<vmem>>, vector<16xf32>,
      %mul3A_397 = arith.mulf %get3A_396, %gather3A_369 : vector<16xf32>
      %swap3A_398 = arith.constant 0 : i32
      %swap3A_399 = tpu.memref_slice %arg22[%add3A_364, %swap3A_398] : memref<80x128xf32, #tpu.memory_space<vmem>> -> memref<1x128xf32, #tpu.memory_space<vmem>>
      %swap3A_400 = tpu.memref_squeeze %swap3A_399 : memref<1x128xf32, #tpu.memory_space<vmem>> -> memref<128xf32, #tpu.memory_space<vmem>>
      %swap3A_401 = arith.constant 32 : index
      %swap3A_402 = tpu.vector_load %swap3A_400[%swap3A_401] {strides = array<i32>} : memref<128xf32, #tpu.memory_space<vmem>>, vector<16xf32>,
      tpu.vector_store %swap3A_400[%swap3A_401], %mul3A_397 {strides = array<i32>} : memref<128xf32, #tpu.memory_space<vmem>>, vector<16xf32>,
      %get3A_403 = arith.constant 0 : i32
      %get3A_404 = tpu.memref_slice %arg22[%add3A_364, %get3A_403] : memref<80x128xf32, #tpu.memory_space<vmem>> -> memref<1x128xf32, #tpu.memory_space<vmem>>
      %get3A_405 = tpu.memref_squeeze %get3A_404 : memref<1x128xf32, #tpu.memory_space<vmem>> -> memref<128xf32, #tpu.memory_space<vmem>>
      %get3A_406 = arith.constant 48 : index
      %get3A_407 = tpu.vector_load %get3A_405[%get3A_406] {strides = array<i32>} : memref<128xf32, #tpu.memory_space<vmem>>, vector<16xf32>,
      %mul3A_408 = arith.mulf %get3A_407, %gather3A_369 : vector<16xf32>
      %swap3A_409 = arith.constant 0 : i32
      %swap3A_410 = tpu.memref_slice %arg22[%add3A_364, %swap3A_409] : memref<80x128xf32, #tpu.memory_space<vmem>> -> memref<1x128xf32, #tpu.memory_space<vmem>>
      %swap3A_411 = tpu.memref_squeeze %swap3A_410 : memref<1x128xf32, #tpu.memory_space<vmem>> -> memref<128xf32, #tpu.memory_space<vmem>>
      %swap3A_412 = arith.constant 48 : index
      %swap3A_413 = tpu.vector_load %swap3A_411[%swap3A_412] {strides = array<i32>} : memref<128xf32, #tpu.memory_space<vmem>>, vector<16xf32>,
      tpu.vector_store %swap3A_411[%swap3A_412], %mul3A_408 {strides = array<i32>} : memref<128xf32, #tpu.memory_space<vmem>>, vector<16xf32>,
      %get3A_414 = arith.constant 0 : i32
      %get3A_415 = tpu.memref_slice %arg22[%add3A_364, %get3A_414] : memref<80x128xf32, #tpu.memory_space<vmem>> -> memref<1x128xf32, #tpu.memory_space<vmem>>
      %get3A_416 = tpu.memref_squeeze %get3A_415 : memref<1x128xf32, #tpu.memory_space<vmem>> -> memref<128xf32, #tpu.memory_space<vmem>>
      %get3A_417 = arith.constant 64 : index
      %get3A_418 = tpu.vector_load %get3A_416[%get3A_417] {strides = array<i32>} : memref<128xf32, #tpu.memory_space<vmem>>, vector<16xf32>,
      %mul3A_419 = arith.mulf %get3A_418, %gather3A_369 : vector<16xf32>
      %swap3A_420 = arith.constant 0 : i32
      %swap3A_421 = tpu.memref_slice %arg22[%add3A_364, %swap3A_420] : memref<80x128xf32, #tpu.memory_space<vmem>> -> memref<1x128xf32, #tpu.memory_space<vmem>>
      %swap3A_422 = tpu.memref_squeeze %swap3A_421 : memref<1x128xf32, #tpu.memory_space<vmem>> -> memref<128xf32, #tpu.memory_space<vmem>>
      %swap3A_423 = arith.constant 64 : index
      %swap3A_424 = tpu.vector_load %swap3A_422[%swap3A_423] {strides = array<i32>} : memref<128xf32, #tpu.memory_space<vmem>>, vector<16xf32>,
      tpu.vector_store %swap3A_422[%swap3A_423], %mul3A_419 {strides = array<i32>} : memref<128xf32, #tpu.memory_space<vmem>>, vector<16xf32>,
      %get3A_425 = arith.constant 0 : i32
      %get3A_426 = tpu.memref_slice %arg22[%add3A_364, %get3A_425] : memref<80x128xf32, #tpu.memory_space<vmem>> -> memref<1x128xf32, #tpu.memory_space<vmem>>
      %get3A_427 = tpu.memref_squeeze %get3A_426 : memref<1x128xf32, #tpu.memory_space<vmem>> -> memref<128xf32, #tpu.memory_space<vmem>>
      %get3A_428 = arith.constant 80 : index
      %get3A_429 = tpu.vector_load %get3A_427[%get3A_428] {strides = array<i32>} : memref<128xf32, #tpu.memory_space<vmem>>, vector<16xf32>,
      %mul3A_430 = arith.mulf %get3A_429, %gather3A_369 : vector<16xf32>
      %swap3A_431 = arith.constant 0 : i32
      %swap3A_432 = tpu.memref_slice %arg22[%add3A_364, %swap3A_431] : memref<80x128xf32, #tpu.memory_space<vmem>> -> memref<1x128xf32, #tpu.memory_space<vmem>>
      %swap3A_433 = tpu.memref_squeeze %swap3A_432 : memref<1x128xf32, #tpu.memory_space<vmem>> -> memref<128xf32, #tpu.memory_space<vmem>>
      %swap3A_434 = arith.constant 80 : index
      %swap3A_435 = tpu.vector_load %swap3A_433[%swap3A_434] {strides = array<i32>} : memref<128xf32, #tpu.memory_space<vmem>>, vector<16xf32>,
      tpu.vector_store %swap3A_433[%swap3A_434], %mul3A_430 {strides = array<i32>} : memref<128xf32, #tpu.memory_space<vmem>>, vector<16xf32>,
      %get3A_436 = arith.constant 0 : i32
      %get3A_437 = tpu.memref_slice %arg22[%add3A_364, %get3A_436] : memref<80x128xf32, #tpu.memory_space<vmem>> -> memref<1x128xf32, #tpu.memory_space<vmem>>
      %get3A_438 = tpu.memref_squeeze %get3A_437 : memref<1x128xf32, #tpu.memory_space<vmem>> -> memref<128xf32, #tpu.memory_space<vmem>>
      %get3A_439 = arith.constant 96 : index
      %get3A_440 = tpu.vector_load %get3A_438[%get3A_439] {strides = array<i32>} : memref<128xf32, #tpu.memory_space<vmem>>, vector<16xf32>,
      %mul3A_441 = arith.mulf %get3A_440, %gather3A_369 : vector<16xf32>
      %swap3A_442 = arith.constant 0 : i32
      %swap3A_443 = tpu.memref_slice %arg22[%add3A_364, %swap3A_442] : memref<80x128xf32, #tpu.memory_space<vmem>> -> memref<1x128xf32, #tpu.memory_space<vmem>>
      %swap3A_444 = tpu.memref_squeeze %swap3A_443 : memref<1x128xf32, #tpu.memory_space<vmem>> -> memref<128xf32, #tpu.memory_space<vmem>>
      %swap3A_445 = arith.constant 96 : index
      %swap3A_446 = tpu.vector_load %swap3A_444[%swap3A_445] {strides = array<i32>} : memref<128xf32, #tpu.memory_space<vmem>>, vector<16xf32>,
      tpu.vector_store %swap3A_444[%swap3A_445], %mul3A_441 {strides = array<i32>} : memref<128xf32, #tpu.memory_space<vmem>>, vector<16xf32>,
      %get3A_447 = arith.constant 0 : i32
      %get3A_448 = tpu.memref_slice %arg22[%add3A_364, %get3A_447] : memref<80x128xf32, #tpu.memory_space<vmem>> -> memref<1x128xf32, #tpu.memory_space<vmem>>
      %get3A_449 = tpu.memref_squeeze %get3A_448 : memref<1x128xf32, #tpu.memory_space<vmem>> -> memref<128xf32, #tpu.memory_space<vmem>>
      %get3A_450 = arith.constant 112 : index
      %get3A_451 = tpu.vector_load %get3A_449[%get3A_450] {strides = array<i32>} : memref<128xf32, #tpu.memory_space<vmem>>, vector<16xf32>,
      %mul3A_452 = arith.mulf %get3A_451, %gather3A_369 : vector<16xf32>
      %swap3A_453 = arith.constant 0 : i32
      %swap3A_454 = tpu.memref_slice %arg22[%add3A_364, %swap3A_453] : memref<80x128xf32, #tpu.memory_space<vmem>> -> memref<1x128xf32, #tpu.memory_space<vmem>>
      %swap3A_455 = tpu.memref_squeeze %swap3A_454 : memref<1x128xf32, #tpu.memory_space<vmem>> -> memref<128xf32, #tpu.memory_space<vmem>>
      %swap3A_456 = arith.constant 112 : index
      %swap3A_457 = tpu.vector_load %swap3A_455[%swap3A_456] {strides = array<i32>} : memref<128xf32, #tpu.memory_space<vmem>>, vector<16xf32>,
      tpu.vector_store %swap3A_455[%swap3A_456], %mul3A_452 {strides = array<i32>} : memref<128xf32, #tpu.memory_space<vmem>>, vector<16xf32>,
      %add3A_458 = arith.constant 3 : i32
      %add3A_459 = arith.addi %add3A_172, %add3A_458 : i32
      %broadcast_in_dim3A_460 = arith.constant 0 : i32
      %broadcast_in_dim3A_461 = vector.broadcast %broadcast_in_dim3A_460 : i32 to vector<16xi32>
      %add3A_462 = vector.broadcast %add3A_459 : i32 to vector<16xi32>
      %add3A_463 = arith.addi %broadcast_in_dim3A_461, %add3A_462 : vector<16xi32>
      %gather3A_464 = tpu.vector_load_idx %arg18[%add3A_463] : memref<80xf32, #tpu.memory_space<vmem>>[vector<16xi32>], vector<16xf32>,
      %get3A_465 = arith.constant 0 : i32
      %get3A_466 = tpu.memref_slice %arg22[%add3A_459, %get3A_465] : memref<80x128xf32, #tpu.memory_space<vmem>> -> memref<1x128xf32, #tpu.memory_space<vmem>>
      %get3A_467 = tpu.memref_squeeze %get3A_466 : memref<1x128xf32, #tpu.memory_space<vmem>> -> memref<128xf32, #tpu.memory_space<vmem>>
      %get3A_468 = arith.constant 0 : index
      %get3A_469 = tpu.vector_load %get3A_467[%get3A_468] {strides = array<i32>} : memref<128xf32, #tpu.memory_space<vmem>>, vector<16xf32>,
      %mul3A_470 = arith.mulf %get3A_469, %gather3A_464 : vector<16xf32>
      %swap3A_471 = arith.constant 0 : i32
      %swap3A_472 = tpu.memref_slice %arg22[%add3A_459, %swap3A_471] : memref<80x128xf32, #tpu.memory_space<vmem>> -> memref<1x128xf32, #tpu.memory_space<vmem>>
      %swap3A_473 = tpu.memref_squeeze %swap3A_472 : memref<1x128xf32, #tpu.memory_space<vmem>> -> memref<128xf32, #tpu.memory_space<vmem>>
      %swap3A_474 = arith.constant 0 : index
      %swap3A_475 = tpu.vector_load %swap3A_473[%swap3A_474] {strides = array<i32>} : memref<128xf32, #tpu.memory_space<vmem>>, vector<16xf32>,
      tpu.vector_store %swap3A_473[%swap3A_474], %mul3A_470 {strides = array<i32>} : memref<128xf32, #tpu.memory_space<vmem>>, vector<16xf32>,
      %get3A_476 = arith.constant 0 : i32
      %get3A_477 = tpu.memref_slice %arg22[%add3A_459, %get3A_476] : memref<80x128xf32, #tpu.memory_space<vmem>> -> memref<1x128xf32, #tpu.memory_space<vmem>>
      %get3A_478 = tpu.memref_squeeze %get3A_477 : memref<1x128xf32, #tpu.memory_space<vmem>> -> memref<128xf32, #tpu.memory_space<vmem>>
      %get3A_479 = arith.constant 16 : index
      %get3A_480 = tpu.vector_load %get3A_478[%get3A_479] {strides = array<i32>} : memref<128xf32, #tpu.memory_space<vmem>>, vector<16xf32>,
      %mul3A_481 = arith.mulf %get3A_480, %gather3A_464 : vector<16xf32>
      %swap3A_482 = arith.constant 0 : i32
      %swap3A_483 = tpu.memref_slice %arg22[%add3A_459, %swap3A_482] : memref<80x128xf32, #tpu.memory_space<vmem>> -> memref<1x128xf32, #tpu.memory_space<vmem>>
      %swap3A_484 = tpu.memref_squeeze %swap3A_483 : memref<1x128xf32, #tpu.memory_space<vmem>> -> memref<128xf32, #tpu.memory_space<vmem>>
      %swap3A_485 = arith.constant 16 : index
      %swap3A_486 = tpu.vector_load %swap3A_484[%swap3A_485] {strides = array<i32>} : memref<128xf32, #tpu.memory_space<vmem>>, vector<16xf32>,
      tpu.vector_store %swap3A_484[%swap3A_485], %mul3A_481 {strides = array<i32>} : memref<128xf32, #tpu.memory_space<vmem>>, vector<16xf32>,
      %get3A_487 = arith.constant 0 : i32
      %get3A_488 = tpu.memref_slice %arg22[%add3A_459, %get3A_487] : memref<80x128xf32, #tpu.memory_space<vmem>> -> memref<1x128xf32, #tpu.memory_space<vmem>>
      %get3A_489 = tpu.memref_squeeze %get3A_488 : memref<1x128xf32, #tpu.memory_space<vmem>> -> memref<128xf32, #tpu.memory_space<vmem>>
      %get3A_490 = arith.constant 32 : index
      %get3A_491 = tpu.vector_load %get3A_489[%get3A_490] {strides = array<i32>} : memref<128xf32, #tpu.memory_space<vmem>>, vector<16xf32>,
      %mul3A_492 = arith.mulf %get3A_491, %gather3A_464 : vector<16xf32>
      %swap3A_493 = arith.constant 0 : i32
      %swap3A_494 = tpu.memref_slice %arg22[%add3A_459, %swap3A_493] : memref<80x128xf32, #tpu.memory_space<vmem>> -> memref<1x128xf32, #tpu.memory_space<vmem>>
      %swap3A_495 = tpu.memref_squeeze %swap3A_494 : memref<1x128xf32, #tpu.memory_space<vmem>> -> memref<128xf32, #tpu.memory_space<vmem>>
      %swap3A_496 = arith.constant 32 : index
      %swap3A_497 = tpu.vector_load %swap3A_495[%swap3A_496] {strides = array<i32>} : memref<128xf32, #tpu.memory_space<vmem>>, vector<16xf32>,
      tpu.vector_store %swap3A_495[%swap3A_496], %mul3A_492 {strides = array<i32>} : memref<128xf32, #tpu.memory_space<vmem>>, vector<16xf32>,
      %get3A_498 = arith.constant 0 : i32
      %get3A_499 = tpu.memref_slice %arg22[%add3A_459, %get3A_498] : memref<80x128xf32, #tpu.memory_space<vmem>> -> memref<1x128xf32, #tpu.memory_space<vmem>>
      %get3A_500 = tpu.memref_squeeze %get3A_499 : memref<1x128xf32, #tpu.memory_space<vmem>> -> memref<128xf32, #tpu.memory_space<vmem>>
      %get3A_501 = arith.constant 48 : index
      %get3A_502 = tpu.vector_load %get3A_500[%get3A_501] {strides = array<i32>} : memref<128xf32, #tpu.memory_space<vmem>>, vector<16xf32>,
      %mul3A_503 = arith.mulf %get3A_502, %gather3A_464 : vector<16xf32>
      %swap3A_504 = arith.constant 0 : i32
      %swap3A_505 = tpu.memref_slice %arg22[%add3A_459, %swap3A_504] : memref<80x128xf32, #tpu.memory_space<vmem>> -> memref<1x128xf32, #tpu.memory_space<vmem>>
      %swap3A_506 = tpu.memref_squeeze %swap3A_505 : memref<1x128xf32, #tpu.memory_space<vmem>> -> memref<128xf32, #tpu.memory_space<vmem>>
      %swap3A_507 = arith.constant 48 : index
      %swap3A_508 = tpu.vector_load %swap3A_506[%swap3A_507] {strides = array<i32>} : memref<128xf32, #tpu.memory_space<vmem>>, vector<16xf32>,
      tpu.vector_store %swap3A_506[%swap3A_507], %mul3A_503 {strides = array<i32>} : memref<128xf32, #tpu.memory_space<vmem>>, vector<16xf32>,
      %get3A_509 = arith.constant 0 : i32
      %get3A_510 = tpu.memref_slice %arg22[%add3A_459, %get3A_509] : memref<80x128xf32, #tpu.memory_space<vmem>> -> memref<1x128xf32, #tpu.memory_space<vmem>>
      %get3A_511 = tpu.memref_squeeze %get3A_510 : memref<1x128xf32, #tpu.memory_space<vmem>> -> memref<128xf32, #tpu.memory_space<vmem>>
      %get3A_512 = arith.constant 64 : index
      %get3A_513 = tpu.vector_load %get3A_511[%get3A_512] {strides = array<i32>} : memref<128xf32, #tpu.memory_space<vmem>>, vector<16xf32>,
      %mul3A_514 = arith.mulf %get3A_513, %gather3A_464 : vector<16xf32>
      %swap3A_515 = arith.constant 0 : i32
      %swap3A_516 = tpu.memref_slice %arg22[%add3A_459, %swap3A_515] : memref<80x128xf32, #tpu.memory_space<vmem>> -> memref<1x128xf32, #tpu.memory_space<vmem>>
      %swap3A_517 = tpu.memref_squeeze %swap3A_516 : memref<1x128xf32, #tpu.memory_space<vmem>> -> memref<128xf32, #tpu.memory_space<vmem>>
      %swap3A_518 = arith.constant 64 : index
      %swap3A_519 = tpu.vector_load %swap3A_517[%swap3A_518] {strides = array<i32>} : memref<128xf32, #tpu.memory_space<vmem>>, vector<16xf32>,
      tpu.vector_store %swap3A_517[%swap3A_518], %mul3A_514 {strides = array<i32>} : memref<128xf32, #tpu.memory_space<vmem>>, vector<16xf32>,
      %get3A_520 = arith.constant 0 : i32
      %get3A_521 = tpu.memref_slice %arg22[%add3A_459, %get3A_520] : memref<80x128xf32, #tpu.memory_space<vmem>> -> memref<1x128xf32, #tpu.memory_space<vmem>>
      %get3A_522 = tpu.memref_squeeze %get3A_521 : memref<1x128xf32, #tpu.memory_space<vmem>> -> memref<128xf32, #tpu.memory_space<vmem>>
      %get3A_523 = arith.constant 80 : index
      %get3A_524 = tpu.vector_load %get3A_522[%get3A_523] {strides = array<i32>} : memref<128xf32, #tpu.memory_space<vmem>>, vector<16xf32>,
      %mul3A_525 = arith.mulf %get3A_524, %gather3A_464 : vector<16xf32>
      %swap3A_526 = arith.constant 0 : i32
      %swap3A_527 = tpu.memref_slice %arg22[%add3A_459, %swap3A_526] : memref<80x128xf32, #tpu.memory_space<vmem>> -> memref<1x128xf32, #tpu.memory_space<vmem>>
      %swap3A_528 = tpu.memref_squeeze %swap3A_527 : memref<1x128xf32, #tpu.memory_space<vmem>> -> memref<128xf32, #tpu.memory_space<vmem>>
      %swap3A_529 = arith.constant 80 : index
      %swap3A_530 = tpu.vector_load %swap3A_528[%swap3A_529] {strides = array<i32>} : memref<128xf32, #tpu.memory_space<vmem>>, vector<16xf32>,
      tpu.vector_store %swap3A_528[%swap3A_529], %mul3A_525 {strides = array<i32>} : memref<128xf32, #tpu.memory_space<vmem>>, vector<16xf32>,
      %get3A_531 = arith.constant 0 : i32
      %get3A_532 = tpu.memref_slice %arg22[%add3A_459, %get3A_531] : memref<80x128xf32, #tpu.memory_space<vmem>> -> memref<1x128xf32, #tpu.memory_space<vmem>>
      %get3A_533 = tpu.memref_squeeze %get3A_532 : memref<1x128xf32, #tpu.memory_space<vmem>> -> memref<128xf32, #tpu.memory_space<vmem>>
      %get3A_534 = arith.constant 96 : index
      %get3A_535 = tpu.vector_load %get3A_533[%get3A_534] {strides = array<i32>} : memref<128xf32, #tpu.memory_space<vmem>>, vector<16xf32>,
      %mul3A_536 = arith.mulf %get3A_535, %gather3A_464 : vector<16xf32>
      %swap3A_537 = arith.constant 0 : i32
      %swap3A_538 = tpu.memref_slice %arg22[%add3A_459, %swap3A_537] : memref<80x128xf32, #tpu.memory_space<vmem>> -> memref<1x128xf32, #tpu.memory_space<vmem>>
      %swap3A_539 = tpu.memref_squeeze %swap3A_538 : memref<1x128xf32, #tpu.memory_space<vmem>> -> memref<128xf32, #tpu.memory_space<vmem>>
      %swap3A_540 = arith.constant 96 : index
      %swap3A_541 = tpu.vector_load %swap3A_539[%swap3A_540] {strides = array<i32>} : memref<128xf32, #tpu.memory_space<vmem>>, vector<16xf32>,
      tpu.vector_store %swap3A_539[%swap3A_540], %mul3A_536 {strides = array<i32>} : memref<128xf32, #tpu.memory_space<vmem>>, vector<16xf32>,
      %get3A_542 = arith.constant 0 : i32
      %get3A_543 = tpu.memref_slice %arg22[%add3A_459, %get3A_542] : memref<80x128xf32, #tpu.memory_space<vmem>> -> memref<1x128xf32, #tpu.memory_space<vmem>>
      %get3A_544 = tpu.memref_squeeze %get3A_543 : memref<1x128xf32, #tpu.memory_space<vmem>> -> memref<128xf32, #tpu.memory_space<vmem>>
      %get3A_545 = arith.constant 112 : index
      %get3A_546 = tpu.vector_load %get3A_544[%get3A_545] {strides = array<i32>} : memref<128xf32, #tpu.memory_space<vmem>>, vector<16xf32>,
      %mul3A_547 = arith.mulf %get3A_546, %gather3A_464 : vector<16xf32>
      %swap3A_548 = arith.constant 0 : i32
      %swap3A_549 = tpu.memref_slice %arg22[%add3A_459, %swap3A_548] : memref<80x128xf32, #tpu.memory_space<vmem>> -> memref<1x128xf32, #tpu.memory_space<vmem>>
      %swap3A_550 = tpu.memref_squeeze %swap3A_549 : memref<1x128xf32, #tpu.memory_space<vmem>> -> memref<128xf32, #tpu.memory_space<vmem>>
      %swap3A_551 = arith.constant 112 : index
      %swap3A_552 = tpu.vector_load %swap3A_550[%swap3A_551] {strides = array<i32>} : memref<128xf32, #tpu.memory_space<vmem>>, vector<16xf32>,
      tpu.vector_store %swap3A_550[%swap3A_551], %mul3A_547 {strides = array<i32>} : memref<128xf32, #tpu.memory_space<vmem>>, vector<16xf32>,
    }
    %scan3A_147 = arith.constant 20 : i32
    %dma_start3A_148 = arith.constant 0 : i32
    %dma_start3A_149 = arith.constant 0 : i32
    %dma_start3A_150 = tpu.memref_slice %arg25[%dma_start3A_148, %dma_start3A_149] : memref<10240x128xf32, #tpu.memory_space<vmem_shared>> -> memref<10240x128xf32, #tpu.memory_space<vmem_shared>>
    tpu.enqueue_indirect_dma source(%arg22 : memref<80x128xf32, #tpu.memory_space<vmem>>) target(%dma_start3A_150 : memref<10240x128xf32, #tpu.memory_space<vmem_shared>>) offsets(%arg14 : memref<80xi32, #tpu.memory_space<vmem>>) semaphore(%arg31 : memref<!tpu.dma_semaphore, #tpu.memory_space<semaphore_mem>>) {add = true}
    %dma_start3A_151 = arith.constant 0 : i32
    %dma_start3A_152 = tpu.memref_slice %arg26[%dma_start3A_151] : memref<10240xf32, #tpu.memory_space<vmem_shared>> -> memref<10240xf32, #tpu.memory_space<vmem_shared>>
    tpu.enqueue_indirect_dma source(%arg18 : memref<80xf32, #tpu.memory_space<vmem>>) target(%dma_start3A_152 : memref<10240xf32, #tpu.memory_space<vmem_shared>>) offsets(%arg14 : memref<80xi32, #tpu.memory_space<vmem>>) semaphore(%arg31 : memref<!tpu.dma_semaphore, #tpu.memory_space<semaphore_mem>>) {add = true}
    %dma_wait3A_153 = arith.constant 0 : i32
    %dma_wait3A_154 = arith.constant 0 : i32
    %dma_wait3A_155 = tpu.memref_slice %arg25[%dma_wait3A_153, %dma_wait3A_154] : memref<10240x128xf32, #tpu.memory_space<vmem_shared>> -> memref<10240x128xf32, #tpu.memory_space<vmem_shared>>
    tpu.wait_indirect_dma semaphore(%arg32 : memref<!tpu.dma_semaphore, #tpu.memory_space<semaphore_mem>>) src(%arg23 : memref<80x128xf32, #tpu.memory_space<vmem>>) dst(%dma_wait3A_155 : memref<10240x128xf32, #tpu.memory_space<vmem_shared>>)
    %dma_wait3A_156 = arith.constant 0 : i32
    %dma_wait3A_157 = tpu.memref_slice %arg26[%dma_wait3A_156] : memref<10240xf32, #tpu.memory_space<vmem_shared>> -> memref<10240xf32, #tpu.memory_space<vmem_shared>>
    tpu.wait_indirect_dma semaphore(%arg32 : memref<!tpu.dma_semaphore, #tpu.memory_space<semaphore_mem>>) src(%arg19 : memref<80xf32, #tpu.memory_space<vmem>>) dst(%dma_wait3A_157 : memref<10240xf32, #tpu.memory_space<vmem_shared>>)
    %dma_wait3A_158 = arith.constant 0 : i32
    %dma_wait3A_159 = arith.constant 0 : i32
    %dma_wait3A_160 = tpu.memref_slice %arg25[%dma_wait3A_158, %dma_wait3A_159] : memref<10240x128xf32, #tpu.memory_space<vmem_shared>> -> memref<10240x128xf32, #tpu.memory_space<vmem_shared>>
    tpu.wait_indirect_dma semaphore(%arg31 : memref<!tpu.dma_semaphore, #tpu.memory_space<semaphore_mem>>) src(%arg22 : memref<80x128xf32, #tpu.memory_space<vmem>>) dst(%dma_wait3A_160 : memref<10240x128xf32, #tpu.memory_space<vmem_shared>>)
    %dma_wait3A_161 = arith.constant 0 : i32
    %dma_wait3A_162 = tpu.memref_slice %arg26[%dma_wait3A_161] : memref<10240xf32, #tpu.memory_space<vmem_shared>> -> memref<10240xf32, #tpu.memory_space<vmem_shared>>
    tpu.wait_indirect_dma semaphore(%arg31 : memref<!tpu.dma_semaphore, #tpu.memory_space<semaphore_mem>>) src(%arg18 : memref<80xf32, #tpu.memory_space<vmem>>) dst(%dma_wait3A_162 : memref<10240xf32, #tpu.memory_space<vmem_shared>>)
    %barrier3A_163 = arith.constant 0 : index
    tpu.barrier barrier_id(%barrier3A_163)
    %mul3A_164 = arith.constant 640 : i32
    %mul3A_165 = arith.muli %arg1, %mul3A_164 : i32
    "tpu.region"() ({
      %run_scoped3A = tpu.sem_alloc : memref<!tpu.dma_semaphore, #tpu.memory_space<semaphore_mem>>
      %dma_start3A_168 = arith.constant 0 : i32
      %dma_start3A_169 = arith.constant 0 : i32
      %dma_start3A_170 = tpu.memref_slice %arg8[%arg0, %dma_start3A_168, %dma_start3A_169] : memref<2x10240x128xf32, #tpu.memory_space<hbm>> -> memref<1x10240x128xf32, #tpu.memory_space<hbm>>
      %dma_start3A_171 = tpu.memref_squeeze %dma_start3A_170 : memref<1x10240x128xf32, #tpu.memory_space<hbm>> -> memref<10240x128xf32, #tpu.memory_space<hbm>>
      %dma_start3A_172 = arith.constant 0 : i32
      %dma_start3A_173 = tpu.memref_slice %dma_start3A_171[%mul3A_165, %dma_start3A_172] : memref<10240x128xf32, #tpu.memory_space<hbm>> -> memref<640x128xf32, #tpu.memory_space<hbm>>
      %dma_start3A_174 = arith.constant 0 : i32
      %dma_start3A_175 = tpu.memref_slice %arg25[%mul3A_165, %dma_start3A_174] : memref<10240x128xf32, #tpu.memory_space<vmem_shared>> -> memref<640x128xf32, #tpu.memory_space<vmem_shared>>
      tpu.enqueue_dma source(%dma_start3A_175 : memref<640x128xf32, #tpu.memory_space<vmem_shared>>) target(%dma_start3A_173 : memref<640x128xf32, #tpu.memory_space<hbm>>) target_semaphore(%run_scoped3A : memref<!tpu.dma_semaphore, #tpu.memory_space<semaphore_mem>>)
      %dma_wait3A_176 = arith.constant 0 : i32
      %dma_wait3A_177 = arith.constant 0 : i32
      %dma_wait3A_178 = tpu.memref_slice %arg8[%arg0, %dma_wait3A_176, %dma_wait3A_177] : memref<2x10240x128xf32, #tpu.memory_space<hbm>> -> memref<1x10240x128xf32, #tpu.memory_space<hbm>>
      %dma_wait3A_179 = tpu.memref_squeeze %dma_wait3A_178 : memref<1x10240x128xf32, #tpu.memory_space<hbm>> -> memref<10240x128xf32, #tpu.memory_space<hbm>>
      %dma_wait3A_180 = arith.constant 0 : i32
      %dma_wait3A_181 = tpu.memref_slice %dma_wait3A_179[%mul3A_165, %dma_wait3A_180] : memref<10240x128xf32, #tpu.memory_space<hbm>> -> memref<640x128xf32, #tpu.memory_space<hbm>>
      %dma_wait3A_182 = arith.constant 0 : i32
      %dma_wait3A_183 = tpu.memref_slice %arg25[%mul3A_165, %dma_wait3A_182] : memref<10240x128xf32, #tpu.memory_space<vmem_shared>> -> memref<640x128xf32, #tpu.memory_space<vmem_shared>>
      tpu.wait_dma2 semaphore(%run_scoped3A : memref<!tpu.dma_semaphore, #tpu.memory_space<semaphore_mem>>) src(%dma_wait3A_183 : memref<640x128xf32, #tpu.memory_space<vmem_shared>>) dst(%dma_wait3A_181 : memref<640x128xf32, #tpu.memory_space<hbm>>)
      tpu.yield
    }) : () -> ()
    %eq3A = arith.constant 0 : i32
    %eq3A_166 = arith.cmpi eq, %arg1, %eq3A : i32
    %convert_element_type3A = arith.extui %eq3A_166 : i1 to i32
    %cond3A = arith.constant 0 : i32
    %cond3A_167 = arith.cmpi ne, %convert_element_type3A, %cond3A : i32
    scf.if %cond3A_167 {
      "tpu.region"() ({
        %run_scoped3A = tpu.sem_alloc : memref<!tpu.dma_semaphore, #tpu.memory_space<semaphore_mem>>
        %dma_start3A_168 = arith.constant 0 : i32
        %dma_start3A_169 = tpu.memref_slice %arg9[%arg0, %dma_start3A_168] : memref<2x10240xf32, #tpu.memory_space<hbm>> -> memref<1x10240xf32, #tpu.memory_space<hbm>>
        %dma_start3A_170 = tpu.memref_squeeze %dma_start3A_169 : memref<1x10240xf32, #tpu.memory_space<hbm>> -> memref<10240xf32, #tpu.memory_space<hbm>>
        tpu.enqueue_dma source(%arg26 : memref<10240xf32, #tpu.memory_space<vmem_shared>>) target(%dma_start3A_170 : memref<10240xf32, #tpu.memory_space<hbm>>) target_semaphore(%run_scoped3A : memref<!tpu.dma_semaphore, #tpu.memory_space<semaphore_mem>>)
        %dma_wait3A_171 = arith.constant 0 : i32
        %dma_wait3A_172 = tpu.memref_slice %arg9[%arg0, %dma_wait3A_171] : memref<2x10240xf32, #tpu.memory_space<hbm>> -> memref<1x10240xf32, #tpu.memory_space<hbm>>
        %dma_wait3A_173 = tpu.memref_squeeze %dma_wait3A_172 : memref<1x10240xf32, #tpu.memory_space<hbm>> -> memref<10240xf32, #tpu.memory_space<hbm>>
        tpu.wait_dma2 semaphore(%run_scoped3A : memref<!tpu.dma_semaphore, #tpu.memory_space<semaphore_mem>>) src(%arg26 : memref<10240xf32, #tpu.memory_space<vmem_shared>>) dst(%dma_wait3A_173 : memref<10240xf32, #tpu.memory_space<hbm>>)
        tpu.yield
      }) : () -> ()
    } else {
    }
    return
  }
}

module attributes {stable_mosaic.version = 14 : i64} {
  func.func @body(%arg0: i32, %arg1: memref<1000x128xf32, #tpu.memory_space<vmem>>, %arg2: memref<128x128xf32, #tpu.memory_space<vmem>>, %arg3: memref<1x128xf32, #tpu.memory_space<vmem>>, %arg4: memref<1x128xf32, #tpu.memory_space<vmem>>, %arg5: memref<1000x128xf32, #tpu.memory_space<vmem>>, %arg6: memref<1000x1xf32, #tpu.memory_space<vmem>>, %arg7: memref<1000x1xf32, #tpu.memory_space<vmem>>) attributes {dimension_semantics = [#tpu.dimension_semantics<arbitrary>], iteration_bounds = array<i64: 10>, scalar_prefetch = 0 : i64, scratch_operands = 0 : i64, tpu.core_type = #tpu.core_type<tc>, window_params = [{transform_indices = @transform_0, window_bounds = array<i64: 1000, 128>}, {pipeline_mode = #tpu.pipeline_mode<synchronous>, transform_indices = @transform_1, window_bounds = array<i64: 128, 128>}, {pipeline_mode = #tpu.pipeline_mode<synchronous>, transform_indices = @transform_2, window_bounds = array<i64: 1, 128>}, {pipeline_mode = #tpu.pipeline_mode<synchronous>, transform_indices = @transform_3, window_bounds = array<i64: 1, 128>}, {transform_indices = @transform_4, window_bounds = array<i64: 1000, 128>}, {transform_indices = @transform_5, window_bounds = array<i64: 1000, 1>}, {transform_indices = @transform_6, window_bounds = array<i64: 1000, 1>}]} {
    %get3A = arith.constant 0 : index
    %get3A_0 = arith.constant 0 : index
    %get3A_1 = vector.load %arg1[%get3A, %get3A_0] : memref<1000x128xf32, #tpu.memory_space<vmem>>, vector<1000x128xf32>
    %get3A_2 = arith.constant 0 : index
    %get3A_3 = arith.constant 0 : index
    %get3A_4 = vector.load %arg2[%get3A_2, %get3A_3] : memref<128x128xf32, #tpu.memory_space<vmem>>, vector<128x128xf32>
    %dot_general3A = arith.constant dense<0.000000e+00> : vector<1000x128xf32>
    %dot_general3A_5 = tpu.matmul %get3A_1, %get3A_4, %dot_general3A {dimension_numbers = #tpu.dot_dimension_numbers<[1], [0], [0], [1], [0, 0, 1, 1], [], []>, transpose_lhs_hint = false} : vector<1000x128xf32>, vector<128x128xf32>, vector<1000x128xf32> -> vector<1000x128xf32>
    %swap3A = arith.constant 0 : index
    %swap3A_6 = arith.constant 0 : index
    %swap3A_7 = vector.load %arg5[%swap3A, %swap3A_6] : memref<1000x128xf32, #tpu.memory_space<vmem>>, vector<1000x128xf32>
    tpu.vector_store %arg5[%swap3A, %swap3A_6], %dot_general3A_5 {strides = array<i32>} : memref<1000x128xf32, #tpu.memory_space<vmem>>, vector<1000x128xf32>,
    %get3A_8 = arith.constant 0 : index
    %get3A_9 = arith.constant 0 : index
    %get3A_10 = vector.load %arg3[%get3A_8, %get3A_9] : memref<1x128xf32, #tpu.memory_space<vmem>>, vector<1x128xf32>
    %mul3A = vector.broadcast %get3A_10 : vector<1x128xf32> to vector<1000x128xf32>
    %mul3A_11 = arith.mulf %dot_general3A_5, %mul3A : vector<1000x128xf32>
    %reduce_sum3A = arith.constant dense<0.000000e+00> : vector<1000xf32>
    %reduce_sum3A_12 = vector.multi_reduction <add>, %mul3A_11, %reduce_sum3A [1] : vector<1000x128xf32> to vector<1000xf32>
    %broadcast_in_dim3A = vector.shape_cast %reduce_sum3A_12 : vector<1000xf32> to vector<1000x1xf32>
    %swap3A_13 = arith.constant 0 : index
    %swap3A_14 = arith.constant 0 : index
    %swap3A_15 = vector.load %arg6[%swap3A_13, %swap3A_14] : memref<1000x1xf32, #tpu.memory_space<vmem>>, vector<1000x1xf32>
    tpu.vector_store %arg6[%swap3A_13, %swap3A_14], %broadcast_in_dim3A {strides = array<i32>} : memref<1000x1xf32, #tpu.memory_space<vmem>>, vector<1000x1xf32>,
    %get3A_16 = arith.constant 0 : index
    %get3A_17 = arith.constant 0 : index
    %get3A_18 = vector.load %arg4[%get3A_16, %get3A_17] : memref<1x128xf32, #tpu.memory_space<vmem>>, vector<1x128xf32>
    %mul3A_19 = vector.broadcast %get3A_18 : vector<1x128xf32> to vector<1000x128xf32>
    %mul3A_20 = arith.mulf %dot_general3A_5, %mul3A_19 : vector<1000x128xf32>
    %reduce_sum3A_21 = arith.constant dense<0.000000e+00> : vector<1000xf32>
    %reduce_sum3A_22 = vector.multi_reduction <add>, %mul3A_20, %reduce_sum3A_21 [1] : vector<1000x128xf32> to vector<1000xf32>
    %broadcast_in_dim3A_23 = vector.shape_cast %reduce_sum3A_22 : vector<1000xf32> to vector<1000x1xf32>
    %swap3A_24 = arith.constant 0 : index
    %swap3A_25 = arith.constant 0 : index
    %swap3A_26 = vector.load %arg7[%swap3A_24, %swap3A_25] : memref<1000x1xf32, #tpu.memory_space<vmem>>, vector<1000x1xf32>
    tpu.vector_store %arg7[%swap3A_24, %swap3A_25], %broadcast_in_dim3A_23 {strides = array<i32>} : memref<1000x1xf32, #tpu.memory_space<vmem>>, vector<1000x1xf32>,
    return
  }
  func.func @transform_0(%arg0: i32) -> (i32, i32) {
    %c0_i32 = arith.constant 0 : i32
    %c0_i32_0 = arith.constant 0 : i32
    return %arg0, %c0_i32 : i32, i32
  }
  func.func @transform_1(%arg0: i32) -> (i32, i32) {
    %c0_i32 = arith.constant 0 : i32
    %c0_i32_0 = arith.constant 0 : i32
    %c0_i32_1 = arith.constant 0 : i32
    return %c0_i32, %c0_i32_0 : i32, i32
  }
  func.func @transform_2(%arg0: i32) -> (i32, i32) {
    %c0_i32 = arith.constant 0 : i32
    %c0_i32_0 = arith.constant 0 : i32
    %c0_i32_1 = arith.constant 0 : i32
    return %c0_i32, %c0_i32_0 : i32, i32
  }
  func.func @transform_3(%arg0: i32) -> (i32, i32) {
    %c0_i32 = arith.constant 0 : i32
    %c0_i32_0 = arith.constant 0 : i32
    %c0_i32_1 = arith.constant 0 : i32
    return %c0_i32, %c0_i32_0 : i32, i32
  }
  func.func @transform_4(%arg0: i32) -> (i32, i32) {
    %c0_i32 = arith.constant 0 : i32
    %c0_i32_0 = arith.constant 0 : i32
    return %arg0, %c0_i32 : i32, i32
  }
  func.func @transform_5(%arg0: i32) -> (i32, i32) {
    %c0_i32 = arith.constant 0 : i32
    %c0_i32_0 = arith.constant 0 : i32
    return %arg0, %c0_i32 : i32, i32
  }
  func.func @transform_6(%arg0: i32) -> (i32, i32) {
    %c0_i32 = arith.constant 0 : i32
    %c0_i32_0 = arith.constant 0 : i32
    return %arg0, %c0_i32 : i32, i32
  }
}

module attributes {stable_mosaic.version = 14 : i64} {
  func.func @body(%arg0: i32, %arg1: memref<6400x11xf32, #tpu.memory_space<vmem>>, %arg2: memref<11x128xf32, #tpu.memory_space<vmem>>, %arg3: memref<1x128xf32, #tpu.memory_space<vmem>>, %arg4: memref<1x320000xf32, #tpu.memory_space<vmem>>, %arg5: memref<1x1xf32, #tpu.memory_space<vmem>>) attributes {dimension_semantics = [#tpu.dimension_semantics<arbitrary>], iteration_bounds = array<i64: 50>, scalar_prefetch = 0 : i64, scratch_operands = 0 : i64, tpu.core_type = #tpu.core_type<tc>, window_params = [{transform_indices = @transform_0, window_bounds = array<i64: 6400, 11>}, {pipeline_mode = #tpu.pipeline_mode<synchronous>, transform_indices = @transform_1, window_bounds = array<i64: 11, 128>}, {pipeline_mode = #tpu.pipeline_mode<synchronous>, transform_indices = @transform_2, window_bounds = array<i64: 1, 128>}, {pipeline_mode = #tpu.pipeline_mode<synchronous>, transform_indices = @transform_3, window_bounds = array<i64: 1, 320000>}, {pipeline_mode = #tpu.pipeline_mode<synchronous>, transform_indices = @transform_4, window_bounds = array<i64: 1, 1>}]} {
    %get3A = arith.constant 0 : index
    %get3A_0 = arith.constant 0 : index
    %get3A_1 = vector.load %arg3[%get3A, %get3A_0] : memref<1x128xf32, #tpu.memory_space<vmem>>, vector<1x128xf32>
    %get3A_2 = arith.constant 0 : index
    %get3A_3 = arith.constant 0 : index
    %get3A_4 = vector.load %arg2[%get3A_2, %get3A_3] : memref<11x128xf32, #tpu.memory_space<vmem>>, vector<11x128xf32>
    %dot_general3A = arith.constant dense<0.000000e+00> : vector<1x11xf32>
    %dot_general3A_5 = tpu.matmul %get3A_1, %get3A_4, %dot_general3A {dimension_numbers = #tpu.dot_dimension_numbers<[1], [1], [0], [0], [0, 0, 1, 0], [], []>, transpose_lhs_hint = false} : vector<1x128xf32>, vector<11x128xf32>, vector<1x11xf32> -> vector<1x11xf32>
    %get3A_6 = arith.constant 0 : index
    %get3A_7 = arith.constant 0 : index
    %get3A_8 = vector.load %arg1[%get3A_6, %get3A_7] : memref<6400x11xf32, #tpu.memory_space<vmem>>, vector<6400x11xf32>
    %dot_general3A_9 = arith.constant dense<0.000000e+00> : vector<1x6400xf32>
    %dot_general3A_10 = tpu.matmul %dot_general3A_5, %get3A_8, %dot_general3A_9 {dimension_numbers = #tpu.dot_dimension_numbers<[1], [1], [0], [0], [0, 0, 1, 0], [], []>, transpose_lhs_hint = false} : vector<1x11xf32>, vector<6400x11xf32>, vector<1x6400xf32> -> vector<1x6400xf32>
    %mul3A = arith.constant 6400 : i32
    %mul3A_11 = arith.muli %arg0, %mul3A : i32
    %multiple_of3A = tpu.assume_multiple %mul3A_11, 128 : i32
    %swap3A = arith.constant 0 : index
    %swap3A_12 = arith.index_cast %multiple_of3A : i32 to index
    %swap3A_13 = vector.load %arg4[%swap3A, %swap3A_12] : memref<1x320000xf32, #tpu.memory_space<vmem>>, vector<1x6400xf32>
    tpu.vector_store %arg4[%swap3A, %swap3A_12], %dot_general3A_10 {strides = array<i32>} : memref<1x320000xf32, #tpu.memory_space<vmem>>, vector<1x6400xf32>,
    %eq3A = arith.constant 0 : i32
    %eq3A_14 = arith.cmpi eq, %arg0, %eq3A : i32
    %convert_element_type3A = arith.extui %eq3A_14 : i1 to i32
    %cond3A = arith.constant 0 : i32
    %cond3A_15 = arith.cmpi ne, %convert_element_type3A, %cond3A : i32
    scf.if %cond3A_15 {
      %broadcast_in_dim3A_26 = arith.constant 0.000000e+00 : f32
      %broadcast_in_dim3A_27 = vector.broadcast %broadcast_in_dim3A_26 : f32 to vector<1x1xf32>
      %swap3A_28 = arith.constant 0 : index
      %swap3A_29 = arith.constant 0 : index
      %swap3A_30 = vector.load %arg5[%swap3A_28, %swap3A_29] : memref<1x1xf32, #tpu.memory_space<vmem>>, vector<1x1xf32>
      tpu.vector_store %arg5[%swap3A_28, %swap3A_29], %broadcast_in_dim3A_27 {strides = array<i32>} : memref<1x1xf32, #tpu.memory_space<vmem>>, vector<1x1xf32>,
    } else {
    }
    %get3A_16 = arith.constant 0 : index
    %get3A_17 = arith.constant 0 : index
    %get3A_18 = vector.load %arg5[%get3A_16, %get3A_17] : memref<1x1xf32, #tpu.memory_space<vmem>>, vector<1x1xf32>
    %reduce_sum3A = vector.shape_cast %dot_general3A_10 : vector<1x6400xf32> to vector<1x1x6400xf32>
    %reduce_sum3A_19 = arith.constant dense<0.000000e+00> : vector<1xf32>
    %reduce_sum3A_20 = vector.multi_reduction <add>, %reduce_sum3A, %reduce_sum3A_19 [1, 2] : vector<1x1x6400xf32> to vector<1xf32>
    %reduce_sum3A_21 = vector.shape_cast %reduce_sum3A_20 : vector<1xf32> to vector<1x1x1xf32>
    %reduce_sum3A_22 = vector.extract %reduce_sum3A_21[0, 0, 0] : f32 from vector<1x1x1xf32>
    %broadcast_in_dim3A = vector.broadcast %reduce_sum3A_22 : f32 to vector<1x1xf32>
    %add3A = arith.addf %get3A_18, %broadcast_in_dim3A : vector<1x1xf32>
    %swap3A_23 = arith.constant 0 : index
    %swap3A_24 = arith.constant 0 : index
    %swap3A_25 = vector.load %arg5[%swap3A_23, %swap3A_24] : memref<1x1xf32, #tpu.memory_space<vmem>>, vector<1x1xf32>
    tpu.vector_store %arg5[%swap3A_23, %swap3A_24], %add3A {strides = array<i32>} : memref<1x1xf32, #tpu.memory_space<vmem>>, vector<1x1xf32>,
    return
  }
  func.func @transform_0(%arg0: i32) -> (i32, i32) {
    %c0_i32 = arith.constant 0 : i32
    %c0_i32_0 = arith.constant 0 : i32
    return %arg0, %c0_i32 : i32, i32
  }
  func.func @transform_1(%arg0: i32) -> (i32, i32) {
    %c0_i32 = arith.constant 0 : i32
    %c0_i32_0 = arith.constant 0 : i32
    %c0_i32_1 = arith.constant 0 : i32
    return %c0_i32, %c0_i32_0 : i32, i32
  }
  func.func @transform_2(%arg0: i32) -> (i32, i32) {
    %c0_i32 = arith.constant 0 : i32
    %c0_i32_0 = arith.constant 0 : i32
    %c0_i32_1 = arith.constant 0 : i32
    return %c0_i32, %c0_i32_0 : i32, i32
  }
  func.func @transform_3(%arg0: i32) -> (i32, i32) {
    %c0_i32 = arith.constant 0 : i32
    %c0_i32_0 = arith.constant 0 : i32
    %c0_i32_1 = arith.constant 0 : i32
    return %c0_i32, %c0_i32_0 : i32, i32
  }
  func.func @transform_4(%arg0: i32) -> (i32, i32) {
    %c0_i32 = arith.constant 0 : i32
    %c0_i32_0 = arith.constant 0 : i32
    %c0_i32_1 = arith.constant 0 : i32
    return %c0_i32, %c0_i32_0 : i32, i32
  }
}

module attributes {stable_mosaic.version = 14 : i64} {
  func.func @body(%arg0: i32, %arg1: memref<1x1000x128xf32, #tpu.memory_space<vmem>>, %arg2: memref<1x1000x128xf32, #tpu.memory_space<vmem>>, %arg3: memref<1000x128xf32, #tpu.memory_space<vmem>>, %arg4: memref<1000x1xf32, #tpu.memory_space<vmem>>, %arg5: memref<1000x1xf32, #tpu.memory_space<vmem>>, %arg6: memref<1000x2xf32, #tpu.memory_space<vmem>>, %arg7: memref<1x1xf32, #tpu.memory_space<vmem>>, %arg8: memref<1000x128xf32, #tpu.memory_space<vmem>>) attributes {dimension_semantics = [#tpu.dimension_semantics<arbitrary>], iteration_bounds = array<i64: 10>, scalar_prefetch = 0 : i64, scratch_operands = 0 : i64, tpu.core_type = #tpu.core_type<tc>, window_params = [{transform_indices = @transform_0, window_bounds = array<i64: 1, 1000, 128>}, {transform_indices = @transform_1, window_bounds = array<i64: 1, 1000, 128>}, {transform_indices = @transform_2, window_bounds = array<i64: 1000, 128>}, {transform_indices = @transform_3, window_bounds = array<i64: 1000, 1>}, {transform_indices = @transform_4, window_bounds = array<i64: 1000, 1>}, {transform_indices = @transform_5, window_bounds = array<i64: 1000, 2>}, {pipeline_mode = #tpu.pipeline_mode<synchronous>, transform_indices = @transform_6, window_bounds = array<i64: 1, 1>}, {transform_indices = @transform_7, window_bounds = array<i64: 1000, 128>}]} {
    %get3A = arith.constant 0 : index
    %get3A_0 = arith.constant 0 : index
    %get3A_1 = vector.load %arg7[%get3A, %get3A_0] : memref<1x1xf32, #tpu.memory_space<vmem>>, vector<1x1xf32>
    %mul3A = arith.constant 3.125000e-06 : f32
    %mul3A_2 = vector.broadcast %mul3A : f32 to vector<1x1xf32>
    %mul3A_3 = arith.mulf %get3A_1, %mul3A_2 : vector<1x1xf32>
    %get3A_4 = arith.constant 0 : index
    %get3A_5 = arith.constant 0 : index
    %get3A_6 = vector.load %arg4[%get3A_4, %get3A_5] : memref<1000x1xf32, #tpu.memory_space<vmem>>, vector<1000x1xf32>
    %get3A_7 = arith.constant 0 : index
    %get3A_8 = arith.constant 0 : index
    %get3A_9 = vector.load %arg5[%get3A_7, %get3A_8] : memref<1000x1xf32, #tpu.memory_space<vmem>>, vector<1000x1xf32>
    %add3A = arith.addf %get3A_6, %get3A_9 : vector<1000x1xf32>
    %add3A_10 = vector.broadcast %mul3A_3 : vector<1x1xf32> to vector<1000x1xf32>
    %add3A_11 = arith.addf %add3A, %add3A_10 : vector<1000x1xf32>
    %mul3A_12 = arith.constant 2.000000e-01 : f32
    %mul3A_13 = vector.broadcast %mul3A_12 : f32 to vector<1000x1xf32>
    %mul3A_14 = arith.mulf %add3A_11, %mul3A_13 : vector<1000x1xf32>
    %max3A = arith.maximumf %add3A_11, %mul3A_14 : vector<1000x1xf32>
    %exp3A = math.exp %max3A : vector<1000x1xf32>
    %get3A_15 = arith.constant 0 : index
    %get3A_16 = arith.constant 0 : index
    %get3A_17 = vector.load %arg6[%get3A_15, %get3A_16] : memref<1000x2xf32, #tpu.memory_space<vmem>>, vector<1000x2xf32>
    %reduce_sum3A = arith.constant dense<0.000000e+00> : vector<1000xf32>
    %reduce_sum3A_18 = vector.multi_reduction <add>, %get3A_17, %reduce_sum3A [1] : vector<1000x2xf32> to vector<1000xf32>
    %broadcast_in_dim3A = vector.shape_cast %reduce_sum3A_18 : vector<1000xf32> to vector<1000x1xf32>
    %add3A_19 = arith.addf %broadcast_in_dim3A, %exp3A : vector<1000x1xf32>
    %get3A_20 = arith.constant 0 : index
    %get3A_21 = arith.constant 0 : index
    %get3A_22 = arith.constant 0 : index
    %get3A_23 = vector.load %arg1[%get3A_20, %get3A_21, %get3A_22] : memref<1x1000x128xf32, #tpu.memory_space<vmem>>, vector<1x1000x128xf32>
    %get3A_24 = vector.shape_cast %get3A_23 : vector<1x1000x128xf32> to vector<1000x128xf32>
    %get3A_25 = arith.constant 0 : index
    %get3A_26 = arith.constant 0 : index
    %get3A_27 = arith.constant 0 : index
    %get3A_28 = vector.load %arg2[%get3A_25, %get3A_26, %get3A_27] : memref<1x1000x128xf32, #tpu.memory_space<vmem>>, vector<1x1000x128xf32>
    %get3A_29 = vector.shape_cast %get3A_28 : vector<1x1000x128xf32> to vector<1000x128xf32>
    %add3A_30 = arith.addf %get3A_24, %get3A_29 : vector<1000x128xf32>
    %get3A_31 = arith.constant 0 : index
    %get3A_32 = arith.constant 0 : index
    %get3A_33 = vector.load %arg3[%get3A_31, %get3A_32] : memref<1000x128xf32, #tpu.memory_space<vmem>>, vector<1000x128xf32>
    %mul3A_34 = vector.broadcast %exp3A : vector<1000x1xf32> to vector<1000x128xf32>
    %mul3A_35 = arith.mulf %mul3A_34, %get3A_33 : vector<1000x128xf32>
    %add3A_36 = arith.addf %add3A_30, %mul3A_35 : vector<1000x128xf32>
    %add3A_37 = arith.constant 1.000000e-16 : f32
    %add3A_38 = vector.broadcast %add3A_37 : f32 to vector<1000x1xf32>
    %add3A_39 = arith.addf %add3A_19, %add3A_38 : vector<1000x1xf32>
    %div3A = vector.broadcast %add3A_39 : vector<1000x1xf32> to vector<1000x128xf32>
    %div3A_40 = arith.divf %add3A_36, %div3A : vector<1000x128xf32>
    %swap3A = arith.constant 0 : index
    %swap3A_41 = arith.constant 0 : index
    %swap3A_42 = vector.load %arg8[%swap3A, %swap3A_41] : memref<1000x128xf32, #tpu.memory_space<vmem>>, vector<1000x128xf32>
    tpu.vector_store %arg8[%swap3A, %swap3A_41], %div3A_40 {strides = array<i32>} : memref<1000x128xf32, #tpu.memory_space<vmem>>, vector<1000x128xf32>,
    return
  }
  func.func @transform_0(%arg0: i32) -> (i32, i32, i32) {
    %c0_i32 = arith.constant 0 : i32
    %c0_i32_0 = arith.constant 0 : i32
    %c0_i32_1 = arith.constant 0 : i32
    return %c0_i32, %arg0, %c0_i32_0 : i32, i32, i32
  }
  func.func @transform_1(%arg0: i32) -> (i32, i32, i32) {
    %c1_i32 = arith.constant 1 : i32
    %c0_i32 = arith.constant 0 : i32
    %c0_i32_0 = arith.constant 0 : i32
    return %c1_i32, %arg0, %c0_i32 : i32, i32, i32
  }
  func.func @transform_2(%arg0: i32) -> (i32, i32) {
    %c0_i32 = arith.constant 0 : i32
    %c0_i32_0 = arith.constant 0 : i32
    return %arg0, %c0_i32 : i32, i32
  }
  func.func @transform_3(%arg0: i32) -> (i32, i32) {
    %c0_i32 = arith.constant 0 : i32
    %c0_i32_0 = arith.constant 0 : i32
    return %arg0, %c0_i32 : i32, i32
  }
  func.func @transform_4(%arg0: i32) -> (i32, i32) {
    %c0_i32 = arith.constant 0 : i32
    %c0_i32_0 = arith.constant 0 : i32
    return %arg0, %c0_i32 : i32, i32
  }
  func.func @transform_5(%arg0: i32) -> (i32, i32) {
    %c0_i32 = arith.constant 0 : i32
    %c0_i32_0 = arith.constant 0 : i32
    return %arg0, %c0_i32 : i32, i32
  }
  func.func @transform_6(%arg0: i32) -> (i32, i32) {
    %c0_i32 = arith.constant 0 : i32
    %c0_i32_0 = arith.constant 0 : i32
    %c0_i32_1 = arith.constant 0 : i32
    return %c0_i32, %c0_i32_0 : i32, i32
  }
  func.func @transform_7(%arg0: i32) -> (i32, i32) {
    %c0_i32 = arith.constant 0 : i32
    %c0_i32_0 = arith.constant 0 : i32
    return %arg0, %c0_i32 : i32, i32
  }
}

</mosaic_0001>

<sc_bundles>
// kernel: kernel.6.cloned.1.call-start
scs
__scs_entry_jumppad:
0x0: {  	(pc) =	sbr.rel $0x88, $3  }
0x1: {  	(tag) =	ssettag $0x0;
	lr =	simm.s32 $0x1  }
0x2: {  	[smem:$0x3F99] =	sst lr;
	_ =	strace $0xD0000000  }
0x3: {  	_ = 	snop  }
0x4: {  	_ = 	snop  }
0x5: {  	_ = 	snop  }
0x6: {  	_ = 	snop  }
0x7: {  	_ = 	snop  }
__scs_overlays_trampoline_lowered:
0x8: {  	[smem:$0x3FA8] =	sst s0  }
0x9: {  	[smem:$0x3FA9] =	sst s1  }
0xa: {  	[smem:$0x3FAA] =	sst s2  }
0xb: {  	[smem:$0x3FAB] =	sst s3  }
0xc: {  	[smem:$0x3FAC] =	sst s4  }
0xd: {  	[smem:$0x3FAD] =	sst s5  }
0xe: {  	[smem:$0x3FAE] =	sst s6  }
0xf: {  	[smem:$0x3FAF] =	sst s7  }
0x10: {  	[smem:$0x3FB0] =	sst s8  }
0x11: {  	[smem:$0x3FB1] =	sst s9;
	s0 =	simm.s32 @!p0 $0x0  }
0x12: {  	s1 =	sld [smem:$0x3F97];
	s0 =	simm.s32 @p0 $0x1  }
0x13: {  	[smem:$0x3FB2] =	sst s0;
	s0 =	simm.s32 @!p1 $0x0  }
0x14: {  	s2 =	sld [smem:$0x3F96];
	s0 =	simm.s32 @p1 $0x1  }
0x15: {  	[smem:$0x3FB3] =	sst s0;
	s0 =	simm.s32 @!p2 $0x0  }
0x16: {  	s3 =	sld [smem:$0x3FDB];
	s0 =	simm.s32 @p2 $0x1  }
0x17: {  	s4 =	simm.s32 $0x1BF5;
	[smem:$0x3FB5] =	sst s0  }
0x18: {  	s0 =	sld [smem:$0x3F98];
	_ =	swait.ge [sflag:s4], $0x0  }
0x19: {  	s7 =	sld [smem:$0x3F99]  }
0x1a: {  	s8 =	sadd.s32 $0xFFFFE003, lr  }
0x1b: {  	s9 =	sadd.s32 $0xFFFFFEF7, lr;
	s5 =	simm.s32 $0xFFFFFFFF;
	p2 =	slt.u32 s8, $0xFFFFF086  }
0x1c: {  	p1 =	slt.u32 s9, $0xF7A;
	s5 =	simm.s32 @!p2 $0x0  }
0x1d: {  	s5 =	simm.s32 @p1 $0x1;
	p0 =	seq.s32 s7, s2  }
0x1e: {  	s7 =	smul.u32 @!p0 $0xF7A, s2;
	p2 =	seq.s32 @!p0 s5, $0x0  }
0x1f: {  	s9 =	smul.u32 $0xF7A, s1;
	s8 =	simm.s32 @!p0 $0x1BF5;
	p2 =	por !p2, p0  }
0x20: {  	[sflag:s8] =	ssyncset.s32 @!p0 $0xFFFFF086;
	s6 =	sadd.s32 @!p0 s3, s7;
	s7 =	simm.s32 @!p0 $0x108  }
0x21: {  	s3 =	sadd.s32 s3, s9;
	s6 =	sadd.s32 @!p0 $0x88, s6;
	s7 =	simm.s32 @p2 $0x1082  }
0x22: {  	[simem:s7], [sflag:s8] =	dma.local @!p0 [hbm:s6], $0xF7A  }
0x23: {  	s9 =	sor.u32 $0xD0000000, s2;
	s6 =	simm.s32 $0x108;
	_ =	swait.ge @!p0 [sflag:s8], $0x0  }
0x24: {  	s3 =	sadd.s32 $0x88, s3;
	s6 =	simm.s32 @!p1 $0x1082;
	[sflag:s4] =	ssyncset.s32 $0xFFFFF086  }
0x25: {  	[simem:s6], [sflag:s4] =	dma.local [hbm:s3], $0xF7A  }
0x26: {  	[smem:$0x3F99] =	sst s1;
	(tag) =	ssettag s2;
	_ =	strace s9  }
0x27: {  	s1 =	sld [smem:$0x3FA9]  }
0x28: {  	s2 =	sld [smem:$0x3FAA]  }
0x29: {  	s4 =	sld [smem:$0x3FAC]  }
0x2a: {  	p0 =	seq.s32 s5, $0x0;
	s5 =	sld [smem:$0x3FAD]  }
0x2b: {  	s6 =	sld [smem:$0x3FAE]  }
0x2c: {  	s7 =	sld [smem:$0x3FAF]  }
0x2d: {  	s3 =	simm.s32 $0x108;
	s8 =	sld [smem:$0x3FB0]  }
0x2e: {  	s3 =	simm.s32 @!p0 $0x1082;
	s9 =	sld [smem:$0x3FB1]  }
0x2f: {  	lr =	sadd.s32 s0, s3;
	s0 =	sld [smem:$0x3FA8]  }
0x30: {  	s3 =	sld [smem:$0x3FAB]  }
0x31: {  	[smem:$0x3FB4] =	sst s10  }
0x32: {  	s10 =	sld [smem:$0x3FB2];
	_ =	sdelay $0x3  }
0x33: {  	p0 =	seq.s32 s10, $0x1;
	s10 =	sld [smem:$0x3FB4];
	_ =	sdelay $0x3  }
0x34: {  	[smem:$0x3FB4] =	sst s10  }
0x35: {  	s10 =	sld [smem:$0x3FB3];
	_ =	sdelay $0x3  }
0x36: {  	p1 =	seq.s32 s10, $0x1;
	s10 =	sld [smem:$0x3FB4];
	_ =	sdelay $0x3  }
0x37: {  	[smem:$0x3FB4] =	sst s10  }
0x38: {  	s10 =	sld [smem:$0x3FB5]  }
0x39: {  	_ = 	snop;
	(pc) =	sbr.ind lr, $3  }
0x3a: {  	_ = 	snop  }
0x3b: {  	_ = 	snop  }
0x3c: {  	p2 =	seq.s32 s10, $0x1;
	s10 =	sld [smem:$0x3FB4]  }
0x3d: {  	_ =	shalt  }
0x3e: {  	_ =	shalt  }
0x3f: {  	_ =	shalt  }
0x40: {  	_ =	shalt  }
0x41: {  	_ =	shalt  }
0x42: {  	_ =	shalt  }
0x43: {  	_ =	shalt  }
0x44: {  	_ =	shalt  }
0x45: {  	_ =	shalt  }
0x46: {  	_ =	shalt  }
0x47: {  	_ =	shalt  }
0x48: {  	_ =	shalt  }
0x49: {  	_ =	shalt  }
0x4a: {  	_ =	shalt  }
0x4b: {  	_ =	shalt  }
0x4c: {  	_ =	shalt  }
0x4d: {  	_ =	shalt  }
0x4e: {  	_ =	shalt  }
0x4f: {  	_ =	shalt  }
0x50: {  	_ =	shalt  }
0x51: {  	_ =	shalt  }
0x52: {  	_ =	shalt  }
0x53: {  	_ =	shalt  }
0x54: {  	_ =	shalt  }
0x55: {  	_ =	shalt  }
0x56: {  	_ =	shalt  }
0x57: {  	_ =	shalt  }
0x58: {  	_ =	shalt  }
0x59: {  	_ =	shalt  }
0x5a: {  	_ =	shalt  }
0x5b: {  	_ =	shalt  }
0x5c: {  	_ =	shalt  }
0x5d: {  	_ =	shalt  }
0x5e: {  	_ =	shalt  }
0x5f: {  	_ =	shalt  }
0x60: {  	_ =	shalt  }
0x61: {  	_ =	shalt  }
0x62: {  	_ =	shalt  }
0x63: {  	_ =	shalt  }
0x64: {  	_ =	shalt  }
0x65: {  	_ =	shalt  }
0x66: {  	_ =	shalt  }
0x67: {  	_ =	shalt  }
0x68: {  	_ =	shalt  }
0x69: {  	_ =	shalt  }
0x6a: {  	_ =	shalt  }
0x6b: {  	_ =	shalt  }
0x6c: {  	_ =	shalt  }
0x6d: {  	_ =	shalt  }
0x6e: {  	_ =	shalt  }
0x6f: {  	_ =	shalt  }
0x70: {  	_ =	shalt  }
0x71: {  	_ =	shalt  }
0x72: {  	_ =	shalt  }
0x73: {  	_ =	shalt  }
0x74: {  	_ =	shalt  }
0x75: {  	_ =	shalt  }
0x76: {  	_ =	shalt  }
0x77: {  	_ =	shalt  }
0x78: {  	_ =	shalt  }
0x79: {  	_ =	shalt  }
0x7a: {  	_ =	shalt  }
0x7b: {  	_ =	shalt  }
0x7c: {  	_ =	shalt  }
0x7d: {  	_ =	shalt  }
0x7e: {  	_ =	shalt  }
0x7f: {  	_ =	shalt  }
0x80: {  	_ =	shalt  }
0x81: {  	_ =	shalt  }
0x82: {  	_ =	shalt  }
0x83: {  	_ =	shalt  }
0x84: {  	_ =	shalt  }
0x85: {  	_ =	shalt  }
0x86: {  	_ =	shalt  }
0x87: {  	_ =	shalt  }
.Lfunc_end0:
.L_simem_size_0:
called_computation_lowered:
.L_overlay_start_0:
0x88: {  	s2 =	sld [smem:$0x3FD9]  }
0x89: {  	s3 =	sld [smem:$0x3FFE];
	_ =	sdelay $0x1  }
0x8a: {  	s1 =	srdreg.scid  }
0x8b: {  	s0 =	sand.u32 $0x1, s1  }
0x8c: {  	s17 =	sshll.u32 s0, $0xA;
	s2 =	sadd.s32 s3, s2  }
0x8d: {  	s2 =	sadd.s32 s2, s17  }
0x8e: {  	[smem:$0x3FC0] =	sst s2  }
0x8f: {  	_ = 	snop  }
0x90: {  	s2 =	sld [smem:$0x3FD0];
	(tm) =	ssettm $0x1  }
0x91: {  	s18 =	sld [smem:$0x3FFB];
	_ =	sdelay $0x3  }
0x92: {  	_ =	strace s18  }
0x93: {  	s3 =	sld [smem:$0x3FFC];
	_ =	sdelay $0x3  }
0x94: {  	_ =	strace s3  }
0x95: {  	s3 =	sld [smem:$0x3FFD];
	_ =	sdelay $0x3  }
0x96: {  	_ =	strace s3  }
0x97: {  	_ =	strace $0x8FFFFFFF  }
0x98: {  	s19 =	sld [smem:$0x3FDB];
	_ =	sdelay $0x1  }
0x99: {  	s4 =	simm.s32 $_scs_section_size  }
0x9a: {  	s5 =	simm.s32 $_size__tile_overlayer_lowered;
	s6 =	simm.s32 $_tile_overlayer_lowered  }
0x9b: {  	s22 =	simm.s32 $0x1BFF;
	s21 =	sshll.u32 s6, $0x1;
	s3 =	sadd.s32 s4, s19  }
0x9c: {  	s7 =	simm.s32 $0x0;
	s20 =	sshll.u32 s5, $0x1;
	s5 =	sadd.s32 s21, s3  }
0x9d: {  	[timem:s7], [sflag:s22] =	dma.local [hbm:s5], s20  }
0x9e: {  	_ =	swait.ge [sflag:s22], s20  }
0x9f: {  	s4 =	ssub.s32 $0x0, s20;
	[sflag:s22] =	ssyncset.done $0x0  }
0xa0: {  	[sflag:s22] =	ssyncadd.s32 s4;
	_ =	sdelay $0x1  }
0xa1: {  	s23 =	simm.s32 $0x1B8B  }
0xa2: {  	_ =	swait.ge [sflag:s23], $0x1  }
0xa3: {  	[sflag:s23] =	ssyncset.done $0x0  }
0xa4: {  	s25 =	simm.s32 $0x1B8E;
	s24 =	sld [smem:$0x3FFE];
	[sflag:s23] =	ssyncadd.s32 $0xFFFFFFFF  }
0xa5: {  	s26 =	simm.s32 $execute0_lowered;
	[smem:$0x3FD2] =	sst s25  }
0xa6: {  	s5 =	sshll.u32 s26, $0x1;
	_ =	strace $0x80000046;
	[dreg:$0x1] =	wrdreg $0xFFFFFFFF  }
0xa7: {  	s28 =	simm.s32 $_size_execute0_lowered;
	s3 =	sadd.s32 s3, s5;
	[dreg:$0x0] =	wrdreg $0x0  }
0xa8: {  	s5 =	sshll.u32 s28, $0x1;
	[dreg:$0x2] =	wrdreg s3  }
0xa9: {  	[dreg:$0x3] =	wrdreg s5  }
0xaa: {  	[dreg:$0x4] =	wrdreg $0xC0  }
0xab: {  	_ =	task [dreg:s7], $0x5FFFF  }
0xac: {  	[dreg:$0x1] =	wrdreg $0xFFFFFFFF  }
0xad: {  	[dreg:$0x0] =	wrdreg $0x60  }
0xae: {  	[dreg:$0x2] =	wrdreg s2  }
0xaf: {  	[dreg:$0x3] =	wrdreg s24  }
0xb0: {  	[dreg:$0x4] =	wrdreg $0xA6800  }
0xb1: {  	[dreg:$0x5] =	wrdreg $0x1E6800  }
0xb2: {  	[dreg:$0x6] =	wrdreg $0x9  }
0xb3: {  	_ =	task.clear_ibuf [dreg:s7], $0x7FFFF;
	_ =	strace $0x90000046  }
0xb4: {  	s29 =	simm.s32 $0x9;
	_ =	strace $0x80000048  }
0xb5: {  	_ =	swait.ge [sflag:s29], $0x1  }
0xb6: {  	[sflag:s29] =	ssyncadd.s32 $0xFFFFFFFF  }
0xb7: {  	_ =	strace $0x90000048  }
0xb8: {  	_ =	sfence  }
0xb9: {  	s30 =	sld [smem:$0x0];
	_ =	sdelay $0x2  }
0xba: {  	s31 =	sshll.u32 s1, $0xD;
	s1 =	sshrl.u32 s1, $0x2  }
0xbb: {  	s3 =	sand.u32 $0x4000, s31;
	s1 =	sadd.s32 s1, s30  }
0xbc: {  	s0 =	sor.u32 s3, s0;
	s1 =	sshll.u32 s1, $0x11  }
0xbd: {  	s0 =	sor.u32 s1, s0  }
0xbe: {  	s0 =	sadd.s32 $0x8F2B, s0  }
0xbf: {  	[sflag:s0] =	ssyncadd.remote.s32 $0x1  }
0xc0: {  	_ =	sfence.sel $0xFFFF  }
0xc1: {  	[dreg:$0x0] =	wrdreg $0xFFFFFFFF;
	(pc) =	sbr.abs _section_cstart, $3  }
0xc2: {  	[dreg:$0x1] =	wrdreg $0xFFFFFFFF  }
0xc3: {  	_ =	task.clear_ibuf [dreg:s7], $0x2FFFF;
	_ =	strace $0x9FFFFFFF  }
0xc4: {  	(tm) =	ssettm $0x7FFFFFFF  }
0xc5: {  	_ =	shalt  }
tec
execute0_lowered:
.L_overlay_start_1:
0x0: {  	(tag) =	ssettag $0x1  }
0x1: {  	s1 =	rddreg [dreg:$0x0]  }
0x2: {  	s0 =	rddreg [dreg:$0x1]  }
0x3: {  	s2 =	rddreg [dreg:$0x2]  }
0x4: {  	s3 =	rddreg [dreg:$0x3];
	s4 =	simm.s32 $0x0  }
0x5: {  	s8 =	srdreg.scid;
	s15 =	stileid.u32;
	s28 =	simm.s32 $0x7C00  }
0x6: {  	s29 =	simm.s32 $0x400;
	s30 =	simm.s32 $0x4;
	s31 =	simm.s32 $0x5  }
0x7: {  	[smem:$0x7FF] =	sst s4;
	s5 =	sadd.s32 $0x15200, s0;
	s6 =	sadd.s32 $0xB400, s0  }
0x8: {  	s7 =	sadd.s32 $0x1600, s0;
	s9 =	sadd.s32 $0xA00, s0;
	s8 =	sand.u32 $0x1, s8  }
0x9: {  	s12 =	smul.u32 $0xA00, s15;
	s13 =	sadd.s32 $0x1000, s0;
	_ =	strace $0x80000047  }
0xa: {  	[dreg:$0x5] =	wrdreg s9;
	s17 =	smul.u32 $0x28000, s8;
	s10 =	sshll.u32 s8, $0x4  }
0xb: {  	s8 =	ssub.s32 $0x2, s8;
	[dreg:$0x6] =	wrdreg s13;
	s11 =	sor.u32 s15, s10  }
0xc: {  	s18 =	sshrl.u32 s8, $0x1;
	s19 =	sshrl.u32 s12, $0x2;
	s14 =	smul.u32 $0x2710, s11  }
0xd: {  	s9 =	sadd.s32 s17, s0;
	s0 =	sadd.s32 s10, s0;
	s10 =	sadd.s32 s19, s3  }
0xe: {  	s8 =	ssub.s32 s8, s18;
	[dreg:$0x7] =	wrdreg s10;
	s0 =	sadd.s32 $0x1F000, s0  }
0xf: {  	s25 =	smul.u32 $0x50000, s15;
	s16 =	smax.u32 s8, $0x1;
	[dreg:$0xf] =	wrdreg s0  }
0x10: {  	s20 =	sshrl.u32 s14, $0x3;
	s12 =	sadd.s32 $0xF0, s14;
	[dreg:$0x10] =	wrdreg s16  }
0x11: {  	p0 =	sne.s32 s15, $0x0;
	s21 =	sadd.s32 s5, s20;
	[dreg:$0xd] =	wrdreg s12  }
0x12: {  	s13 =	sshrl.u32 s25, $0x2;
	s23 =	sadd.s32 s6, s20;
	[dreg:$0x8] =	wrdreg s21  }
0x13: {  	s11 =	sadd.s32 $0x50, s14;
	s26 =	sadd.s32 s7, s20;
	[dreg:$0x9] =	wrdreg s23  }
0x14: {  	s22 =	sshrl.u32 s11, $0x3;
	s20 =	sadd.s32 s13, s2;
	[dreg:$0xc] =	wrdreg s26  }
0x15: {  	s18 =	sadd.s32 $0xA0, s14;
	s24 =	sadd.s32 s5, s22;
	[dreg:$0xe] =	wrdreg s20  }
0x16: {  	s14 =	smul.u32 $0x2800, s15;
	s10 =	sadd.s32 s6, s22;
	[dreg:$0xa] =	wrdreg s24  }
0x17: {  	s9 =	sadd.s32 $0x1FA00, s9;
	s17 =	sadd.s32 $0x2800, s20;
	[dreg:$0xb] =	wrdreg s10  }
0x18: {  	s8 =	simm.s32 $0x500;
	s19 =	sadd.s32 s14, s9;
	[dreg:$0x11] =	wrdreg s17  }
0x19: {  	s0 =	simm.s32 $0x5400;
	s21 =	sadd.s32 $0x5000, s20;
	[dreg:$0x12] =	wrdreg s19  }
0x1a: {  	s16 =	simm.s32 $0x1;
	s22 =	sadd.s32 $0x7800, s20;
	[dreg:$0x13] =	wrdreg s21  }
0x1b: {  	s15 =	simm.s32 $0x0;
	s23 =	sadd.s32 $0xA000, s20;
	[dreg:$0x14] =	wrdreg s22  }
0x1c: {  	s13 =	simm.s32 $0x80;
	s25 =	sadd.s32 $0xF000, s20;
	[dreg:$0x15] =	wrdreg s23  }
0x1d: {  	s26 =	sadd.s32 $0x11800, s20;
	s14 =	simm.s32 $0x480;
	[dreg:$0x17] =	wrdreg s25  }
0x1e: {  	s24 =	sadd.s32 $0xC800, s20;
	[dreg:$0x18] =	wrdreg s26;
	s10 =	simm.s32 $0x2C80  }
0x1f: {  	s21 =	simm.s32 $0x200;
	s22 =	simm.s32 $0x50;
	s23 =	simm.s32 $0x3  }
0x20: {  	v0 =	vimm.f32 $0.0e+00;
	s26 =	simm.s32 $0x280;
	[dreg:$0x16] =	wrdreg s24;
	s24 =	simm.s32 $0x2  }
.LBB2_1:
0x21: {  	[dreg:$0x19] =	wrdreg s15;
	s9 =	simm.s32 $0x0;
	s12 =	simm.s32 $0x200  }
.LBB2_2:
0x22: {  	p1 =	sne.s32 s12, $0x9E00;
	[tilespmem:s9+$0x5470] =	vst v0  }
0x23: {  	[tilespmem:s9+$0x5400] =	vst v0  }
0x24: {  	[tilespmem:s9+$0x5410] =	vst v0  }
.Ltmp0:
0x25: {  	[tilespmem:s9+$0x5420] =	vst v0;
	(pc) =	sbr.rel @p1 .LBB2_2-.Ltmp0, $4  }
0x26: {  	[tilespmem:s9+$0x5430] =	vst v0  }
0x27: {  	[tilespmem:s9+$0x5440] =	vst v0  }
0x28: {  	[tilespmem:s9+$0x5450] =	vst v0  }
0x29: {  	[tilespmem:s9+$0x5460] =	vst v0;
	s9 =	sshra.s32 s12, $0x2;
	s12 =	sadd.s32 $0x200, s12  }
0x2a: {  	[tilespmem:s9+$0x5470] =	vst v0  }
0x2b: {  	[tilespmem:s9+$0x5400] =	vst v0  }
0x2c: {  	[tilespmem:s9+$0x5410] =	vst v0  }
0x2d: {  	[tilespmem:s9+$0x5420] =	vst v0  }
0x2e: {  	[tilespmem:s9+$0x5430] =	vst v0  }
0x2f: {  	[tilespmem:s9+$0x5440] =	vst v0  }
0x30: {  	[tilespmem:s9+$0x5450] =	vst v0  }
0x31: {  	[tilespmem:s9+$0x5460] =	vst v0  }
0x32: {  	[tilespmem:$0xA400] =	vst v0  }
0x33: {  	[tilespmem:$0xA410] =	vst v0  }
0x34: {  	[tilespmem:$0xA420] =	vst v0  }
0x35: {  	[tilespmem:$0xA430] =	vst v0  }
0x36: {  	[tilespmem:$0xA440] =	vst v0  }
0x37: {  	[tilespmem:$0xA450] =	vst v0  }
0x38: {  	[tilespmem:$0xA460] =	vst v0  }
0x39: {  	[tilespmem:$0xA470] =	vst v0  }
0x3a: {  	[tilespmem:$0xA480] =	vst v0  }
0x3b: {  	[tilespmem:$0xA490] =	vst v0  }
0x3c: {  	[tilespmem:$0xA4A0] =	vst v0  }
0x3d: {  	[tilespmem:$0xA4B0] =	vst v0  }
0x3e: {  	[tilespmem:$0xA4C0] =	vst v0  }
0x3f: {  	[tilespmem:$0xA4D0] =	vst v0  }
0x40: {  	[tilespmem:$0xA4E0] =	vst v0  }
0x41: {  	[tilespmem:$0xA4F0] =	vst v0  }
0x42: {  	[tilespmem:$0xA500] =	vst v0  }
0x43: {  	[tilespmem:$0xA510] =	vst v0  }
0x44: {  	[tilespmem:$0xA520] =	vst v0  }
0x45: {  	[tilespmem:$0xA530] =	vst v0  }
0x46: {  	[tilespmem:$0xA540] =	vst v0  }
0x47: {  	[tilespmem:$0xA550] =	vst v0  }
0x48: {  	[tilespmem:$0xA560] =	vst v0  }
0x49: {  	[tilespmem:$0xA570] =	vst v0  }
0x4a: {  	[tilespmem:$0xA580] =	vst v0  }
0x4b: {  	[tilespmem:$0xA590] =	vst v0  }
0x4c: {  	[tilespmem:$0xA5A0] =	vst v0  }
0x4d: {  	[tilespmem:$0xA5B0] =	vst v0  }
0x4e: {  	[tilespmem:$0xA5C0] =	vst v0  }
0x4f: {  	[tilespmem:$0xA5D0] =	vst v0  }
0x50: {  	[tilespmem:$0xA5E0] =	vst v0  }
0x51: {  	[tilespmem:$0xA5F0] =	vst v0  }
0x52: {  	[tilespmem:$0xA600] =	vst v0  }
0x53: {  	[tilespmem:$0xA610] =	vst v0  }
0x54: {  	[tilespmem:$0xA620] =	vst v0  }
0x55: {  	[tilespmem:$0xA630] =	vst v0  }
0x56: {  	[tilespmem:$0xA640] =	vst v0  }
0x57: {  	[tilespmem:$0xA650] =	vst v0  }
0x58: {  	[tilespmem:$0xA660] =	vst v0  }
0x59: {  	s12 =	simm.s32 $0x7;
	[tilespmem:$0xA670] =	vst v0  }
0x5a: {  	[spmem:s20] =	stream.linear.scatter [tilespmem:s0], [sflag:$0x7], $0x2800, $0x38;
	[tilespmem:$0x1E900] =	vst v63  }
0x5b: {  	_ =	swait.ge [sflag:s12], $0x2800  }
0x5c: {  	[sflag:s12] =	ssyncset.done $0x0  }
0x5d: {  	s17 =	rddreg [dreg:$0x11];
	[sflag:s12] =	ssyncadd.s32 $0xFFFFD800  }
0x5e: {  	[spmem:s17] =	stream.linear.scatter [tilespmem:s0], [sflag:$0x7], $0x2800, $0x38;
	[tilespmem:$0x1E900] =	vst v63  }
0x5f: {  	_ =	swait.ge [sflag:s12], $0x2800  }
0x60: {  	[sflag:s12] =	ssyncset.done $0x0  }
0x61: {  	s19 =	rddreg [dreg:$0x13];
	[sflag:s12] =	ssyncadd.s32 $0xFFFFD800  }
0x62: {  	[spmem:s19] =	stream.linear.scatter [tilespmem:s0], [sflag:$0x7], $0x2800, $0x38;
	[tilespmem:$0x1E900] =	vst v63  }
0x63: {  	_ =	swait.ge [sflag:s12], $0x2800  }
0x64: {  	[sflag:s12] =	ssyncset.done $0x0  }
0x65: {  	s20 =	rddreg [dreg:$0x14];
	[sflag:s12] =	ssyncadd.s32 $0xFFFFD800  }
0x66: {  	[spmem:s20] =	stream.linear.scatter [tilespmem:s0], [sflag:$0x7], $0x2800, $0x38;
	[tilespmem:$0x1E900] =	vst v63  }
0x67: {  	_ =	swait.ge [sflag:s12], $0x2800  }
0x68: {  	[sflag:s12] =	ssyncset.done $0x0  }
0x69: {  	s25 =	rddreg [dreg:$0x15];
	[sflag:s12] =	ssyncadd.s32 $0xFFFFD800  }
0x6a: {  	[spmem:s25] =	stream.linear.scatter [tilespmem:s0], [sflag:$0x7], $0x2800, $0x38;
	[tilespmem:$0x1E900] =	vst v63  }
0x6b: {  	_ =	swait.ge [sflag:s12], $0x2800  }
0x6c: {  	[sflag:s12] =	ssyncset.done $0x0  }
0x6d: {  	s15 =	rddreg [dreg:$0x16];
	[sflag:s12] =	ssyncadd.s32 $0xFFFFD800  }
0x6e: {  	[spmem:s15] =	stream.linear.scatter [tilespmem:s0], [sflag:$0x7], $0x2800, $0x38;
	[tilespmem:$0x1E900] =	vst v63  }
0x6f: {  	_ =	swait.ge [sflag:s12], $0x2800  }
0x70: {  	[sflag:s12] =	ssyncset.done $0x0  }
0x71: {  	s17 =	rddreg [dreg:$0x17];
	[sflag:s12] =	ssyncadd.s32 $0xFFFFD800  }
0x72: {  	[spmem:s17] =	stream.linear.scatter [tilespmem:s0], [sflag:$0x7], $0x2800, $0x38;
	[tilespmem:$0x1E900] =	vst v63  }
0x73: {  	_ =	swait.ge [sflag:s12], $0x2800  }
0x74: {  	[sflag:s12] =	ssyncset.done $0x0  }
0x75: {  	s19 =	rddreg [dreg:$0x18];
	[sflag:s12] =	ssyncadd.s32 $0xFFFFD800  }
0x76: {  	[spmem:s19] =	stream.linear.scatter [tilespmem:s0], [sflag:$0x7], $0x2800, $0x38;
	[tilespmem:$0x1E900] =	vst v63  }
0x77: {  	_ =	swait.ge [sflag:s12], $0x2800  }
0x78: {  	[sflag:s12] =	ssyncset.done $0x0  }
0x79: {  	s15 =	simm.s32 $0xA400;
	s20 =	rddreg [dreg:$0x7];
	[sflag:s12] =	ssyncadd.s32 $0xFFFFD800  }
0x7a: {  	[spmem:s20] =	stream.linear.scatter [tilespmem:s15], [sflag:$0x7], $0x280, $0x38;
	[tilespmem:$0x1E900] =	vst v63  }
0x7b: {  	_ =	swait.ge [sflag:s12], $0x280  }
0x7c: {  	[sflag:s12] =	ssyncset.done $0x0  }
0x7d: {  	s20 =	simm.s32 $0x0;
	s25 =	rddreg [dreg:$0x5];
	[sflag:s12] =	ssyncadd.s32 $0xFFFFFD80  }
0x7e: {  	[tilespmem:s8], [sflag:$0x7] =	stream.linear.gather [hbm4b:s25+s20], $0x2780, $0x38;
	[tilespmem:$0x1E900] =	vst v63  }
0x7f: {  	_ =	swait.ge [sflag:s12], $0x2780  }
0x80: {  	[sflag:s12] =	ssyncset.done $0x0  }
0x81: {  	s15 =	rddreg [dreg:$0x6];
	[sflag:s12] =	ssyncadd.s32 $0xFFFFD880  }
0x82: {  	[tilespmem:s10], [sflag:$0x7] =	stream.linear.gather [hbm4b:s15+s20], $0x2780, $0x38;
	[tilespmem:$0x1E900] =	vst v63  }
0x83: {  	_ =	swait.ge [sflag:s12], $0x2780  }
0x84: {  	[sflag:s12] =	ssyncset.done $0x0  }
0x85: {  	[sflag:s12] =	ssyncadd.s32 $0xFFFFD880  }
0x86: {  	[bflag:$0x0] =	sbarrier.arrive $0xFFFF  }
0x87: {  	s17 =	rddreg [dreg:$0x8]  }
0x88: {  	[tilespmem:s20], [sflag:$0x1] =	stream.linear.gather [hbm4b:s17+s20], $0x50, $0x38;
	[tilespmem:$0x1E900] =	vst v63  }
0x89: {  	s19 =	simm.s32 $0x100;
	s9 =	rddreg [dreg:$0x9]  }
0x8a: {  	[tilespmem:s19], [sflag:$0x1] =	stream.linear.gather [hbm4b:s9+s20], $0x50, $0x38;
	[tilespmem:$0x1E900] =	vst v63  }
0x8b: {  	s25 =	rddreg [dreg:$0xa]  }
0x8c: {  	[tilespmem:s13], [sflag:$0x2] =	stream.linear.gather [hbm4b:s25+s20], $0x50, $0x38;
	[tilespmem:$0x1E900] =	vst v63  }
0x8d: {  	s15 =	rddreg [dreg:$0xb];
	s17 =	simm.s32 $0x180  }
0x8e: {  	[tilespmem:s17], [sflag:$0x2] =	stream.linear.gather [hbm4b:s15+s20], $0x50, $0x38;
	[tilespmem:$0x1E900] =	vst v63  }
0x8f: {  	_ =	swait.ge [sflag:s16], $0x50  }
0x90: {  	[sflag:s16] =	ssyncset.done $0x0  }
0x91: {  	[sflag:s16] =	ssyncadd.s32 $0xFFFFFFB0  }
0x92: {  	_ =	swait.ge [sflag:s16], $0x50  }
0x93: {  	[sflag:s16] =	ssyncset.done $0x0  }
0x94: {  	s25 =	simm.s32 $0x300;
	s19 =	rddreg [dreg:$0xc];
	[sflag:s16] =	ssyncadd.s32 $0xFFFFFFB0  }
0x95: {  	[tilespmem:s25], [sflag:$0x3] =	stream.linear.gather [hbm4b:s19+s20], $0x50, $0x38;
	[tilespmem:$0x1E900] =	vst v63  }
0x96: {  	_ = 	snop  }
0x97: {  	[tilespmem:s21], [sflag:$0x3] =	stream.linear.gather [hbm4b:s9+s20], $0x50, $0x38;
	[tilespmem:$0x1E900] =	vst v63  }
0x98: {  	_ = 	snop  }
0x99: {  	[tilespmem:s0], [sflag:$0x3] =	stream.indirect.gather [hbm4b:s1+s22], $0x80, s20, s22, $0xb8;
	[tilespmem:$0x1E900] =	vst v63  }
.LBB2_4:
0x9a: {  	_ =	swait.ge [sflag:s23], $0x50  }
0x9b: {  	[sflag:s23] =	ssyncset.done $0x0  }
0x9c: {  	[sflag:s23] =	ssyncadd.s32 $0xFFFFFFB0  }
0x9d: {  	_ =	swait.ge [sflag:s23], $0x50  }
0x9e: {  	[sflag:s23] =	ssyncset.done $0x0  }
0x9f: {  	[sflag:s23] =	ssyncadd.s32 $0xFFFFFFB0  }
0xa0: {  	_ =	swait.ge [sflag:s23], $0x2800  }
0xa1: {  	[sflag:s23] =	ssyncset.done $0x0  }
0xa2: {  	[sflag:s23] =	ssyncadd.s32 $0xFFFFD800  }
0xa3: {  	_ =	swait.ge [sflag:s24], $0x50  }
0xa4: {  	[sflag:s24] =	ssyncset.done $0x0  }
0xa5: {  	[sflag:s24] =	ssyncadd.s32 $0xFFFFFFB0  }
0xa6: {  	_ =	swait.ge [sflag:s24], $0x50  }
0xa7: {  	p1 =	seq.s32 s20, $0x0;
	[sflag:s24] =	ssyncset.done $0x0  }
0xa8: {  	s9 =	simm.s32 @!p1 $0x6;
	[sflag:s24] =	ssyncadd.s32 $0xFFFFFFB0  }
0xa9: {  	_ =	swait.ge @!p1 [sflag:s9], $0x2800  }
0xaa: {  	s15 =	smul.u32 $0xA0, s20;
	[sflag:s9] =	ssyncset.done @!p1 $0x0  }
0xab: {  	[sflag:s9] =	ssyncadd.s32 @!p1 $0xFFFFD800  }
0xac: {  	s12 =	sadd.s32 s15, s11;
	_ =	swait.ge @!p1 [sflag:s9], $0x50  }
0xad: {  	s12 =	sshrl.u32 s12, $0x3;
	[sflag:s9] =	ssyncset.done @!p1 $0x0  }
0xae: {  	s17 =	simm.s32 $0x380;
	s19 =	sadd.s32 s7, s12;
	[sflag:s9] =	ssyncadd.s32 @!p1 $0xFFFFFFB0  }
0xaf: {  	[tilespmem:s17], [sflag:$0x4] =	stream.linear.gather [hbm4b:s19+s4], $0x50, $0x38;
	[tilespmem:$0x1E900] =	vst v63  }
0xb0: {  	s25 =	sadd.s32 s6, s12  }
0xb1: {  	[tilespmem:s26], [sflag:$0x4] =	stream.linear.gather [hbm4b:s25+s4], $0x50, $0x38;
	[tilespmem:$0x1E900] =	vst v63  }
0xb2: {  	_ = 	snop  }
0xb3: {  	[tilespmem:s28], [sflag:$0x4] =	stream.indirect.gather [hbm4b:s1+s22], $0x80, s13, s22, $0xb8;
	[tilespmem:$0x1E900] =	vst v63  }
0xb4: {  	v1 =	vld [tilespmem:$0x0]  }
0xb5: {  	v2 =	vld [tilespmem:$0x100];
	_ =	sdelay $0x6  }
0xb6: {  	v1 =	vld.idx.msk [tilespmem:v1+s8+$0x0], $0xffff  }
0xb7: {  	v2 =	vld.idx.msk [tilespmem:v2+s10+$0x0], $0xffff;
	_ =	sdelay $0x1  }
0xb8: {  	v3 =	vld [tilespmem:$0x300];
	_ =	sdelay $0x2  }
0xb9: {  	v1 =	vadd.f32 v2, v1;
	_ =	sdelay $0x1  }
0xba: {  	v1 =	vadd.f32 v3, v1;
	_ =	sdelay $0x1  }
0xbb: {  	v2 =	vmul.f32 $2.000000030e-01, v1;
	_ =	sdelay $0x1  }
0xbc: {  	v1 =	vmax.f32 v1, v2  }
0xbd: {  	v1 =	vmul.f32 $1.442695020e+00, v1;
	_ =	sdelay $0x1  }
0xbe: {  	(erf) = vpow2.f32 v1;
	_ =	sdelay $0x2  }
0xbf: {  	v1 =	vld [tilespmem:$0x10]  }
0xc0: {  	v2 =	vld [tilespmem:$0x110];
	_ =	sdelay $0x4  }
0xc1: {  	v3 =	vpop (erf)  }
0xc2: {  	[tilespmem:$0x400] =	vst v3  }
0xc3: {  	v1 =	vld.idx.msk [tilespmem:v1+s8+$0x0], $0xffff  }
0xc4: {  	v2 =	vld.idx.msk [tilespmem:v2+s10+$0x0], $0xffff;
	_ =	sdelay $0x1  }
0xc5: {  	v3 =	vld [tilespmem:$0x310];
	_ =	sdelay $0x2  }
0xc6: {  	v1 =	vadd.f32 v2, v1;
	_ =	sdelay $0x1  }
0xc7: {  	v1 =	vadd.f32 v3, v1;
	_ =	sdelay $0x1  }
0xc8: {  	v2 =	vmul.f32 $2.000000030e-01, v1;
	_ =	sdelay $0x1  }
0xc9: {  	v1 =	vmax.f32 v1, v2  }
0xca: {  	v1 =	vmul.f32 $1.442695020e+00, v1;
	_ =	sdelay $0x1  }
0xcb: {  	(erf) = vpow2.f32 v1;
	_ =	sdelay $0x2  }
0xcc: {  	v1 =	vld [tilespmem:$0x20]  }
0xcd: {  	v2 =	vld [tilespmem:$0x120];
	_ =	sdelay $0x4  }
0xce: {  	v3 =	vpop (erf)  }
0xcf: {  	[tilespmem:$0x410] =	vst v3  }
0xd0: {  	v1 =	vld.idx.msk [tilespmem:v1+s8+$0x0], $0xffff  }
0xd1: {  	v2 =	vld.idx.msk [tilespmem:v2+s10+$0x0], $0xffff;
	_ =	sdelay $0x1  }
0xd2: {  	v3 =	vld [tilespmem:$0x320];
	_ =	sdelay $0x2  }
0xd3: {  	v1 =	vadd.f32 v2, v1;
	_ =	sdelay $0x1  }
0xd4: {  	v1 =	vadd.f32 v3, v1;
	_ =	sdelay $0x1  }
0xd5: {  	v2 =	vmul.f32 $2.000000030e-01, v1;
	_ =	sdelay $0x1  }
0xd6: {  	v1 =	vmax.f32 v1, v2  }
0xd7: {  	v1 =	vmul.f32 $1.442695020e+00, v1;
	_ =	sdelay $0x1  }
0xd8: {  	(erf) = vpow2.f32 v1;
	_ =	sdelay $0x2  }
0xd9: {  	v1 =	vld [tilespmem:$0x30]  }
0xda: {  	v2 =	vld [tilespmem:$0x130];
	_ =	sdelay $0x4  }
0xdb: {  	v3 =	vpop (erf)  }
0xdc: {  	[tilespmem:$0x420] =	vst v3  }
0xdd: {  	v1 =	vld.idx.msk [tilespmem:v1+s8+$0x0], $0xffff  }
0xde: {  	v2 =	vld.idx.msk [tilespmem:v2+s10+$0x0], $0xffff;
	_ =	sdelay $0x1  }
0xdf: {  	v3 =	vld [tilespmem:$0x330];
	_ =	sdelay $0x2  }
0xe0: {  	v1 =	vadd.f32 v2, v1;
	_ =	sdelay $0x1  }
0xe1: {  	v1 =	vadd.f32 v3, v1;
	_ =	sdelay $0x1  }
0xe2: {  	v2 =	vmul.f32 $2.000000030e-01, v1;
	_ =	sdelay $0x1  }
0xe3: {  	v1 =	vmax.f32 v1, v2  }
0xe4: {  	v1 =	vmul.f32 $1.442695020e+00, v1;
	_ =	sdelay $0x1  }
0xe5: {  	(erf) = vpow2.f32 v1;
	_ =	sdelay $0x2  }
0xe6: {  	v1 =	vld [tilespmem:$0x40]  }
0xe7: {  	v2 =	vld [tilespmem:$0x140];
	_ =	sdelay $0x4  }
0xe8: {  	v3 =	vpop (erf)  }
0xe9: {  	[tilespmem:$0x430] =	vst v3  }
0xea: {  	v1 =	vld.idx.msk [tilespmem:v1+s8+$0x0], $0xffff  }
0xeb: {  	v2 =	vld.idx.msk [tilespmem:v2+s10+$0x0], $0xffff;
	_ =	sdelay $0x1  }
0xec: {  	v3 =	vld [tilespmem:$0x340];
	_ =	sdelay $0x2  }
0xed: {  	v1 =	vadd.f32 v2, v1;
	_ =	sdelay $0x1  }
0xee: {  	v1 =	vadd.f32 v3, v1;
	_ =	sdelay $0x1  }
0xef: {  	v2 =	vmul.f32 $2.000000030e-01, v1;
	_ =	sdelay $0x1  }
0xf0: {  	v1 =	vmax.f32 v1, v2  }
0xf1: {  	v1 =	vmul.f32 $1.442695020e+00, v1;
	_ =	sdelay $0x1  }
0xf2: {  	(erf) = vpow2.f32 v1;
	_ =	sdelay $0x2  }
0xf3: {  	s12 =	simm.s32 $0x0  }
0xf4: {  	v1 =	vmov s12  }
0xf5: {  	v1 =	vand.u32 $0xFFFFFFFC, v1  }
0xf6: {  	v1 =	vbroadcast v1, $0x0;
	_ =	sdelay $0x2  }
0xf7: {  	v2 =	vpop (erf)  }
0xf8: {  	s25 =	simm.s32 $0x5500;
	[tilespmem:$0x440] =	vst v2  }
0xf9: {  	v3 =	vld [tilespmem:s25+$0xFFFFFF70]  }
0xfa: {  	v1 =	vld.idx.msk [tilespmem:v1+s29+$0x0], $0xffff  }
0xfb: {  	v4 =	vld [tilespmem:s25+$0xFFFFFF00]  }
0xfc: {  	v5 =	vld [tilespmem:s25+$0xFFFFFF20]  }
0xfd: {  	v6 =	vld [tilespmem:s25+$0xFFFFFF30]  }
0xfe: {  	v2 =	vld [tilespmem:s25+$0xFFFFFF50]  }
0xff: {  	v8 =	vld [tilespmem:s25+$0xFFFFFF10];
	v3 =	vmul.f32 v3, v1  }
0x100: {  	s17 =	simm.s32 $0x1;
	v7 =	vld [tilespmem:s25+$0xFFFFFF60];
	v4 =	vmul.f32 v4, v1  }
0x101: {  	v9 =	vld [tilespmem:s25+$0xFFFFFF40];
	v5 =	vmul.f32 v5, v1;
	[tilespmem:s25+$0xFFFFFF70] =	vst v3;
	v3 =	vmov s17  }
0x102: {  	v6 =	vmul.f32 v6, v1;
	[tilespmem:s25+$0xFFFFFF00] =	vst v4;
	v3 =	vand.u32 $0xFFFFFFFD, v3  }
0x103: {  	v2 =	vmul.f32 v2, v1;
	[tilespmem:s25+$0xFFFFFF20] =	vst v5;
	v3 =	vbroadcast v3, $0x0  }
0x104: {  	v4 =	vmul.f32 v8, v1;
	[tilespmem:s25+$0xFFFFFF30] =	vst v6  }
0x105: {  	v5 =	vmul.f32 v7, v1;
	[tilespmem:s25+$0xFFFFFF50] =	vst v2  }
0x106: {  	v1 =	vmul.f32 v9, v1;
	[tilespmem:s25+$0xFFFFFF10] =	vst v4  }
0x107: {  	[tilespmem:s25+$0xFFFFFF60] =	vst v5  }
0x108: {  	[tilespmem:s25+$0xFFFFFF40] =	vst v1;
	v1 =	vld [tilespmem:s25+$0xFFFFFF80]  }
0x109: {  	v3 =	vld.idx.msk [tilespmem:v3+s29+$0x0], $0xffff  }
0x10a: {  	v2 =	vld [tilespmem:s25+$0xFFFFFFA0]  }
0x10b: {  	v4 =	vld [tilespmem:s25+$0xFFFFFF90]  }
0x10c: {  	v5 =	vld [tilespmem:s25+$0xFFFFFFD0]  }
0x10d: {  	v6 =	vld [tilespmem:s25+$0xFFFFFFE0]  }
0x10e: {  	v7 =	vld [tilespmem:s25+$0xFFFFFFF0];
	v1 =	vmul.f32 v1, v3  }
0x10f: {  	s19 =	simm.s32 $0x2;
	v8 =	vld [tilespmem:s25+$0xFFFFFFB0];
	v2 =	vmul.f32 v2, v3  }
0x110: {  	v63 =	vld [tilespmem:s25+$0xFFFFFFC0];
	v4 =	vmul.f32 v4, v3;
	[tilespmem:s25+$0xFFFFFF80] =	vst v1;
	v1 =	vmov s19  }
0x111: {  	v5 =	vmul.f32 v5, v3;
	[tilespmem:s25+$0xFFFFFFA0] =	vst v2;
	v1 =	vand.u32 $0xFFFFFFFE, v1  }
0x112: {  	v2 =	vmul.f32 v6, v3;
	[tilespmem:s25+$0xFFFFFF90] =	vst v4;
	v4 =	vbroadcast v1, $0x0  }
0x113: {  	v6 =	vmul.f32 v7, v3;
	[tilespmem:s25+$0xFFFFFFD0] =	vst v5;
	v7 =	vld [tilespmem:s25+$0x30]  }
0x114: {  	v5 =	vmul.f32 v8, v3;
	v1 =	vld [tilespmem:s25+$0x40];
	[tilespmem:s25+$0xFFFFFFE0] =	vst v2  }
0x115: {  	v3 =	vmul.f32 v63, v3;
	v2 =	vld [tilespmem:s25+$0x70];
	[tilespmem:s25+$0xFFFFFFF0] =	vst v6  }
0x116: {  	[tilespmem:s25+$0xFFFFFFB0] =	vst v5;
	v5 =	vld [tilespmem:s25+$0x20]  }
0x117: {  	[tilespmem:s25+$0xFFFFFFC0] =	vst v3;
	v6 =	vld [tilespmem:s25+$0x0]  }
0x118: {  	v3 =	vld.idx.msk [tilespmem:v4+s29+$0x0], $0xffff  }
0x119: {  	s9 =	simm.s32 $0x5500;
	s12 =	simm.s32 $0x3;
	s17 =	simm.s32 $0x7;
	v4 =	vld [tilespmem:s25+$0x10]  }
.LBB2_5:
0x11a: {  	p1 =	sne.s32 s17, $0x4F  }
0x11b: {  	v8 =	vld [tilespmem:s25+$0x50];
	s9 =	sadd.s32 $0x200, s9;
	s19 =	smov.u32 s17;
	s17 =	sadd.s32 $0x4, s17  }
0x11c: {  	v9 =	vld [tilespmem:s25+$0x60];
	_ =	sdelay $0x1  }
0x11d: {  	v6 =	vmul.f32 v6, v3;
	v4 =	vmul.f32 v4, v3  }
0x11e: {  	v5 =	vmul.f32 v5, v3;
	v7 =	vmul.f32 v7, v3  }
0x11f: {  	v1 =	vmul.f32 v1, v3;
	v2 =	vmul.f32 v2, v3;
	[tilespmem:s25+$0x0] =	vst v6  }
0x120: {  	[tilespmem:s25+$0x20] =	vst v5;
	v5 =	vmul.f32 v8, v3;
	v3 =	vmul.f32 v9, v3  }
0x121: {  	[tilespmem:s25+$0x30] =	vst v7;
	v6 =	vld [tilespmem:s25+$0x80]  }
0x122: {  	[tilespmem:s25+$0x60] =	vst v3;
	v3 =	vmov s12;
	v7 =	vld [tilespmem:s25+$0xD0];
	s12 =	smov.u32 s19  }
0x123: {  	[tilespmem:s25+$0x50] =	vst v5;
	v5 =	vld [tilespmem:s25+$0xE0]  }
0x124: {  	[tilespmem:s25+$0x40] =	vst v1;
	v8 =	vld [tilespmem:s25+$0xB0]  }
0x125: {  	v1 =	vld [tilespmem:s9+$0x40];
	[tilespmem:s25+$0x70] =	vst v2  }
0x126: {  	v2 =	vld [tilespmem:s9+$0x70];
	[tilespmem:s25+$0x10] =	vst v4  }
0x127: {  	v3 =	vld.idx.msk [tilespmem:v3+s29+$0x0], $0xffff  }
0x128: {  	v4 =	vld [tilespmem:s25+$0x90]  }
0x129: {  	v9 =	vld [tilespmem:s25+$0xA0]  }
0x12a: {  	v10 =	vld [tilespmem:s25+$0xC0]  }
0x12b: {  	v11 =	vld [tilespmem:s25+$0xF0];
	_ =	sdelay $0x1  }
0x12c: {  	v6 =	vmul.f32 v6, v3;
	v4 =	vmul.f32 v4, v3  }
0x12d: {  	s19 =	sadd.s32 $0xFFFFFFFD, s12;
	v8 =	vmul.f32 v8, v3;
	v9 =	vmul.f32 v9, v3  }
0x12e: {  	v12 =	vmov s19;
	v7 =	vmul.f32 v7, v3;
	[tilespmem:s25+$0x80] =	vst v6;
	v6 =	vmul.f32 v10, v3  }
0x12f: {  	v10 =	vand.u32 $0xFFFFFFFC, v12;
	[tilespmem:s25+$0x90] =	vst v4;
	v4 =	vmul.f32 v5, v3;
	v3 =	vmul.f32 v11, v3  }
0x130: {  	v5 =	vbroadcast v10, $0x0;
	[tilespmem:s25+$0xA0] =	vst v9  }
0x131: {  	[tilespmem:s25+$0xD0] =	vst v7  }
0x132: {  	v7 =	vld [tilespmem:s9+$0xFFFFFF50];
	[tilespmem:s25+$0xB0] =	vst v8  }
0x133: {  	v8 =	vld [tilespmem:s9+$0xFFFFFF30];
	[tilespmem:s25+$0xC0] =	vst v6  }
0x134: {  	v6 =	vld [tilespmem:s9+$0xFFFFFF60];
	[tilespmem:s25+$0xE0] =	vst v4  }
0x135: {  	v4 =	vld [tilespmem:s9+$0xFFFFFF70];
	[tilespmem:s25+$0xF0] =	vst v3;
	s25 =	smov.u32 s9  }
0x136: {  	v3 =	vld.idx.msk [tilespmem:v5+s29+$0x0], $0xffff  }
0x137: {  	v5 =	vld [tilespmem:s9+$0xFFFFFF00]  }
0x138: {  	v9 =	vld [tilespmem:s9+$0xFFFFFF20]  }
0x139: {  	v10 =	vld [tilespmem:s9+$0xFFFFFF10]  }
0x13a: {  	v11 =	vld [tilespmem:s9+$0xFFFFFF40];
	_ =	sdelay $0x1  }
0x13b: {  	v4 =	vmul.f32 v4, v3;
	v5 =	vmul.f32 v5, v3  }
0x13c: {  	s19 =	sadd.s32 $0xFFFFFFFE, s12;
	v6 =	vmul.f32 v6, v3;
	v9 =	vmul.f32 v9, v3  }
0x13d: {  	v8 =	vmul.f32 v8, v3;
	v10 =	vmul.f32 v10, v3;
	[tilespmem:s9+$0xFFFFFF70] =	vst v4;
	v4 =	vmov s19  }
0x13e: {  	[tilespmem:s9+$0xFFFFFF00] =	vst v5;
	v5 =	vmul.f32 v11, v3;
	v3 =	vmul.f32 v7, v3;
	v4 =	vand.u32 $0xFFFFFFFD, v4  }
0x13f: {  	[tilespmem:s9+$0xFFFFFF20] =	vst v9;
	v4 =	vbroadcast v4, $0x0  }
0x140: {  	[tilespmem:s9+$0xFFFFFF30] =	vst v8  }
0x141: {  	[tilespmem:s9+$0xFFFFFF50] =	vst v3;
	v3 =	vld [tilespmem:s9+$0xFFFFFFF0]  }
0x142: {  	[tilespmem:s9+$0xFFFFFF10] =	vst v10;
	v7 =	vld [tilespmem:s9+$0xFFFFFFD0]  }
0x143: {  	[tilespmem:s9+$0xFFFFFF60] =	vst v6;
	v6 =	vld [tilespmem:s9+$0xFFFFFFB0]  }
0x144: {  	[tilespmem:s9+$0xFFFFFF40] =	vst v5;
	v5 =	vld [tilespmem:s9+$0xFFFFFF90]  }
0x145: {  	v4 =	vld.idx.msk [tilespmem:v4+s29+$0x0], $0xffff  }
0x146: {  	v8 =	vld [tilespmem:s9+$0xFFFFFF80]  }
0x147: {  	v9 =	vld [tilespmem:s9+$0xFFFFFFA0]  }
0x148: {  	v10 =	vld [tilespmem:s9+$0xFFFFFFC0]  }
0x149: {  	v11 =	vld [tilespmem:s9+$0xFFFFFFE0];
	_ =	sdelay $0x1  }
0x14a: {  	v5 =	vmul.f32 v5, v4;
	v8 =	vmul.f32 v8, v4  }
0x14b: {  	s19 =	sadd.s32 $0xFFFFFFFF, s12;
	v6 =	vmul.f32 v6, v4;
	v9 =	vmul.f32 v9, v4  }
0x14c: {  	v7 =	vmul.f32 v7, v4;
	[tilespmem:s9+$0xFFFFFF80] =	vst v8;
	v8 =	vmul.f32 v10, v4;
	v10 =	vmov s19  }
0x14d: {  	v3 =	vmul.f32 v3, v4;
	[tilespmem:s9+$0xFFFFFFA0] =	vst v9;
	v9 =	vmul.f32 v11, v4;
	v4 =	vand.u32 $0xFFFFFFFE, v10  }
0x14e: {  	[tilespmem:s9+$0xFFFFFF90] =	vst v5;
	v4 =	vbroadcast v4, $0x0  }
0x14f: {  	[tilespmem:s9+$0xFFFFFFD0] =	vst v7  }
0x150: {  	[tilespmem:s9+$0xFFFFFFE0] =	vst v9  }
0x151: {  	[tilespmem:s9+$0xFFFFFFB0] =	vst v6  }
.Ltmp1:
0x152: {  	[tilespmem:s9+$0xFFFFFFF0] =	vst v3;
	v5 =	vld [tilespmem:s9+$0x20];
	(pc) =	sbr.rel @p1 .LBB2_5-.Ltmp1, $4  }
0x153: {  	[tilespmem:s9+$0xFFFFFFC0] =	vst v8;
	v6 =	vld [tilespmem:s9+$0x0]  }
0x154: {  	v3 =	vld.idx.msk [tilespmem:v4+s29+$0x0], $0xffff  }
0x155: {  	v4 =	vld [tilespmem:s9+$0x10]  }
0x156: {  	v7 =	vld [tilespmem:s9+$0x30]  }
0x157: {  	v8 =	vld [tilespmem:s25+$0x60];
	_ =	sdelay $0x1  }
0x158: {  	v6 =	vmul.f32 v6, v3  }
0x159: {  	v9 =	vld [tilespmem:s25+$0x50];
	v5 =	vmul.f32 v5, v3  }
0x15a: {  	v1 =	vmul.f32 v1, v3;
	[tilespmem:s25+$0x0] =	vst v6  }
0x15b: {  	[tilespmem:s25+$0x20] =	vst v5;
	v5 =	vmul.f32 v8, v3  }
0x15c: {  	v2 =	vmul.f32 v2, v3;
	[tilespmem:s25+$0x40] =	vst v1  }
0x15d: {  	v7 =	vmul.f32 v7, v3;
	[tilespmem:s25+$0x60] =	vst v5;
	v5 =	vmov s12  }
0x15e: {  	[tilespmem:s25+$0x70] =	vst v2;
	v6 =	vmul.f32 v9, v3  }
0x15f: {  	v3 =	vmul.f32 v4, v3;
	[tilespmem:s25+$0x30] =	vst v7  }
0x160: {  	[tilespmem:s25+$0x50] =	vst v6  }
0x161: {  	v7 =	vld [tilespmem:s25+$0x80];
	[tilespmem:s25+$0x10] =	vst v3  }
0x162: {  	v1 =	vld.idx.msk [tilespmem:v5+s29+$0x0], $0xffff  }
0x163: {  	v2 =	vld [tilespmem:s25+$0x90]  }
0x164: {  	v3 =	vld [tilespmem:s25+$0xA0]  }
0x165: {  	v4 =	vld [tilespmem:s25+$0xD0]  }
0x166: {  	v5 =	vld [tilespmem:s25+$0xB0]  }
0x167: {  	v6 =	vld [tilespmem:s25+$0xC0];
	v7 =	vmul.f32 v7, v1  }
0x168: {  	v8 =	vld [tilespmem:s25+$0xE0];
	v2 =	vmul.f32 v2, v1  }
0x169: {  	v61 =	vld [tilespmem:s25+$0xF0];
	v3 =	vmul.f32 v3, v1;
	[tilespmem:s25+$0x80] =	vst v7  }
0x16a: {  	v4 =	vmul.f32 v4, v1;
	[tilespmem:s25+$0x90] =	vst v2  }
0x16b: {  	v2 =	vmul.f32 v5, v1;
	[tilespmem:s25+$0xA0] =	vst v3  }
0x16c: {  	v3 =	vmul.f32 v6, v1;
	[tilespmem:s25+$0xD0] =	vst v4  }
0x16d: {  	v4 =	vmul.f32 v8, v1;
	[tilespmem:s25+$0xB0] =	vst v2  }
0x16e: {  	s9 =	sadd.s32 s15, s18;
	v1 =	vmul.f32 v61, v1;
	[tilespmem:s25+$0xC0] =	vst v3  }
0x16f: {  	s9 =	sshrl.u32 s9, $0x3;
	[tilespmem:s25+$0xE0] =	vst v4  }
0x170: {  	s17 =	sadd.s32 s5, s9;
	[tilespmem:s25+$0xF0] =	vst v1  }
0x171: {  	[tilespmem:s4], [sflag:$0x1] =	stream.linear.gather [hbm4b:s17+s4], $0x50, $0x38;
	[tilespmem:$0x1E900] =	vst v63  }
0x172: {  	s19 =	sadd.s32 s6, s9;
	s17 =	simm.s32 $0x100  }
0x173: {  	[tilespmem:s17], [sflag:$0x1] =	stream.linear.gather [hbm4b:s19+s4], $0x50, $0x38;
	[tilespmem:$0x1E900] =	vst v63  }
0x174: {  	_ = 	snop  }
0x175: {  	[spmem:s2] =	stream.indirect.scatter.add.f32 [tilespmem:s0], [sflag:$0x5], $0x80, s21, s22, $0xb8;
	[tilespmem:$0x1E900] =	vst v63  }
0x176: {  	_ = 	snop  }
0x177: {  	[spmem:s3] =	stream.indirect.scatter.add.f32 [tilespmem:s29], [sflag:$0x5], $0x1, s21, s22, $0xb8;
	[tilespmem:$0x1E900] =	vst v63  }
0x178: {  	_ =	swait.ge [sflag:s30], $0x50  }
0x179: {  	[sflag:s30] =	ssyncset.done $0x0  }
0x17a: {  	[sflag:s30] =	ssyncadd.s32 $0xFFFFFFB0  }
0x17b: {  	_ =	swait.ge [sflag:s30], $0x50  }
0x17c: {  	[sflag:s30] =	ssyncset.done $0x0  }
0x17d: {  	[sflag:s30] =	ssyncadd.s32 $0xFFFFFFB0  }
0x17e: {  	_ =	swait.ge [sflag:s30], $0x2800  }
0x17f: {  	[sflag:s30] =	ssyncset.done $0x0  }
0x180: {  	[sflag:s30] =	ssyncadd.s32 $0xFFFFD800  }
0x181: {  	_ =	swait.ge [sflag:s16], $0x50  }
0x182: {  	[sflag:s16] =	ssyncset.done $0x0  }
0x183: {  	[sflag:s16] =	ssyncadd.s32 $0xFFFFFFB0  }
0x184: {  	_ =	swait.ge [sflag:s16], $0x50  }
0x185: {  	[sflag:s16] =	ssyncset.done $0x0  }
0x186: {  	[sflag:s16] =	ssyncadd.s32 $0xFFFFFFB0  }
0x187: {  	_ =	swait.ge [sflag:s31], $0x2800  }
0x188: {  	[sflag:s31] =	ssyncset.done $0x0  }
0x189: {  	[sflag:s31] =	ssyncadd.s32 $0xFFFFD800  }
0x18a: {  	_ =	swait.ge [sflag:s31], $0x50  }
0x18b: {  	[sflag:s31] =	ssyncset.done $0x0  }
0x18c: {  	s9 =	sadd.s32 s7, s9;
	s25 =	simm.s32 $0x300;
	[sflag:s31] =	ssyncadd.s32 $0xFFFFFFB0  }
0x18d: {  	[tilespmem:s25], [sflag:$0x3] =	stream.linear.gather [hbm4b:s9+s4], $0x50, $0x38;
	[tilespmem:$0x1E900] =	vst v63  }
0x18e: {  	_ = 	snop  }
0x18f: {  	[tilespmem:s21], [sflag:$0x3] =	stream.linear.gather [hbm4b:s19+s4], $0x50, $0x38;
	[tilespmem:$0x1E900] =	vst v63  }
0x190: {  	_ = 	snop  }
0x191: {  	[tilespmem:s0], [sflag:$0x3] =	stream.indirect.gather [hbm4b:s1+s22], $0x80, s4, s22, $0xb8;
	[tilespmem:$0x1E900] =	vst v63  }
0x192: {  	v1 =	vld [tilespmem:$0x80]  }
0x193: {  	v2 =	vld [tilespmem:$0x180];
	_ =	sdelay $0x6  }
0x194: {  	v1 =	vld.idx.msk [tilespmem:v1+s8+$0x0], $0xffff  }
0x195: {  	v2 =	vld.idx.msk [tilespmem:v2+s10+$0x0], $0xffff;
	_ =	sdelay $0x1  }
0x196: {  	v3 =	vld [tilespmem:$0x380];
	_ =	sdelay $0x2  }
0x197: {  	v1 =	vadd.f32 v2, v1;
	_ =	sdelay $0x1  }
0x198: {  	v1 =	vadd.f32 v3, v1;
	_ =	sdelay $0x1  }
0x199: {  	v2 =	vmul.f32 $2.000000030e-01, v1;
	_ =	sdelay $0x1  }
0x19a: {  	v1 =	vmax.f32 v1, v2  }
0x19b: {  	v1 =	vmul.f32 $1.442695020e+00, v1;
	_ =	sdelay $0x1  }
0x19c: {  	(erf) = vpow2.f32 v1;
	_ =	sdelay $0x2  }
0x19d: {  	v1 =	vld [tilespmem:$0x90]  }
0x19e: {  	v2 =	vld [tilespmem:$0x190];
	_ =	sdelay $0x4  }
0x19f: {  	v3 =	vpop (erf)  }
0x1a0: {  	[tilespmem:$0x480] =	vst v3  }
0x1a1: {  	v1 =	vld.idx.msk [tilespmem:v1+s8+$0x0], $0xffff  }
0x1a2: {  	v2 =	vld.idx.msk [tilespmem:v2+s10+$0x0], $0xffff;
	_ =	sdelay $0x1  }
0x1a3: {  	v3 =	vld [tilespmem:$0x390];
	_ =	sdelay $0x2  }
0x1a4: {  	v1 =	vadd.f32 v2, v1;
	_ =	sdelay $0x1  }
0x1a5: {  	v1 =	vadd.f32 v3, v1;
	_ =	sdelay $0x1  }
0x1a6: {  	v2 =	vmul.f32 $2.000000030e-01, v1;
	_ =	sdelay $0x1  }
0x1a7: {  	v1 =	vmax.f32 v1, v2  }
0x1a8: {  	v1 =	vmul.f32 $1.442695020e+00, v1;
	_ =	sdelay $0x1  }
0x1a9: {  	(erf) = vpow2.f32 v1;
	_ =	sdelay $0x2  }
0x1aa: {  	v1 =	vld [tilespmem:$0xA0]  }
0x1ab: {  	v2 =	vld [tilespmem:$0x1A0];
	_ =	sdelay $0x4  }
0x1ac: {  	v3 =	vpop (erf)  }
0x1ad: {  	[tilespmem:$0x490] =	vst v3  }
0x1ae: {  	v1 =	vld.idx.msk [tilespmem:v1+s8+$0x0], $0xffff  }
0x1af: {  	v2 =	vld.idx.msk [tilespmem:v2+s10+$0x0], $0xffff;
	_ =	sdelay $0x1  }
0x1b0: {  	v3 =	vld [tilespmem:$0x3A0];
	_ =	sdelay $0x2  }
0x1b1: {  	v1 =	vadd.f32 v2, v1;
	_ =	sdelay $0x1  }
0x1b2: {  	v1 =	vadd.f32 v3, v1;
	_ =	sdelay $0x1  }
0x1b3: {  	v2 =	vmul.f32 $2.000000030e-01, v1;
	_ =	sdelay $0x1  }
0x1b4: {  	v1 =	vmax.f32 v1, v2  }
0x1b5: {  	v1 =	vmul.f32 $1.442695020e+00, v1;
	_ =	sdelay $0x1  }
0x1b6: {  	(erf) = vpow2.f32 v1;
	_ =	sdelay $0x2  }
0x1b7: {  	v1 =	vld [tilespmem:$0xB0]  }
0x1b8: {  	v2 =	vld [tilespmem:$0x1B0];
	_ =	sdelay $0x4  }
0x1b9: {  	v3 =	vpop (erf)  }
0x1ba: {  	[tilespmem:$0x4A0] =	vst v3  }
0x1bb: {  	v1 =	vld.idx.msk [tilespmem:v1+s8+$0x0], $0xffff  }
0x1bc: {  	v2 =	vld.idx.msk [tilespmem:v2+s10+$0x0], $0xffff;
	_ =	sdelay $0x1  }
0x1bd: {  	v3 =	vld [tilespmem:$0x3B0];
	_ =	sdelay $0x2  }
0x1be: {  	v1 =	vadd.f32 v2, v1;
	_ =	sdelay $0x1  }
0x1bf: {  	v1 =	vadd.f32 v3, v1;
	_ =	sdelay $0x1  }
0x1c0: {  	v2 =	vmul.f32 $2.000000030e-01, v1;
	_ =	sdelay $0x1  }
0x1c1: {  	v1 =	vmax.f32 v1, v2  }
0x1c2: {  	v1 =	vmul.f32 $1.442695020e+00, v1;
	_ =	sdelay $0x1  }
0x1c3: {  	(erf) = vpow2.f32 v1;
	_ =	sdelay $0x2  }
0x1c4: {  	v1 =	vld [tilespmem:$0xC0]  }
0x1c5: {  	v2 =	vld [tilespmem:$0x1C0];
	_ =	sdelay $0x4  }
0x1c6: {  	v3 =	vpop (erf)  }
0x1c7: {  	[tilespmem:$0x4B0] =	vst v3  }
0x1c8: {  	v1 =	vld.idx.msk [tilespmem:v1+s8+$0x0], $0xffff  }
0x1c9: {  	v2 =	vld.idx.msk [tilespmem:v2+s10+$0x0], $0xffff;
	_ =	sdelay $0x1  }
0x1ca: {  	v3 =	vld [tilespmem:$0x3C0];
	_ =	sdelay $0x2  }
0x1cb: {  	v1 =	vadd.f32 v2, v1;
	_ =	sdelay $0x1  }
0x1cc: {  	v1 =	vadd.f32 v3, v1;
	_ =	sdelay $0x1  }
0x1cd: {  	v2 =	vmul.f32 $2.000000030e-01, v1;
	_ =	sdelay $0x1  }
0x1ce: {  	v1 =	vmax.f32 v1, v2  }
0x1cf: {  	v1 =	vmul.f32 $1.442695020e+00, v1;
	_ =	sdelay $0x1  }
0x1d0: {  	(erf) = vpow2.f32 v1;
	_ =	sdelay $0x2  }
0x1d1: {  	s12 =	simm.s32 $0x0  }
0x1d2: {  	v1 =	vmov s12  }
0x1d3: {  	v1 =	vand.u32 $0xFFFFFFFC, v1  }
0x1d4: {  	v1 =	vbroadcast v1, $0x0;
	_ =	sdelay $0x2  }
0x1d5: {  	v2 =	vpop (erf)  }
0x1d6: {  	s25 =	simm.s32 $0x7D00;
	[tilespmem:$0x4C0] =	vst v2  }
0x1d7: {  	v3 =	vld [tilespmem:s25+$0xFFFFFF70]  }
0x1d8: {  	v1 =	vld.idx.msk [tilespmem:v1+s14+$0x0], $0xffff  }
0x1d9: {  	v4 =	vld [tilespmem:s25+$0xFFFFFF00]  }
0x1da: {  	v5 =	vld [tilespmem:s25+$0xFFFFFF20]  }
0x1db: {  	v6 =	vld [tilespmem:s25+$0xFFFFFF30]  }
0x1dc: {  	v2 =	vld [tilespmem:s25+$0xFFFFFF50]  }
0x1dd: {  	v8 =	vld [tilespmem:s25+$0xFFFFFF10];
	v3 =	vmul.f32 v3, v1  }
0x1de: {  	s17 =	simm.s32 $0x1;
	v7 =	vld [tilespmem:s25+$0xFFFFFF60];
	v4 =	vmul.f32 v4, v1  }
0x1df: {  	v62 =	vld [tilespmem:s25+$0xFFFFFF40];
	v5 =	vmul.f32 v5, v1;
	[tilespmem:s25+$0xFFFFFF70] =	vst v3;
	v3 =	vmov s17  }
0x1e0: {  	v6 =	vmul.f32 v6, v1;
	[tilespmem:s25+$0xFFFFFF00] =	vst v4;
	v3 =	vand.u32 $0xFFFFFFFD, v3  }
0x1e1: {  	v2 =	vmul.f32 v2, v1;
	[tilespmem:s25+$0xFFFFFF20] =	vst v5;
	v3 =	vbroadcast v3, $0x0  }
0x1e2: {  	v4 =	vmul.f32 v8, v1;
	[tilespmem:s25+$0xFFFFFF30] =	vst v6  }
0x1e3: {  	v5 =	vmul.f32 v7, v1;
	[tilespmem:s25+$0xFFFFFF50] =	vst v2  }
0x1e4: {  	v1 =	vmul.f32 v62, v1;
	[tilespmem:s25+$0xFFFFFF10] =	vst v4  }
0x1e5: {  	[tilespmem:s25+$0xFFFFFF60] =	vst v5  }
0x1e6: {  	[tilespmem:s25+$0xFFFFFF40] =	vst v1;
	v1 =	vld [tilespmem:s25+$0xFFFFFF80]  }
0x1e7: {  	v3 =	vld.idx.msk [tilespmem:v3+s14+$0x0], $0xffff  }
0x1e8: {  	v2 =	vld [tilespmem:s25+$0xFFFFFFA0]  }
0x1e9: {  	v4 =	vld [tilespmem:s25+$0xFFFFFF90]  }
0x1ea: {  	v5 =	vld [tilespmem:s25+$0xFFFFFFD0]  }
0x1eb: {  	v6 =	vld [tilespmem:s25+$0xFFFFFFE0]  }
0x1ec: {  	v7 =	vld [tilespmem:s25+$0xFFFFFFF0];
	v1 =	vmul.f32 v1, v3  }
0x1ed: {  	s19 =	simm.s32 $0x2;
	v8 =	vld [tilespmem:s25+$0xFFFFFFB0];
	v2 =	vmul.f32 v2, v3  }
0x1ee: {  	v63 =	vld [tilespmem:s25+$0xFFFFFFC0];
	v4 =	vmul.f32 v4, v3;
	[tilespmem:s25+$0xFFFFFF80] =	vst v1;
	v1 =	vmov s19  }
0x1ef: {  	v5 =	vmul.f32 v5, v3;
	[tilespmem:s25+$0xFFFFFFA0] =	vst v2;
	v1 =	vand.u32 $0xFFFFFFFE, v1  }
0x1f0: {  	v2 =	vmul.f32 v6, v3;
	[tilespmem:s25+$0xFFFFFF90] =	vst v4;
	v4 =	vbroadcast v1, $0x0  }
0x1f1: {  	v6 =	vmul.f32 v7, v3;
	[tilespmem:s25+$0xFFFFFFD0] =	vst v5;
	v7 =	vld [tilespmem:s25+$0x30]  }
0x1f2: {  	v5 =	vmul.f32 v8, v3;
	v1 =	vld [tilespmem:s25+$0x40];
	[tilespmem:s25+$0xFFFFFFE0] =	vst v2  }
0x1f3: {  	v3 =	vmul.f32 v63, v3;
	v2 =	vld [tilespmem:s25+$0x70];
	[tilespmem:s25+$0xFFFFFFF0] =	vst v6  }
0x1f4: {  	[tilespmem:s25+$0xFFFFFFB0] =	vst v5;
	v5 =	vld [tilespmem:s25+$0x20]  }
0x1f5: {  	[tilespmem:s25+$0xFFFFFFC0] =	vst v3;
	v6 =	vld [tilespmem:s25+$0x0]  }
0x1f6: {  	v3 =	vld.idx.msk [tilespmem:v4+s14+$0x0], $0xffff  }
0x1f7: {  	s9 =	simm.s32 $0x7D00;
	s12 =	simm.s32 $0x3;
	s17 =	simm.s32 $0x7;
	v4 =	vld [tilespmem:s25+$0x10]  }
.LBB2_7:
0x1f8: {  	p1 =	sne.s32 s17, $0x4F  }
0x1f9: {  	v8 =	vld [tilespmem:s25+$0x50];
	s9 =	sadd.s32 $0x200, s9;
	s19 =	smov.u32 s17;
	s17 =	sadd.s32 $0x4, s17  }
0x1fa: {  	v9 =	vld [tilespmem:s25+$0x60];
	_ =	sdelay $0x1  }
0x1fb: {  	v6 =	vmul.f32 v6, v3;
	v4 =	vmul.f32 v4, v3  }
0x1fc: {  	v5 =	vmul.f32 v5, v3;
	v7 =	vmul.f32 v7, v3  }
0x1fd: {  	v1 =	vmul.f32 v1, v3;
	v2 =	vmul.f32 v2, v3;
	[tilespmem:s25+$0x0] =	vst v6  }
0x1fe: {  	[tilespmem:s25+$0x20] =	vst v5;
	v5 =	vmul.f32 v8, v3;
	v3 =	vmul.f32 v9, v3  }
0x1ff: {  	[tilespmem:s25+$0x30] =	vst v7;
	v6 =	vld [tilespmem:s25+$0x80]  }
0x200: {  	[tilespmem:s25+$0x60] =	vst v3;
	v3 =	vmov s12;
	v7 =	vld [tilespmem:s25+$0xD0];
	s12 =	smov.u32 s19  }
0x201: {  	[tilespmem:s25+$0x50] =	vst v5;
	v5 =	vld [tilespmem:s25+$0xE0]  }
0x202: {  	[tilespmem:s25+$0x40] =	vst v1;
	v8 =	vld [tilespmem:s25+$0xB0]  }
0x203: {  	v1 =	vld [tilespmem:s9+$0x40];
	[tilespmem:s25+$0x70] =	vst v2  }
0x204: {  	v2 =	vld [tilespmem:s9+$0x70];
	[tilespmem:s25+$0x10] =	vst v4  }
0x205: {  	v3 =	vld.idx.msk [tilespmem:v3+s14+$0x0], $0xffff  }
0x206: {  	v4 =	vld [tilespmem:s25+$0x90]  }
0x207: {  	v9 =	vld [tilespmem:s25+$0xA0]  }
0x208: {  	v10 =	vld [tilespmem:s25+$0xC0]  }
0x209: {  	v11 =	vld [tilespmem:s25+$0xF0];
	_ =	sdelay $0x1  }
0x20a: {  	v6 =	vmul.f32 v6, v3;
	v4 =	vmul.f32 v4, v3  }
0x20b: {  	s19 =	sadd.s32 $0xFFFFFFFD, s12;
	v8 =	vmul.f32 v8, v3;
	v9 =	vmul.f32 v9, v3  }
0x20c: {  	v12 =	vmov s19;
	v7 =	vmul.f32 v7, v3;
	[tilespmem:s25+$0x80] =	vst v6;
	v6 =	vmul.f32 v10, v3  }
0x20d: {  	v10 =	vand.u32 $0xFFFFFFFC, v12;
	[tilespmem:s25+$0x90] =	vst v4;
	v4 =	vmul.f32 v5, v3;
	v3 =	vmul.f32 v11, v3  }
0x20e: {  	v5 =	vbroadcast v10, $0x0;
	[tilespmem:s25+$0xA0] =	vst v9  }
0x20f: {  	[tilespmem:s25+$0xD0] =	vst v7  }
0x210: {  	v7 =	vld [tilespmem:s9+$0xFFFFFF50];
	[tilespmem:s25+$0xB0] =	vst v8  }
0x211: {  	v8 =	vld [tilespmem:s9+$0xFFFFFF30];
	[tilespmem:s25+$0xC0] =	vst v6  }
0x212: {  	v6 =	vld [tilespmem:s9+$0xFFFFFF60];
	[tilespmem:s25+$0xE0] =	vst v4  }
0x213: {  	v4 =	vld [tilespmem:s9+$0xFFFFFF70];
	[tilespmem:s25+$0xF0] =	vst v3;
	s25 =	smov.u32 s9  }
0x214: {  	v3 =	vld.idx.msk [tilespmem:v5+s14+$0x0], $0xffff  }
0x215: {  	v5 =	vld [tilespmem:s9+$0xFFFFFF00]  }
0x216: {  	v9 =	vld [tilespmem:s9+$0xFFFFFF20]  }
0x217: {  	v10 =	vld [tilespmem:s9+$0xFFFFFF10]  }
0x218: {  	v11 =	vld [tilespmem:s9+$0xFFFFFF40];
	_ =	sdelay $0x1  }
0x219: {  	v4 =	vmul.f32 v4, v3;
	v5 =	vmul.f32 v5, v3  }
0x21a: {  	s19 =	sadd.s32 $0xFFFFFFFE, s12;
	v6 =	vmul.f32 v6, v3;
	v9 =	vmul.f32 v9, v3  }
0x21b: {  	v8 =	vmul.f32 v8, v3;
	v10 =	vmul.f32 v10, v3;
	[tilespmem:s9+$0xFFFFFF70] =	vst v4;
	v4 =	vmov s19  }
0x21c: {  	[tilespmem:s9+$0xFFFFFF00] =	vst v5;
	v5 =	vmul.f32 v11, v3;
	v3 =	vmul.f32 v7, v3;
	v4 =	vand.u32 $0xFFFFFFFD, v4  }
0x21d: {  	[tilespmem:s9+$0xFFFFFF20] =	vst v9;
	v4 =	vbroadcast v4, $0x0  }
0x21e: {  	[tilespmem:s9+$0xFFFFFF30] =	vst v8  }
0x21f: {  	[tilespmem:s9+$0xFFFFFF50] =	vst v3;
	v3 =	vld [tilespmem:s9+$0xFFFFFFF0]  }
0x220: {  	[tilespmem:s9+$0xFFFFFF10] =	vst v10;
	v7 =	vld [tilespmem:s9+$0xFFFFFFD0]  }
0x221: {  	[tilespmem:s9+$0xFFFFFF60] =	vst v6;
	v6 =	vld [tilespmem:s9+$0xFFFFFFB0]  }
0x222: {  	[tilespmem:s9+$0xFFFFFF40] =	vst v5;
	v5 =	vld [tilespmem:s9+$0xFFFFFF90]  }
0x223: {  	v4 =	vld.idx.msk [tilespmem:v4+s14+$0x0], $0xffff  }
0x224: {  	v8 =	vld [tilespmem:s9+$0xFFFFFF80]  }
0x225: {  	v9 =	vld [tilespmem:s9+$0xFFFFFFA0]  }
0x226: {  	v10 =	vld [tilespmem:s9+$0xFFFFFFC0]  }
0x227: {  	v11 =	vld [tilespmem:s9+$0xFFFFFFE0];
	_ =	sdelay $0x1  }
0x228: {  	v5 =	vmul.f32 v5, v4;
	v8 =	vmul.f32 v8, v4  }
0x229: {  	s19 =	sadd.s32 $0xFFFFFFFF, s12;
	v6 =	vmul.f32 v6, v4;
	v9 =	vmul.f32 v9, v4  }
0x22a: {  	v7 =	vmul.f32 v7, v4;
	[tilespmem:s9+$0xFFFFFF80] =	vst v8;
	v8 =	vmul.f32 v10, v4;
	v10 =	vmov s19  }
0x22b: {  	v3 =	vmul.f32 v3, v4;
	[tilespmem:s9+$0xFFFFFFA0] =	vst v9;
	v9 =	vmul.f32 v11, v4;
	v4 =	vand.u32 $0xFFFFFFFE, v10  }
0x22c: {  	[tilespmem:s9+$0xFFFFFF90] =	vst v5;
	v4 =	vbroadcast v4, $0x0  }
0x22d: {  	[tilespmem:s9+$0xFFFFFFD0] =	vst v7  }
0x22e: {  	[tilespmem:s9+$0xFFFFFFE0] =	vst v9  }
0x22f: {  	[tilespmem:s9+$0xFFFFFFB0] =	vst v6  }
.Ltmp2:
0x230: {  	[tilespmem:s9+$0xFFFFFFF0] =	vst v3;
	v5 =	vld [tilespmem:s9+$0x20];
	(pc) =	sbr.rel @p1 .LBB2_7-.Ltmp2, $4  }
0x231: {  	[tilespmem:s9+$0xFFFFFFC0] =	vst v8;
	v6 =	vld [tilespmem:s9+$0x0]  }
0x232: {  	v3 =	vld.idx.msk [tilespmem:v4+s14+$0x0], $0xffff  }
0x233: {  	v4 =	vld [tilespmem:s9+$0x10]  }
0x234: {  	v7 =	vld [tilespmem:s9+$0x30]  }
0x235: {  	_ =	sdelay $0x1  }
0x236: {  	v8 =	vld [tilespmem:s25+$0x60];
	v6 =	vmul.f32 v6, v3  }
0x237: {  	v9 =	vld [tilespmem:s25+$0x50];
	v5 =	vmul.f32 v5, v3  }
0x238: {  	v1 =	vmul.f32 v1, v3;
	[tilespmem:s25+$0x0] =	vst v6  }
0x239: {  	v2 =	vmul.f32 v2, v3;
	[tilespmem:s25+$0x20] =	vst v5  }
0x23a: {  	v7 =	vmul.f32 v7, v3;
	[tilespmem:s25+$0x40] =	vst v1  }
0x23b: {  	v57 =	vmov s12;
	[tilespmem:s25+$0x70] =	vst v2;
	v54 =	vmul.f32 v8, v3  }
0x23c: {  	v55 =	vmul.f32 v9, v3;
	[tilespmem:s25+$0x30] =	vst v7  }
0x23d: {  	v3 =	vmul.f32 v4, v3;
	[tilespmem:s25+$0x60] =	vst v54  }
0x23e: {  	[tilespmem:s25+$0x50] =	vst v55  }
0x23f: {  	v56 =	vld [tilespmem:s25+$0x80];
	[tilespmem:s25+$0x10] =	vst v3  }
0x240: {  	v1 =	vld.idx.msk [tilespmem:v57+s14+$0x0], $0xffff  }
0x241: {  	v2 =	vld [tilespmem:s25+$0x90]  }
0x242: {  	v3 =	vld [tilespmem:s25+$0xA0]  }
0x243: {  	v58 =	vld [tilespmem:s25+$0xD0]  }
0x244: {  	v61 =	vld [tilespmem:s25+$0xE0]  }
0x245: {  	v59 =	vld [tilespmem:s25+$0xB0];
	v7 =	vmul.f32 v56, v1  }
0x246: {  	v60 =	vld [tilespmem:s25+$0xC0];
	v2 =	vmul.f32 v2, v1  }
0x247: {  	v62 =	vld [tilespmem:s25+$0xF0];
	v3 =	vmul.f32 v3, v1;
	[tilespmem:s25+$0x80] =	vst v7  }
0x248: {  	v4 =	vmul.f32 v58, v1;
	[tilespmem:s25+$0x90] =	vst v2  }
0x249: {  	p1 =	seq.s32 s20, $0x3D;
	v63 =	vmul.f32 v61, v1;
	[tilespmem:s25+$0xA0] =	vst v3  }
.Ltmp3:
0x24a: {  	v2 =	vmul.f32 v59, v1;
	[tilespmem:s25+$0xD0] =	vst v4;
	(pc) =	sbr.rel @p1 .LBB2_10-.Ltmp3, $4  }
0x24b: {  	v3 =	vmul.f32 v60, v1;
	[tilespmem:s25+$0xE0] =	vst v63  }
0x24c: {  	v1 =	vmul.f32 v62, v1;
	[tilespmem:s25+$0xB0] =	vst v2  }
0x24d: {  	[tilespmem:s25+$0xC0] =	vst v3  }
0x24e: {  	[tilespmem:s25+$0xF0] =	vst v1  }
0x24f: {  	s9 =	rddreg [dreg:$0xd]  }
0x250: {  	s9 =	sadd.s32 s15, s9  }
0x251: {  	s9 =	sshrl.u32 s9, $0x3  }
0x252: {  	s12 =	sadd.s32 s5, s9  }
0x253: {  	[tilespmem:s13], [sflag:$0x2] =	stream.linear.gather [hbm4b:s12+s4], $0x50, $0x38;
	[tilespmem:$0x1E900] =	vst v63  }
0x254: {  	s25 =	simm.s32 $0x180;
	s9 =	sadd.s32 s6, s9  }
0x255: {  	[tilespmem:s25], [sflag:$0x2] =	stream.linear.gather [hbm4b:s9+s4], $0x50, $0x38;
	[tilespmem:$0x1E900] =	vst v63  }
.Ltmp4:
0x256: {  	_ = 	snop;
	(pc) =	sbr.rel .LBB2_4-.Ltmp4, $4  }
0x257: {  	_ = 	snop  }
0x258: {  	[spmem:s2] =	stream.indirect.scatter.add.f32 [tilespmem:s28], [sflag:$0x6], $0x80, s26, s22, $0xb8;
	[tilespmem:$0x1E900] =	vst v63  }
0x259: {  	s20 =	sadd.s32 $0x1, s20  }
0x25a: {  	[spmem:s3] =	stream.indirect.scatter.add.f32 [tilespmem:s14], [sflag:$0x6], $0x1, s26, s22, $0xb8;
	[tilespmem:$0x1E900] =	vst v63  }
.LBB2_10:
0x25b: {  	[spmem:s2] =	stream.indirect.scatter.add.f32 [tilespmem:s28], [sflag:$0x6], $0x80, s26, s22, $0xb8;
	[tilespmem:$0x1E900] =	vst v63  }
0x25c: {  	s15 =	simm.s32 $0x3  }
0x25d: {  	[spmem:s3] =	stream.indirect.scatter.add.f32 [tilespmem:s14], [sflag:$0x6], $0x1, s26, s22, $0xb8;
	[tilespmem:$0x1E900] =	vst v63  }
0x25e: {  	_ =	swait.ge [sflag:s15], $0x50  }
0x25f: {  	[sflag:s15] =	ssyncset.done $0x0  }
0x260: {  	[sflag:s15] =	ssyncadd.s32 $0xFFFFFFB0  }
0x261: {  	_ =	swait.ge [sflag:s15], $0x50  }
0x262: {  	[sflag:s15] =	ssyncset.done $0x0  }
0x263: {  	[sflag:s15] =	ssyncadd.s32 $0xFFFFFFB0  }
0x264: {  	_ =	swait.ge [sflag:s15], $0x2800  }
0x265: {  	[sflag:s15] =	ssyncset.done $0x0  }
0x266: {  	[sflag:s15] =	ssyncadd.s32 $0xFFFFD800  }
0x267: {  	v1 =	vld [tilespmem:$0x0]  }
0x268: {  	v2 =	vld [tilespmem:$0x100];
	_ =	sdelay $0x6  }
0x269: {  	v1 =	vld.idx.msk [tilespmem:v1+s8+$0x0], $0xffff  }
0x26a: {  	v2 =	vld.idx.msk [tilespmem:v2+s10+$0x0], $0xffff;
	_ =	sdelay $0x1  }
0x26b: {  	v3 =	vld [tilespmem:$0x300];
	_ =	sdelay $0x2  }
0x26c: {  	v1 =	vadd.f32 v2, v1;
	_ =	sdelay $0x1  }
0x26d: {  	v1 =	vadd.f32 v3, v1;
	_ =	sdelay $0x1  }
0x26e: {  	v2 =	vmul.f32 $2.000000030e-01, v1;
	_ =	sdelay $0x1  }
0x26f: {  	v1 =	vmax.f32 v1, v2  }
0x270: {  	v1 =	vmul.f32 $1.442695020e+00, v1;
	_ =	sdelay $0x1  }
0x271: {  	(erf) = vpow2.f32 v1;
	_ =	sdelay $0x2  }
0x272: {  	v1 =	vld [tilespmem:$0x10]  }
0x273: {  	v2 =	vld [tilespmem:$0x110];
	_ =	sdelay $0x4  }
0x274: {  	v3 =	vpop (erf)  }
0x275: {  	[tilespmem:$0x400] =	vst v3  }
0x276: {  	v1 =	vld.idx.msk [tilespmem:v1+s8+$0x0], $0xffff  }
0x277: {  	v2 =	vld.idx.msk [tilespmem:v2+s10+$0x0], $0xffff;
	_ =	sdelay $0x1  }
0x278: {  	v3 =	vld [tilespmem:$0x310];
	_ =	sdelay $0x2  }
0x279: {  	v1 =	vadd.f32 v2, v1;
	_ =	sdelay $0x1  }
0x27a: {  	v1 =	vadd.f32 v3, v1;
	_ =	sdelay $0x1  }
0x27b: {  	v2 =	vmul.f32 $2.000000030e-01, v1;
	_ =	sdelay $0x1  }
0x27c: {  	v1 =	vmax.f32 v1, v2  }
0x27d: {  	v1 =	vmul.f32 $1.442695020e+00, v1;
	_ =	sdelay $0x1  }
0x27e: {  	(erf) = vpow2.f32 v1;
	_ =	sdelay $0x2  }
0x27f: {  	v1 =	vld [tilespmem:$0x20]  }
0x280: {  	v2 =	vld [tilespmem:$0x120];
	_ =	sdelay $0x4  }
0x281: {  	v3 =	vpop (erf)  }
0x282: {  	[tilespmem:$0x410] =	vst v3  }
0x283: {  	v1 =	vld.idx.msk [tilespmem:v1+s8+$0x0], $0xffff  }
0x284: {  	v2 =	vld.idx.msk [tilespmem:v2+s10+$0x0], $0xffff;
	_ =	sdelay $0x1  }
0x285: {  	v3 =	vld [tilespmem:$0x320];
	_ =	sdelay $0x2  }
0x286: {  	v1 =	vadd.f32 v2, v1;
	_ =	sdelay $0x1  }
0x287: {  	v1 =	vadd.f32 v3, v1;
	_ =	sdelay $0x1  }
0x288: {  	v2 =	vmul.f32 $2.000000030e-01, v1;
	_ =	sdelay $0x1  }
0x289: {  	v1 =	vmax.f32 v1, v2  }
0x28a: {  	v1 =	vmul.f32 $1.442695020e+00, v1;
	_ =	sdelay $0x1  }
0x28b: {  	(erf) = vpow2.f32 v1;
	_ =	sdelay $0x2  }
0x28c: {  	v1 =	vld [tilespmem:$0x30]  }
0x28d: {  	v2 =	vld [tilespmem:$0x130];
	_ =	sdelay $0x4  }
0x28e: {  	v3 =	vpop (erf)  }
0x28f: {  	[tilespmem:$0x420] =	vst v3  }
0x290: {  	v1 =	vld.idx.msk [tilespmem:v1+s8+$0x0], $0xffff  }
0x291: {  	v2 =	vld.idx.msk [tilespmem:v2+s10+$0x0], $0xffff;
	_ =	sdelay $0x1  }
0x292: {  	v3 =	vld [tilespmem:$0x330];
	_ =	sdelay $0x2  }
0x293: {  	v1 =	vadd.f32 v2, v1;
	_ =	sdelay $0x1  }
0x294: {  	v1 =	vadd.f32 v3, v1;
	_ =	sdelay $0x1  }
0x295: {  	v2 =	vmul.f32 $2.000000030e-01, v1;
	_ =	sdelay $0x1  }
0x296: {  	v1 =	vmax.f32 v1, v2  }
0x297: {  	v1 =	vmul.f32 $1.442695020e+00, v1;
	_ =	sdelay $0x1  }
0x298: {  	(erf) = vpow2.f32 v1;
	_ =	sdelay $0x2  }
0x299: {  	v1 =	vld [tilespmem:$0x40]  }
0x29a: {  	v2 =	vld [tilespmem:$0x140];
	_ =	sdelay $0x4  }
0x29b: {  	v3 =	vpop (erf)  }
0x29c: {  	[tilespmem:$0x430] =	vst v3  }
0x29d: {  	v1 =	vld.idx.msk [tilespmem:v1+s8+$0x0], $0xffff  }
0x29e: {  	v2 =	vld.idx.msk [tilespmem:v2+s10+$0x0], $0xffff;
	_ =	sdelay $0x1  }
0x29f: {  	v3 =	vld [tilespmem:$0x340];
	_ =	sdelay $0x2  }
0x2a0: {  	v1 =	vadd.f32 v2, v1;
	_ =	sdelay $0x1  }
0x2a1: {  	v1 =	vadd.f32 v3, v1;
	_ =	sdelay $0x1  }
0x2a2: {  	v2 =	vmul.f32 $2.000000030e-01, v1;
	_ =	sdelay $0x1  }
0x2a3: {  	v1 =	vmax.f32 v1, v2  }
0x2a4: {  	v1 =	vmul.f32 $1.442695020e+00, v1;
	_ =	sdelay $0x1  }
0x2a5: {  	(erf) = vpow2.f32 v1;
	_ =	sdelay $0x2  }
0x2a6: {  	s9 =	simm.s32 $0x0  }
0x2a7: {  	v1 =	vmov s9  }
0x2a8: {  	v1 =	vand.u32 $0xFFFFFFFC, v1  }
0x2a9: {  	v1 =	vbroadcast v1, $0x0;
	_ =	sdelay $0x2  }
0x2aa: {  	v2 =	vpop (erf)  }
0x2ab: {  	s20 =	simm.s32 $0x5500;
	[tilespmem:$0x440] =	vst v2  }
0x2ac: {  	v3 =	vld [tilespmem:s20+$0xFFFFFF70]  }
0x2ad: {  	v1 =	vld.idx.msk [tilespmem:v1+s29+$0x0], $0xffff  }
0x2ae: {  	v4 =	vld [tilespmem:s20+$0xFFFFFF00]  }
0x2af: {  	v5 =	vld [tilespmem:s20+$0xFFFFFF20]  }
0x2b0: {  	v6 =	vld [tilespmem:s20+$0xFFFFFF30]  }
0x2b1: {  	v2 =	vld [tilespmem:s20+$0xFFFFFF50]  }
0x2b2: {  	v8 =	vld [tilespmem:s20+$0xFFFFFF10];
	v3 =	vmul.f32 v3, v1  }
0x2b3: {  	s19 =	simm.s32 $0x1;
	v7 =	vld [tilespmem:s20+$0xFFFFFF60];
	v4 =	vmul.f32 v4, v1  }
0x2b4: {  	v9 =	vld [tilespmem:s20+$0xFFFFFF40];
	v5 =	vmul.f32 v5, v1;
	[tilespmem:s20+$0xFFFFFF70] =	vst v3;
	v3 =	vmov s19  }
0x2b5: {  	v6 =	vmul.f32 v6, v1;
	[tilespmem:s20+$0xFFFFFF00] =	vst v4;
	v3 =	vand.u32 $0xFFFFFFFD, v3  }
0x2b6: {  	v2 =	vmul.f32 v2, v1;
	[tilespmem:s20+$0xFFFFFF20] =	vst v5;
	v3 =	vbroadcast v3, $0x0  }
0x2b7: {  	v4 =	vmul.f32 v8, v1;
	[tilespmem:s20+$0xFFFFFF30] =	vst v6  }
0x2b8: {  	v5 =	vmul.f32 v7, v1;
	[tilespmem:s20+$0xFFFFFF50] =	vst v2  }
0x2b9: {  	v1 =	vmul.f32 v9, v1;
	[tilespmem:s20+$0xFFFFFF10] =	vst v4  }
0x2ba: {  	[tilespmem:s20+$0xFFFFFF60] =	vst v5  }
0x2bb: {  	[tilespmem:s20+$0xFFFFFF40] =	vst v1;
	v1 =	vld [tilespmem:s20+$0xFFFFFF80]  }
0x2bc: {  	v3 =	vld.idx.msk [tilespmem:v3+s29+$0x0], $0xffff  }
0x2bd: {  	v2 =	vld [tilespmem:s20+$0xFFFFFFA0]  }
0x2be: {  	v4 =	vld [tilespmem:s20+$0xFFFFFF90]  }
0x2bf: {  	v5 =	vld [tilespmem:s20+$0xFFFFFFD0]  }
0x2c0: {  	v6 =	vld [tilespmem:s20+$0xFFFFFFE0]  }
0x2c1: {  	v7 =	vld [tilespmem:s20+$0xFFFFFFF0];
	v1 =	vmul.f32 v1, v3  }
0x2c2: {  	s25 =	simm.s32 $0x2;
	v8 =	vld [tilespmem:s20+$0xFFFFFFB0];
	v2 =	vmul.f32 v2, v3  }
0x2c3: {  	v63 =	vld [tilespmem:s20+$0xFFFFFFC0];
	v4 =	vmul.f32 v4, v3;
	[tilespmem:s20+$0xFFFFFF80] =	vst v1;
	v1 =	vmov s25  }
0x2c4: {  	v5 =	vmul.f32 v5, v3;
	[tilespmem:s20+$0xFFFFFFA0] =	vst v2;
	v1 =	vand.u32 $0xFFFFFFFE, v1  }
0x2c5: {  	v2 =	vmul.f32 v6, v3;
	[tilespmem:s20+$0xFFFFFF90] =	vst v4;
	v4 =	vbroadcast v1, $0x0  }
0x2c6: {  	v6 =	vmul.f32 v7, v3;
	[tilespmem:s20+$0xFFFFFFD0] =	vst v5;
	v7 =	vld [tilespmem:s20+$0x30]  }
0x2c7: {  	v5 =	vmul.f32 v8, v3;
	v1 =	vld [tilespmem:s20+$0x40];
	[tilespmem:s20+$0xFFFFFFE0] =	vst v2  }
0x2c8: {  	v3 =	vmul.f32 v63, v3;
	v2 =	vld [tilespmem:s20+$0x70];
	[tilespmem:s20+$0xFFFFFFF0] =	vst v6  }
0x2c9: {  	[tilespmem:s20+$0xFFFFFFB0] =	vst v5;
	v5 =	vld [tilespmem:s20+$0x20]  }
0x2ca: {  	[tilespmem:s20+$0xFFFFFFC0] =	vst v3;
	v6 =	vld [tilespmem:s20+$0x0]  }
0x2cb: {  	v3 =	vld.idx.msk [tilespmem:v4+s29+$0x0], $0xffff  }
0x2cc: {  	s12 =	simm.s32 $0x7;
	s9 =	simm.s32 $0x5500;
	v4 =	vld [tilespmem:s20+$0x10]  }
.LBB2_11:
0x2cd: {  	p1 =	sne.s32 s12, $0x4F  }
0x2ce: {  	v8 =	vld [tilespmem:s20+$0x50];
	s9 =	sadd.s32 $0x200, s9;
	s17 =	smov.u32 s12;
	s12 =	sadd.s32 $0x4, s12  }
0x2cf: {  	v9 =	vld [tilespmem:s20+$0x60];
	_ =	sdelay $0x1  }
0x2d0: {  	v6 =	vmul.f32 v6, v3;
	v4 =	vmul.f32 v4, v3  }
0x2d1: {  	v5 =	vmul.f32 v5, v3;
	v7 =	vmul.f32 v7, v3  }
0x2d2: {  	v1 =	vmul.f32 v1, v3;
	v2 =	vmul.f32 v2, v3;
	[tilespmem:s20+$0x0] =	vst v6  }
0x2d3: {  	[tilespmem:s20+$0x20] =	vst v5;
	v5 =	vmul.f32 v8, v3;
	v3 =	vmul.f32 v9, v3  }
0x2d4: {  	[tilespmem:s20+$0x30] =	vst v7;
	v6 =	vld [tilespmem:s20+$0x80]  }
0x2d5: {  	[tilespmem:s20+$0x60] =	vst v3;
	v3 =	vmov s15;
	v7 =	vld [tilespmem:s20+$0xD0];
	s15 =	smov.u32 s17  }
0x2d6: {  	[tilespmem:s20+$0x50] =	vst v5;
	v5 =	vld [tilespmem:s20+$0xE0]  }
0x2d7: {  	[tilespmem:s20+$0x40] =	vst v1;
	v8 =	vld [tilespmem:s20+$0xB0]  }
0x2d8: {  	v1 =	vld [tilespmem:s9+$0x40];
	[tilespmem:s20+$0x70] =	vst v2  }
0x2d9: {  	v2 =	vld [tilespmem:s9+$0x70];
	[tilespmem:s20+$0x10] =	vst v4  }
0x2da: {  	v3 =	vld.idx.msk [tilespmem:v3+s29+$0x0], $0xffff  }
0x2db: {  	v4 =	vld [tilespmem:s20+$0x90]  }
0x2dc: {  	v9 =	vld [tilespmem:s20+$0xA0]  }
0x2dd: {  	v10 =	vld [tilespmem:s20+$0xC0]  }
0x2de: {  	v11 =	vld [tilespmem:s20+$0xF0];
	_ =	sdelay $0x1  }
0x2df: {  	v6 =	vmul.f32 v6, v3;
	v4 =	vmul.f32 v4, v3  }
0x2e0: {  	s17 =	sadd.s32 $0xFFFFFFFD, s15;
	v8 =	vmul.f32 v8, v3;
	v9 =	vmul.f32 v9, v3  }
0x2e1: {  	v12 =	vmov s17;
	v7 =	vmul.f32 v7, v3;
	[tilespmem:s20+$0x80] =	vst v6;
	v6 =	vmul.f32 v10, v3  }
0x2e2: {  	v10 =	vand.u32 $0xFFFFFFFC, v12;
	[tilespmem:s20+$0x90] =	vst v4;
	v4 =	vmul.f32 v5, v3;
	v3 =	vmul.f32 v11, v3  }
0x2e3: {  	v5 =	vbroadcast v10, $0x0;
	[tilespmem:s20+$0xA0] =	vst v9  }
0x2e4: {  	[tilespmem:s20+$0xD0] =	vst v7  }
0x2e5: {  	v7 =	vld [tilespmem:s9+$0xFFFFFF50];
	[tilespmem:s20+$0xB0] =	vst v8  }
0x2e6: {  	v8 =	vld [tilespmem:s9+$0xFFFFFF30];
	[tilespmem:s20+$0xC0] =	vst v6  }
0x2e7: {  	v6 =	vld [tilespmem:s9+$0xFFFFFF60];
	[tilespmem:s20+$0xE0] =	vst v4  }
0x2e8: {  	v4 =	vld [tilespmem:s9+$0xFFFFFF70];
	[tilespmem:s20+$0xF0] =	vst v3;
	s20 =	smov.u32 s9  }
0x2e9: {  	v3 =	vld.idx.msk [tilespmem:v5+s29+$0x0], $0xffff  }
0x2ea: {  	v5 =	vld [tilespmem:s9+$0xFFFFFF00]  }
0x2eb: {  	v9 =	vld [tilespmem:s9+$0xFFFFFF20]  }
0x2ec: {  	v10 =	vld [tilespmem:s9+$0xFFFFFF10]  }
0x2ed: {  	v11 =	vld [tilespmem:s9+$0xFFFFFF40];
	_ =	sdelay $0x1  }
0x2ee: {  	v4 =	vmul.f32 v4, v3;
	v5 =	vmul.f32 v5, v3  }
0x2ef: {  	s17 =	sadd.s32 $0xFFFFFFFE, s15;
	v6 =	vmul.f32 v6, v3;
	v9 =	vmul.f32 v9, v3  }
0x2f0: {  	v8 =	vmul.f32 v8, v3;
	v10 =	vmul.f32 v10, v3;
	[tilespmem:s9+$0xFFFFFF70] =	vst v4;
	v4 =	vmov s17  }
0x2f1: {  	[tilespmem:s9+$0xFFFFFF00] =	vst v5;
	v5 =	vmul.f32 v11, v3;
	v3 =	vmul.f32 v7, v3;
	v4 =	vand.u32 $0xFFFFFFFD, v4  }
0x2f2: {  	[tilespmem:s9+$0xFFFFFF20] =	vst v9;
	v4 =	vbroadcast v4, $0x0  }
0x2f3: {  	[tilespmem:s9+$0xFFFFFF30] =	vst v8  }
0x2f4: {  	[tilespmem:s9+$0xFFFFFF50] =	vst v3;
	v3 =	vld [tilespmem:s9+$0xFFFFFFF0]  }
0x2f5: {  	[tilespmem:s9+$0xFFFFFF10] =	vst v10;
	v7 =	vld [tilespmem:s9+$0xFFFFFFD0]  }
0x2f6: {  	[tilespmem:s9+$0xFFFFFF60] =	vst v6;
	v6 =	vld [tilespmem:s9+$0xFFFFFFB0]  }
0x2f7: {  	[tilespmem:s9+$0xFFFFFF40] =	vst v5;
	v5 =	vld [tilespmem:s9+$0xFFFFFF90]  }
0x2f8: {  	v4 =	vld.idx.msk [tilespmem:v4+s29+$0x0], $0xffff  }
0x2f9: {  	v8 =	vld [tilespmem:s9+$0xFFFFFF80]  }
0x2fa: {  	v9 =	vld [tilespmem:s9+$0xFFFFFFA0]  }
0x2fb: {  	v10 =	vld [tilespmem:s9+$0xFFFFFFC0]  }
0x2fc: {  	v11 =	vld [tilespmem:s9+$0xFFFFFFE0];
	_ =	sdelay $0x1  }
0x2fd: {  	v5 =	vmul.f32 v5, v4;
	v8 =	vmul.f32 v8, v4  }
0x2fe: {  	s17 =	sadd.s32 $0xFFFFFFFF, s15;
	v6 =	vmul.f32 v6, v4;
	v9 =	vmul.f32 v9, v4  }
0x2ff: {  	v7 =	vmul.f32 v7, v4;
	[tilespmem:s9+$0xFFFFFF80] =	vst v8;
	v8 =	vmul.f32 v10, v4;
	v10 =	vmov s17  }
0x300: {  	v3 =	vmul.f32 v3, v4;
	[tilespmem:s9+$0xFFFFFFA0] =	vst v9;
	v9 =	vmul.f32 v11, v4;
	v4 =	vand.u32 $0xFFFFFFFE, v10  }
0x301: {  	[tilespmem:s9+$0xFFFFFF90] =	vst v5;
	v4 =	vbroadcast v4, $0x0  }
0x302: {  	[tilespmem:s9+$0xFFFFFFD0] =	vst v7  }
0x303: {  	[tilespmem:s9+$0xFFFFFFE0] =	vst v9  }
0x304: {  	[tilespmem:s9+$0xFFFFFFB0] =	vst v6  }
.Ltmp5:
0x305: {  	[tilespmem:s9+$0xFFFFFFF0] =	vst v3;
	v5 =	vld [tilespmem:s9+$0x20];
	(pc) =	sbr.rel @p1 .LBB2_11-.Ltmp5, $4  }
0x306: {  	[tilespmem:s9+$0xFFFFFFC0] =	vst v8;
	v6 =	vld [tilespmem:s9+$0x0]  }
0x307: {  	v3 =	vld.idx.msk [tilespmem:v4+s29+$0x0], $0xffff  }
0x308: {  	v4 =	vld [tilespmem:s9+$0x10]  }
0x309: {  	v7 =	vld [tilespmem:s9+$0x30]  }
0x30a: {  	_ =	sdelay $0x1  }
0x30b: {  	v8 =	vld [tilespmem:s20+$0x60];
	v6 =	vmul.f32 v6, v3  }
0x30c: {  	v9 =	vld [tilespmem:s20+$0x50];
	v5 =	vmul.f32 v5, v3  }
0x30d: {  	v1 =	vmul.f32 v1, v3;
	[tilespmem:s20+$0x0] =	vst v6  }
0x30e: {  	v2 =	vmul.f32 v2, v3;
	[tilespmem:s20+$0x20] =	vst v5  }
0x30f: {  	v7 =	vmul.f32 v7, v3;
	[tilespmem:s20+$0x40] =	vst v1  }
0x310: {  	v57 =	vmov s15;
	[tilespmem:s20+$0x70] =	vst v2;
	v54 =	vmul.f32 v8, v3  }
0x311: {  	v55 =	vmul.f32 v9, v3;
	[tilespmem:s20+$0x30] =	vst v7  }
0x312: {  	v3 =	vmul.f32 v4, v3;
	[tilespmem:s20+$0x60] =	vst v54  }
0x313: {  	[tilespmem:s20+$0x50] =	vst v55  }
0x314: {  	v56 =	vld [tilespmem:s20+$0x80];
	[tilespmem:s20+$0x10] =	vst v3  }
0x315: {  	v1 =	vld.idx.msk [tilespmem:v57+s29+$0x0], $0xffff  }
0x316: {  	v2 =	vld [tilespmem:s20+$0x90]  }
0x317: {  	v3 =	vld [tilespmem:s20+$0xA0]  }
0x318: {  	v58 =	vld [tilespmem:s20+$0xD0]  }
0x319: {  	v61 =	vld [tilespmem:s20+$0xE0]  }
0x31a: {  	v59 =	vld [tilespmem:s20+$0xB0];
	v7 =	vmul.f32 v56, v1  }
0x31b: {  	v60 =	vld [tilespmem:s20+$0xC0];
	v2 =	vmul.f32 v2, v1  }
0x31c: {  	v62 =	vld [tilespmem:s20+$0xF0];
	v3 =	vmul.f32 v3, v1;
	[tilespmem:s20+$0x80] =	vst v7  }
0x31d: {  	v4 =	vmul.f32 v58, v1;
	[tilespmem:s20+$0x90] =	vst v2  }
0x31e: {  	v63 =	vmul.f32 v61, v1;
	[tilespmem:s20+$0xA0] =	vst v3  }
0x31f: {  	v2 =	vmul.f32 v59, v1;
	[tilespmem:s20+$0xD0] =	vst v4  }
0x320: {  	v3 =	vmul.f32 v60, v1;
	[tilespmem:s20+$0xE0] =	vst v63  }
0x321: {  	v1 =	vmul.f32 v62, v1;
	[tilespmem:s20+$0xB0] =	vst v2  }
0x322: {  	[tilespmem:s20+$0xC0] =	vst v3  }
0x323: {  	[tilespmem:s20+$0xF0] =	vst v1  }
0x324: {  	[spmem:s2] =	stream.indirect.scatter.add.f32 [tilespmem:s0], [sflag:$0x5], $0x80, s21, s22, $0xb8;
	[tilespmem:$0x1E900] =	vst v63  }
0x325: {  	s9 =	simm.s32 $0x6  }
0x326: {  	[spmem:s3] =	stream.indirect.scatter.add.f32 [tilespmem:s29], [sflag:$0x5], $0x1, s21, s22, $0xb8;
	[tilespmem:$0x1E900] =	vst v63  }
0x327: {  	_ =	swait.ge [sflag:s9], $0x2800  }
0x328: {  	[sflag:s9] =	ssyncset.done $0x0  }
0x329: {  	[sflag:s9] =	ssyncadd.s32 $0xFFFFD800  }
0x32a: {  	_ =	swait.ge [sflag:s9], $0x50  }
0x32b: {  	[sflag:s9] =	ssyncset.done $0x0  }
0x32c: {  	[sflag:s9] =	ssyncadd.s32 $0xFFFFFFB0  }
0x32d: {  	_ =	swait.ge [sflag:s31], $0x2800  }
0x32e: {  	[sflag:s31] =	ssyncset.done $0x0  }
0x32f: {  	[sflag:s31] =	ssyncadd.s32 $0xFFFFD800  }
0x330: {  	_ =	swait.ge [sflag:s31], $0x50  }
0x331: {  	[sflag:s31] =	ssyncset.done $0x0  }
0x332: {  	[sflag:s31] =	ssyncadd.s32 $0xFFFFFFB0  }
0x333: {  	s20 =	stileid.u32;
	[bflag:$0x0] =	sbarrier.arrive $0xFFFF  }
0x334: {  	s17 =	simm.s32 $0x7;
	s9 =	sshll.u32 s20, $0x6;
	s20 =	rddreg [dreg:$0xe]  }
0x335: {  	s9 =	sor.u32 $0x1C07, s9;
	s25 =	rddreg [dreg:$0x12];
	s12 =	sshrl.u32 s20, $0x3  }
0x336: {  	[hbm:s25], [sflag:s9] =	dma.local [spmem:s12], $0x2800  }
0x337: {  	s15 =	simm.s32 @!p0 $0x1;
	_ =	swait.ge [sflag:s17], $0x2800  }
0x338: {  	s19 =	simm.s32 @!p0 $0x10;
	s12 =	sshrl.u32 @!p0 s3, $0x3;
	[sflag:s17] =	ssyncset.done $0x0  }
0x339: {  	s25 =	rddreg [dreg:$0xf];
	[sflag:s17] =	ssyncadd.s32 $0xFFFFD800;
	s17 =	simm.s32 @!p0 $0x20  }
0x33a: {  	[hbm:s25@s17], [sflag:s9] =	dma.strided @!p0 [spmem:s12@s19], $0x500, s15, $0x10   }
0x33b: {  	s9 =	simm.s32 @!p0 $0x7  }
0x33c: {  	_ =	swait.ge @!p0 [sflag:s9], $0x500  }
0x33d: {  	s19 =	rddreg [dreg:$0x19]  }
0x33e: {  	s25 =	rddreg [dreg:$0x10];
	s15 =	sadd.s32 $0x1, s19  }
0x33f: {  	p1 =	sne.s32 s15, s25  }
.Ltmp6:
0x340: {  	_ = 	snop;
	(pc) =	sbr.rel @p1 .LBB2_1-.Ltmp6, $3  }
0x341: {  	_ =	sdelay $0x1  }
0x342: {  	[sflag:s9] =	ssyncset.done @!p0 $0x0  }
0x343: {  	[sflag:s9] =	ssyncadd.s32 @!p0 $0xFFFFFB00  }
0x344: {  	_ =	sfence.sel $0x180000  }
0x345: {  	[bflag:$0x0] =	sbarrier.arrive $0xFFFF  }
0x346: {  	_ =	strace $0x90000047  }
0x347: {  	[bflag:$0x2] =	sbarrier.arrive $0xFFFF  }
0x348: {  	s0 =	rddreg [dreg:$0x4]  }
0x349: {  	s0 =	sadd.s32 @!p0 $0x100000, s0  }
0x34a: {  	[sflag:s0] =	ssyncadd.tile.s32 @!p0 $0x1;
	_ =	shalt  }
.Lfunc_end2:
_tile_overlayer_lowered:
.L_overlay_start_2:
0x34b: {  	(tag) =	ssettag $0x2  }
0x34c: {  	s0 =	rddreg [dreg:$0x0];
	s2 =	stileid.u32  }
0x34d: {  	s1 =	rddreg [dreg:$0x1];
	p0 =	sne.s32 s2, $0x0  }
0x34e: {  	s3 =	rddreg [dreg:$0x2];
	[bflag:$0x3] =	sbarrier.arrive $0xFFFF;
	s2 =	simm.s32 @!p0 $0x1C07  }
0x34f: {  	[timem:s3], [sflag:s2] =	dma.local @!p0 [hbm:s0], s1  }
0x350: {  	s0 =	simm.s32 @!p0 $0x7  }
0x351: {  	_ =	swait.ge @!p0 [sflag:s0], s1  }
0x352: {  	s1 =	ssub.s32 @!p0 $0x0, s1;
	[sflag:s0] =	ssyncset.done @!p0 $0x0  }
0x353: {  	[sflag:s0] =	ssyncadd.s32 @!p0 s1  }
0x354: {  	[bflag:$0x3] =	sbarrier.arrive $0xFFFF  }
0x355: {  	_ =	shalt  }

</sc_bundles>
